<compile_context>
chip_gen: v7x
topology: tpu7x:2x2x1
jax: 0.10.2.dev20260603
libtpu: 0.0.44.dev20260713+nightly
codegen_flags: <defaults>
</compile_context>

<pallas_src>
import functools

import jax
import jax.numpy as jnp
from jax import lax
from jax.experimental import pallas as pl
from jax.experimental.pallas import tpu as pltpu
from jax.experimental.pallas import tpu_sc as plsc

_CH = 32
_NB = 4
_UNROLL = 1


def _permute_columns_sc(x, permutation):
  R, F = x.shape
  NC, NS, L = 2, 16, 16
  NW = NC * NS
  rows_per_w = R // NW
  CH, NB = _CH, _NB
  n_chunks = rows_per_w // CH
  n_groups = F // L

  mesh = plsc.VectorSubcoreMesh(core_axis_name="c", subcore_axis_name="s")

  @functools.partial(
      pl.kernel,
      mesh=mesh,
      compiler_params=pltpu.CompilerParams(needs_layout_passes=False),
      out_type=jax.ShapeDtypeStruct((R, F), x.dtype),
      scratch_types=[
          pltpu.VMEM((F,), jnp.int32),
          [pltpu.VMEM((CH, F), x.dtype) for _ in range(NB)],
          [pltpu.VMEM((CH, F), x.dtype) for _ in range(NB)],
          [pltpu.SemaphoreType.DMA for _ in range(NB)],
          [pltpu.SemaphoreType.DMA for _ in range(NB)],
      ],
  )
  def k(x_hbm, perm_hbm, out_hbm, perm_v, in_v, out_v, in_sem, out_sem):
    wid = lax.axis_index("c") * NS + lax.axis_index("s")
    base = wid * rows_per_w

    def in_copy(c, b):
      r0 = base + c * CH
      return pltpu.make_async_copy(
          x_hbm.at[pl.ds(r0, CH)], in_v[b], in_sem[b])

    def out_copy(c, b):
      r0 = base + c * CH
      return pltpu.make_async_copy(
          out_v[b], out_hbm.at[pl.ds(r0, CH)], out_sem[b])

    for b in range(NB):
      in_copy(b, b).start()
    pltpu.sync_copy(perm_hbm, perm_v)
    idxs = [perm_v[pl.ds(g * L, L)] for g in range(n_groups)]

    def chunk_ring(cc, carry):
      for b in range(NB):
        c = cc * NB + b
        in_copy(c, b).wait()

        @pl.when(c >= NB)
        def _():
          out_copy(c - NB, b).wait()

        @plsc.parallel_loop(0, CH, unroll=_UNROLL)
        def row_body(i):
          row = jnp.full((L,), i, dtype=jnp.int32)
          for g in range(n_groups):
            out_v[b][i, pl.ds(g * L, L)] = plsc.load_gather(
                in_v[b], [row, idxs[g]])

        out_copy(c, b).start()

        @pl.when(c + NB < n_chunks)
        def _():
          in_copy(c + NB, b).start()

      return carry

    lax.fori_loop(0, n_chunks // NB, chunk_ring, 0)

    for b in range(NB):
      out_copy(n_chunks - NB + b, b).wait()

  return k(x, permutation)


def kernel(x, permutation):
  return _permute_columns_sc(x, permutation)

# --- scband reference (transcript-rebuilt; emitter-appended) ---
"""Pipeline reference for scband-permutations-32384053412637 (READ-ONLY COPY).

The authoritative reference and input builder live on the scoring server;
editing this copy changes nothing except your own understanding.
"""

import jax, jax.numpy as jnp
import numpy as np

N_ROWS = 65536
N_FEAT = 256


def setup_inputs(seed: int = 0) -> dict:
    key = jax.random.key(seed)
    x = jax.random.normal(key, (N_ROWS, N_FEAT), dtype=jnp.float32)
    # fixed permutation buffer registered at module init (reversed arange)
    permutation = jnp.arange(N_FEAT - 1, -1, -1, dtype=jnp.int32)
    return {"x": x, "permutation": permutation}


def reference(x, permutation):
    # Permutations.forward with logpx=None, reverse=False:
    #   y = torch.index_select(x, dim=1, permutation); logabsdet discarded
    y = jnp.take(x, permutation, axis=1)
    return y

if __name__ == "__main__":
    import jax
    _d = setup_inputs()
    print(jax.jit(kernel)(*tuple(_d.values())))

</pallas_src>

<mosaic_0001>
#map = affine_map<(d0, d1) -> (0, 0)>
#map1 = affine_map<(d0, d1) -> (0)>
module attributes {stable_mosaic.version = 14 : i64} {
  func.func @k(%arg0: i32, %arg1: i32, %arg2: memref<65536x256xf32, #tpu.memory_space<hbm>>, %arg3: memref<256xi32, #tpu.memory_space<hbm>>, %arg4: memref<65536x256xf32, #tpu.memory_space<hbm>>, %arg5: memref<256xi32, #tpu.memory_space<vmem>>, %arg6: memref<32x256xf32, #tpu.memory_space<vmem>>, %arg7: memref<32x256xf32, #tpu.memory_space<vmem>>, %arg8: memref<32x256xf32, #tpu.memory_space<vmem>>, %arg9: memref<32x256xf32, #tpu.memory_space<vmem>>, %arg10: memref<32x256xf32, #tpu.memory_space<vmem>>, %arg11: memref<32x256xf32, #tpu.memory_space<vmem>>, %arg12: memref<32x256xf32, #tpu.memory_space<vmem>>, %arg13: memref<32x256xf32, #tpu.memory_space<vmem>>, %arg14: memref<!tpu.dma_semaphore, #tpu.memory_space<semaphore_mem>>, %arg15: memref<!tpu.dma_semaphore, #tpu.memory_space<semaphore_mem>>, %arg16: memref<!tpu.dma_semaphore, #tpu.memory_space<semaphore_mem>>, %arg17: memref<!tpu.dma_semaphore, #tpu.memory_space<semaphore_mem>>, %arg18: memref<!tpu.dma_semaphore, #tpu.memory_space<semaphore_mem>>, %arg19: memref<!tpu.dma_semaphore, #tpu.memory_space<semaphore_mem>>, %arg20: memref<!tpu.dma_semaphore, #tpu.memory_space<semaphore_mem>>, %arg21: memref<!tpu.dma_semaphore, #tpu.memory_space<semaphore_mem>>) attributes {dimension_semantics = [#tpu.dimension_semantics<core_parallel>, #tpu.dimension_semantics<subcore_parallel>], iteration_bounds = array<i64: 2, 16>, scalar_prefetch = 0 : i64, scratch_operands = 17 : i64, tpu.core_type = #tpu.core_type<sc_vector_subcore>, window_params = [{transform_indices = #map}, {transform_indices = #map1}, {transform_indices = #map}]} {
    %mul3A = arith.constant 16 : i32
    %mul3A_0 = arith.muli %arg0, %mul3A : i32
    %add3A = arith.addi %mul3A_0, %arg1 : i32
    %mul3A_1 = arith.constant 2048 : i32
    %mul3A_2 = arith.muli %add3A, %mul3A_1 : i32
    %add3A_3 = arith.constant 0 : i32
    %add3A_4 = arith.addi %mul3A_2, %add3A_3 : i32
    %dma_start3A = arith.constant 0 : i32
    %dma_start3A_5 = tpu.memref_slice %arg2[%add3A_4, %dma_start3A] : memref<65536x256xf32, #tpu.memory_space<hbm>> -> memref<32x256xf32, #tpu.memory_space<hbm>>
    %dma_start3A_6 = arith.constant 0 : i32
    %dma_start3A_7 = tpu.memref_slice %arg2[%add3A_4, %dma_start3A_6] : memref<65536x256xf32, #tpu.memory_space<hbm>> -> memref<32x256xf32, #tpu.memory_space<hbm>>
    tpu.enqueue_dma source(%dma_start3A_7 : memref<32x256xf32, #tpu.memory_space<hbm>>) target(%arg6 : memref<32x256xf32, #tpu.memory_space<vmem>>) target_semaphore(%arg14 : memref<!tpu.dma_semaphore, #tpu.memory_space<semaphore_mem>>)
    %add3A_8 = arith.constant 32 : i32
    %add3A_9 = arith.addi %mul3A_2, %add3A_8 : i32
    %dma_start3A_10 = arith.constant 0 : i32
    %dma_start3A_11 = tpu.memref_slice %arg2[%add3A_9, %dma_start3A_10] : memref<65536x256xf32, #tpu.memory_space<hbm>> -> memref<32x256xf32, #tpu.memory_space<hbm>>
    %dma_start3A_12 = arith.constant 0 : i32
    %dma_start3A_13 = tpu.memref_slice %arg2[%add3A_9, %dma_start3A_12] : memref<65536x256xf32, #tpu.memory_space<hbm>> -> memref<32x256xf32, #tpu.memory_space<hbm>>
    tpu.enqueue_dma source(%dma_start3A_13 : memref<32x256xf32, #tpu.memory_space<hbm>>) target(%arg7 : memref<32x256xf32, #tpu.memory_space<vmem>>) target_semaphore(%arg15 : memref<!tpu.dma_semaphore, #tpu.memory_space<semaphore_mem>>)
    %add3A_14 = arith.constant 64 : i32
    %add3A_15 = arith.addi %mul3A_2, %add3A_14 : i32
    %dma_start3A_16 = arith.constant 0 : i32
    %dma_start3A_17 = tpu.memref_slice %arg2[%add3A_15, %dma_start3A_16] : memref<65536x256xf32, #tpu.memory_space<hbm>> -> memref<32x256xf32, #tpu.memory_space<hbm>>
    %dma_start3A_18 = arith.constant 0 : i32
    %dma_start3A_19 = tpu.memref_slice %arg2[%add3A_15, %dma_start3A_18] : memref<65536x256xf32, #tpu.memory_space<hbm>> -> memref<32x256xf32, #tpu.memory_space<hbm>>
    tpu.enqueue_dma source(%dma_start3A_19 : memref<32x256xf32, #tpu.memory_space<hbm>>) target(%arg8 : memref<32x256xf32, #tpu.memory_space<vmem>>) target_semaphore(%arg16 : memref<!tpu.dma_semaphore, #tpu.memory_space<semaphore_mem>>)
    %add3A_20 = arith.constant 96 : i32
    %add3A_21 = arith.addi %mul3A_2, %add3A_20 : i32
    %dma_start3A_22 = arith.constant 0 : i32
    %dma_start3A_23 = tpu.memref_slice %arg2[%add3A_21, %dma_start3A_22] : memref<65536x256xf32, #tpu.memory_space<hbm>> -> memref<32x256xf32, #tpu.memory_space<hbm>>
    %dma_start3A_24 = arith.constant 0 : i32
    %dma_start3A_25 = tpu.memref_slice %arg2[%add3A_21, %dma_start3A_24] : memref<65536x256xf32, #tpu.memory_space<hbm>> -> memref<32x256xf32, #tpu.memory_space<hbm>>
    tpu.enqueue_dma source(%dma_start3A_25 : memref<32x256xf32, #tpu.memory_space<hbm>>) target(%arg9 : memref<32x256xf32, #tpu.memory_space<vmem>>) target_semaphore(%arg17 : memref<!tpu.dma_semaphore, #tpu.memory_space<semaphore_mem>>)
    "tpu.region"() ({
      %run_scoped3A = tpu.sem_alloc : memref<!tpu.dma_semaphore, #tpu.memory_space<semaphore_mem>>
      tpu.enqueue_dma source(%arg3 : memref<256xi32, #tpu.memory_space<hbm>>) target(%arg5 : memref<256xi32, #tpu.memory_space<vmem>>) target_semaphore(%run_scoped3A : memref<!tpu.dma_semaphore, #tpu.memory_space<semaphore_mem>>)
      tpu.wait_dma2 semaphore(%run_scoped3A : memref<!tpu.dma_semaphore, #tpu.memory_space<semaphore_mem>>) src(%arg3 : memref<256xi32, #tpu.memory_space<hbm>>) dst(%arg5 : memref<256xi32, #tpu.memory_space<vmem>>)
      tpu.yield
    }) : () -> ()
    %get3A = arith.constant 0 : index
    %get3A_26 = tpu.vector_load %arg5[%get3A] {strides = array<i32>} : memref<256xi32, #tpu.memory_space<vmem>>, vector<16xi32>,
    %get3A_27 = arith.constant 16 : index
    %get3A_28 = tpu.vector_load %arg5[%get3A_27] {strides = array<i32>} : memref<256xi32, #tpu.memory_space<vmem>>, vector<16xi32>,
    %get3A_29 = arith.constant 32 : index
    %get3A_30 = tpu.vector_load %arg5[%get3A_29] {strides = array<i32>} : memref<256xi32, #tpu.memory_space<vmem>>, vector<16xi32>,
    %get3A_31 = arith.constant 48 : index
    %get3A_32 = tpu.vector_load %arg5[%get3A_31] {strides = array<i32>} : memref<256xi32, #tpu.memory_space<vmem>>, vector<16xi32>,
    %get3A_33 = arith.constant 64 : index
    %get3A_34 = tpu.vector_load %arg5[%get3A_33] {strides = array<i32>} : memref<256xi32, #tpu.memory_space<vmem>>, vector<16xi32>,
    %get3A_35 = arith.constant 80 : index
    %get3A_36 = tpu.vector_load %arg5[%get3A_35] {strides = array<i32>} : memref<256xi32, #tpu.memory_space<vmem>>, vector<16xi32>,
    %get3A_37 = arith.constant 96 : index
    %get3A_38 = tpu.vector_load %arg5[%get3A_37] {strides = array<i32>} : memref<256xi32, #tpu.memory_space<vmem>>, vector<16xi32>,
    %get3A_39 = arith.constant 112 : index
    %get3A_40 = tpu.vector_load %arg5[%get3A_39] {strides = array<i32>} : memref<256xi32, #tpu.memory_space<vmem>>, vector<16xi32>,
    %get3A_41 = arith.constant 128 : index
    %get3A_42 = tpu.vector_load %arg5[%get3A_41] {strides = array<i32>} : memref<256xi32, #tpu.memory_space<vmem>>, vector<16xi32>,
    %get3A_43 = arith.constant 144 : index
    %get3A_44 = tpu.vector_load %arg5[%get3A_43] {strides = array<i32>} : memref<256xi32, #tpu.memory_space<vmem>>, vector<16xi32>,
    %get3A_45 = arith.constant 160 : index
    %get3A_46 = tpu.vector_load %arg5[%get3A_45] {strides = array<i32>} : memref<256xi32, #tpu.memory_space<vmem>>, vector<16xi32>,
    %get3A_47 = arith.constant 176 : index
    %get3A_48 = tpu.vector_load %arg5[%get3A_47] {strides = array<i32>} : memref<256xi32, #tpu.memory_space<vmem>>, vector<16xi32>,
    %get3A_49 = arith.constant 192 : index
    %get3A_50 = tpu.vector_load %arg5[%get3A_49] {strides = array<i32>} : memref<256xi32, #tpu.memory_space<vmem>>, vector<16xi32>,
    %get3A_51 = arith.constant 208 : index
    %get3A_52 = tpu.vector_load %arg5[%get3A_51] {strides = array<i32>} : memref<256xi32, #tpu.memory_space<vmem>>, vector<16xi32>,
    %get3A_53 = arith.constant 224 : index
    %get3A_54 = tpu.vector_load %arg5[%get3A_53] {strides = array<i32>} : memref<256xi32, #tpu.memory_space<vmem>>, vector<16xi32>,
    %get3A_55 = arith.constant 240 : index
    %get3A_56 = tpu.vector_load %arg5[%get3A_55] {strides = array<i32>} : memref<256xi32, #tpu.memory_space<vmem>>, vector<16xi32>,
    %scan3A = arith.constant 0 : i32
    %scan3A_57 = arith.constant 0 : i32
    %scan3A_58 = arith.constant 16 : i32
    %scan3A_59 = arith.addi %scan3A_57, %scan3A_58 : i32
    %scan3A_60 = arith.constant 1 : i32
    scf.for %scan3A_85 = %scan3A_57 to %scan3A_59 step %scan3A_60  : i32 {
      %mul3A_86 = arith.constant 4 : i32
      %mul3A_87 = arith.muli %scan3A_85, %mul3A_86 : i32
      %add3A_88 = arith.constant 0 : i32
      %add3A_89 = arith.addi %mul3A_87, %add3A_88 : i32
      %mul3A_90 = arith.constant 32 : i32
      %mul3A_91 = arith.muli %add3A_89, %mul3A_90 : i32
      %add3A_92 = arith.addi %mul3A_2, %mul3A_91 : i32
      %dma_wait3A_93 = arith.constant 0 : i32
      %dma_wait3A_94 = tpu.memref_slice %arg2[%add3A_92, %dma_wait3A_93] : memref<65536x256xf32, #tpu.memory_space<hbm>> -> memref<32x256xf32, #tpu.memory_space<hbm>>
      %dma_wait3A_95 = arith.constant 0 : i32
      %dma_wait3A_96 = tpu.memref_slice %arg2[%add3A_92, %dma_wait3A_95] : memref<65536x256xf32, #tpu.memory_space<hbm>> -> memref<32x256xf32, #tpu.memory_space<hbm>>
      tpu.wait_dma2 semaphore(%arg14 : memref<!tpu.dma_semaphore, #tpu.memory_space<semaphore_mem>>) src(%dma_wait3A_96 : memref<32x256xf32, #tpu.memory_space<hbm>>) dst(%arg6 : memref<32x256xf32, #tpu.memory_space<vmem>>)
      %ge3A = arith.constant 4 : i32
      %ge3A_97 = arith.cmpi sge, %add3A_89, %ge3A : i32
      %convert_element_type3A = arith.extui %ge3A_97 : i1 to i32
      %cond3A = arith.constant 0 : i32
      %cond3A_98 = arith.cmpi ne, %convert_element_type3A, %cond3A : i32
      scf.if %cond3A_98 {
        %sub3A = arith.constant 4 : i32
        %sub3A_213 = arith.subi %add3A_89, %sub3A : i32
        %mul3A_214 = arith.constant 32 : i32
        %mul3A_215 = arith.muli %sub3A_213, %mul3A_214 : i32
        %add3A_216 = arith.addi %mul3A_2, %mul3A_215 : i32
        %dma_wait3A_217 = arith.constant 0 : i32
        %dma_wait3A_218 = tpu.memref_slice %arg4[%add3A_216, %dma_wait3A_217] : memref<65536x256xf32, #tpu.memory_space<hbm>> -> memref<32x256xf32, #tpu.memory_space<hbm>>
        %dma_wait3A_219 = arith.constant 0 : i32
        %dma_wait3A_220 = tpu.memref_slice %arg4[%add3A_216, %dma_wait3A_219] : memref<65536x256xf32, #tpu.memory_space<hbm>> -> memref<32x256xf32, #tpu.memory_space<hbm>>
        tpu.wait_dma2 semaphore(%arg18 : memref<!tpu.dma_semaphore, #tpu.memory_space<semaphore_mem>>) src(%arg10 : memref<32x256xf32, #tpu.memory_space<vmem>>) dst(%dma_wait3A_220 : memref<32x256xf32, #tpu.memory_space<hbm>>)
      } else {
      }
      %parallel_loop3A = arith.constant 0 : i32
      %parallel_loop3A_99 = arith.constant 32 : i32
      %parallel_loop3A_100 = arith.constant 1 : i32
      scf.for %parallel_loop3A_213 = %parallel_loop3A to %parallel_loop3A_99 step %parallel_loop3A_100  : i32 {
        %parallel_loop3A_214 = vector.broadcast %parallel_loop3A_213 : i32 to vector<16xi32>
        %parallel_loop3A_215 = tpu.vector_load_idx %arg6[%parallel_loop3A_214, %get3A_26] : memref<32x256xf32, #tpu.memory_space<vmem>>[vector<16xi32>, vector<16xi32>], vector<16xf32>,
        %parallel_loop3A_216 = arith.index_cast %parallel_loop3A_213 : i32 to index
        %parallel_loop3A_217 = arith.constant 0 : index
        %parallel_loop3A_218 = tpu.vector_load %arg10[%parallel_loop3A_216, %parallel_loop3A_217] {strides = array<i32>} : memref<32x256xf32, #tpu.memory_space<vmem>>, vector<16xf32>,
        tpu.vector_store %arg10[%parallel_loop3A_216, %parallel_loop3A_217], %parallel_loop3A_215 {strides = array<i32>} : memref<32x256xf32, #tpu.memory_space<vmem>>, vector<16xf32>,
        %parallel_loop3A_219 = tpu.vector_load_idx %arg6[%parallel_loop3A_214, %get3A_28] : memref<32x256xf32, #tpu.memory_space<vmem>>[vector<16xi32>, vector<16xi32>], vector<16xf32>,
        %parallel_loop3A_220 = arith.index_cast %parallel_loop3A_213 : i32 to index
        %parallel_loop3A_221 = arith.constant 16 : index
        %parallel_loop3A_222 = tpu.vector_load %arg10[%parallel_loop3A_220, %parallel_loop3A_221] {strides = array<i32>} : memref<32x256xf32, #tpu.memory_space<vmem>>, vector<16xf32>,
        tpu.vector_store %arg10[%parallel_loop3A_220, %parallel_loop3A_221], %parallel_loop3A_219 {strides = array<i32>} : memref<32x256xf32, #tpu.memory_space<vmem>>, vector<16xf32>,
        %parallel_loop3A_223 = tpu.vector_load_idx %arg6[%parallel_loop3A_214, %get3A_30] : memref<32x256xf32, #tpu.memory_space<vmem>>[vector<16xi32>, vector<16xi32>], vector<16xf32>,
        %parallel_loop3A_224 = arith.index_cast %parallel_loop3A_213 : i32 to index
        %parallel_loop3A_225 = arith.constant 32 : index
        %parallel_loop3A_226 = tpu.vector_load %arg10[%parallel_loop3A_224, %parallel_loop3A_225] {strides = array<i32>} : memref<32x256xf32, #tpu.memory_space<vmem>>, vector<16xf32>,
        tpu.vector_store %arg10[%parallel_loop3A_224, %parallel_loop3A_225], %parallel_loop3A_223 {strides = array<i32>} : memref<32x256xf32, #tpu.memory_space<vmem>>, vector<16xf32>,
        %parallel_loop3A_227 = tpu.vector_load_idx %arg6[%parallel_loop3A_214, %get3A_32] : memref<32x256xf32, #tpu.memory_space<vmem>>[vector<16xi32>, vector<16xi32>], vector<16xf32>,
        %parallel_loop3A_228 = arith.index_cast %parallel_loop3A_213 : i32 to index
        %parallel_loop3A_229 = arith.constant 48 : index
        %parallel_loop3A_230 = tpu.vector_load %arg10[%parallel_loop3A_228, %parallel_loop3A_229] {strides = array<i32>} : memref<32x256xf32, #tpu.memory_space<vmem>>, vector<16xf32>,
        tpu.vector_store %arg10[%parallel_loop3A_228, %parallel_loop3A_229], %parallel_loop3A_227 {strides = array<i32>} : memref<32x256xf32, #tpu.memory_space<vmem>>, vector<16xf32>,
        %parallel_loop3A_231 = tpu.vector_load_idx %arg6[%parallel_loop3A_214, %get3A_34] : memref<32x256xf32, #tpu.memory_space<vmem>>[vector<16xi32>, vector<16xi32>], vector<16xf32>,
        %parallel_loop3A_232 = arith.index_cast %parallel_loop3A_213 : i32 to index
        %parallel_loop3A_233 = arith.constant 64 : index
        %parallel_loop3A_234 = tpu.vector_load %arg10[%parallel_loop3A_232, %parallel_loop3A_233] {strides = array<i32>} : memref<32x256xf32, #tpu.memory_space<vmem>>, vector<16xf32>,
        tpu.vector_store %arg10[%parallel_loop3A_232, %parallel_loop3A_233], %parallel_loop3A_231 {strides = array<i32>} : memref<32x256xf32, #tpu.memory_space<vmem>>, vector<16xf32>,
        %parallel_loop3A_235 = tpu.vector_load_idx %arg6[%parallel_loop3A_214, %get3A_36] : memref<32x256xf32, #tpu.memory_space<vmem>>[vector<16xi32>, vector<16xi32>], vector<16xf32>,
        %parallel_loop3A_236 = arith.index_cast %parallel_loop3A_213 : i32 to index
        %parallel_loop3A_237 = arith.constant 80 : index
        %parallel_loop3A_238 = tpu.vector_load %arg10[%parallel_loop3A_236, %parallel_loop3A_237] {strides = array<i32>} : memref<32x256xf32, #tpu.memory_space<vmem>>, vector<16xf32>,
        tpu.vector_store %arg10[%parallel_loop3A_236, %parallel_loop3A_237], %parallel_loop3A_235 {strides = array<i32>} : memref<32x256xf32, #tpu.memory_space<vmem>>, vector<16xf32>,
        %parallel_loop3A_239 = tpu.vector_load_idx %arg6[%parallel_loop3A_214, %get3A_38] : memref<32x256xf32, #tpu.memory_space<vmem>>[vector<16xi32>, vector<16xi32>], vector<16xf32>,
        %parallel_loop3A_240 = arith.index_cast %parallel_loop3A_213 : i32 to index
        %parallel_loop3A_241 = arith.constant 96 : index
        %parallel_loop3A_242 = tpu.vector_load %arg10[%parallel_loop3A_240, %parallel_loop3A_241] {strides = array<i32>} : memref<32x256xf32, #tpu.memory_space<vmem>>, vector<16xf32>,
        tpu.vector_store %arg10[%parallel_loop3A_240, %parallel_loop3A_241], %parallel_loop3A_239 {strides = array<i32>} : memref<32x256xf32, #tpu.memory_space<vmem>>, vector<16xf32>,
        %parallel_loop3A_243 = tpu.vector_load_idx %arg6[%parallel_loop3A_214, %get3A_40] : memref<32x256xf32, #tpu.memory_space<vmem>>[vector<16xi32>, vector<16xi32>], vector<16xf32>,
        %parallel_loop3A_244 = arith.index_cast %parallel_loop3A_213 : i32 to index
        %parallel_loop3A_245 = arith.constant 112 : index
        %parallel_loop3A_246 = tpu.vector_load %arg10[%parallel_loop3A_244, %parallel_loop3A_245] {strides = array<i32>} : memref<32x256xf32, #tpu.memory_space<vmem>>, vector<16xf32>,
        tpu.vector_store %arg10[%parallel_loop3A_244, %parallel_loop3A_245], %parallel_loop3A_243 {strides = array<i32>} : memref<32x256xf32, #tpu.memory_space<vmem>>, vector<16xf32>,
        %parallel_loop3A_247 = tpu.vector_load_idx %arg6[%parallel_loop3A_214, %get3A_42] : memref<32x256xf32, #tpu.memory_space<vmem>>[vector<16xi32>, vector<16xi32>], vector<16xf32>,
        %parallel_loop3A_248 = arith.index_cast %parallel_loop3A_213 : i32 to index
        %parallel_loop3A_249 = arith.constant 128 : index
        %parallel_loop3A_250 = tpu.vector_load %arg10[%parallel_loop3A_248, %parallel_loop3A_249] {strides = array<i32>} : memref<32x256xf32, #tpu.memory_space<vmem>>, vector<16xf32>,
        tpu.vector_store %arg10[%parallel_loop3A_248, %parallel_loop3A_249], %parallel_loop3A_247 {strides = array<i32>} : memref<32x256xf32, #tpu.memory_space<vmem>>, vector<16xf32>,
        %parallel_loop3A_251 = tpu.vector_load_idx %arg6[%parallel_loop3A_214, %get3A_44] : memref<32x256xf32, #tpu.memory_space<vmem>>[vector<16xi32>, vector<16xi32>], vector<16xf32>,
        %parallel_loop3A_252 = arith.index_cast %parallel_loop3A_213 : i32 to index
        %parallel_loop3A_253 = arith.constant 144 : index
        %parallel_loop3A_254 = tpu.vector_load %arg10[%parallel_loop3A_252, %parallel_loop3A_253] {strides = array<i32>} : memref<32x256xf32, #tpu.memory_space<vmem>>, vector<16xf32>,
        tpu.vector_store %arg10[%parallel_loop3A_252, %parallel_loop3A_253], %parallel_loop3A_251 {strides = array<i32>} : memref<32x256xf32, #tpu.memory_space<vmem>>, vector<16xf32>,
        %parallel_loop3A_255 = tpu.vector_load_idx %arg6[%parallel_loop3A_214, %get3A_46] : memref<32x256xf32, #tpu.memory_space<vmem>>[vector<16xi32>, vector<16xi32>], vector<16xf32>,
        %parallel_loop3A_256 = arith.index_cast %parallel_loop3A_213 : i32 to index
        %parallel_loop3A_257 = arith.constant 160 : index
        %parallel_loop3A_258 = tpu.vector_load %arg10[%parallel_loop3A_256, %parallel_loop3A_257] {strides = array<i32>} : memref<32x256xf32, #tpu.memory_space<vmem>>, vector<16xf32>,
        tpu.vector_store %arg10[%parallel_loop3A_256, %parallel_loop3A_257], %parallel_loop3A_255 {strides = array<i32>} : memref<32x256xf32, #tpu.memory_space<vmem>>, vector<16xf32>,
        %parallel_loop3A_259 = tpu.vector_load_idx %arg6[%parallel_loop3A_214, %get3A_48] : memref<32x256xf32, #tpu.memory_space<vmem>>[vector<16xi32>, vector<16xi32>], vector<16xf32>,
        %parallel_loop3A_260 = arith.index_cast %parallel_loop3A_213 : i32 to index
        %parallel_loop3A_261 = arith.constant 176 : index
        %parallel_loop3A_262 = tpu.vector_load %arg10[%parallel_loop3A_260, %parallel_loop3A_261] {strides = array<i32>} : memref<32x256xf32, #tpu.memory_space<vmem>>, vector<16xf32>,
        tpu.vector_store %arg10[%parallel_loop3A_260, %parallel_loop3A_261], %parallel_loop3A_259 {strides = array<i32>} : memref<32x256xf32, #tpu.memory_space<vmem>>, vector<16xf32>,
        %parallel_loop3A_263 = tpu.vector_load_idx %arg6[%parallel_loop3A_214, %get3A_50] : memref<32x256xf32, #tpu.memory_space<vmem>>[vector<16xi32>, vector<16xi32>], vector<16xf32>,
        %parallel_loop3A_264 = arith.index_cast %parallel_loop3A_213 : i32 to index
        %parallel_loop3A_265 = arith.constant 192 : index
        %parallel_loop3A_266 = tpu.vector_load %arg10[%parallel_loop3A_264, %parallel_loop3A_265] {strides = array<i32>} : memref<32x256xf32, #tpu.memory_space<vmem>>, vector<16xf32>,
        tpu.vector_store %arg10[%parallel_loop3A_264, %parallel_loop3A_265], %parallel_loop3A_263 {strides = array<i32>} : memref<32x256xf32, #tpu.memory_space<vmem>>, vector<16xf32>,
        %parallel_loop3A_267 = tpu.vector_load_idx %arg6[%parallel_loop3A_214, %get3A_52] : memref<32x256xf32, #tpu.memory_space<vmem>>[vector<16xi32>, vector<16xi32>], vector<16xf32>,
        %parallel_loop3A_268 = arith.index_cast %parallel_loop3A_213 : i32 to index
        %parallel_loop3A_269 = arith.constant 208 : index
        %parallel_loop3A_270 = tpu.vector_load %arg10[%parallel_loop3A_268, %parallel_loop3A_269] {strides = array<i32>} : memref<32x256xf32, #tpu.memory_space<vmem>>, vector<16xf32>,
        tpu.vector_store %arg10[%parallel_loop3A_268, %parallel_loop3A_269], %parallel_loop3A_267 {strides = array<i32>} : memref<32x256xf32, #tpu.memory_space<vmem>>, vector<16xf32>,
        %parallel_loop3A_271 = tpu.vector_load_idx %arg6[%parallel_loop3A_214, %get3A_54] : memref<32x256xf32, #tpu.memory_space<vmem>>[vector<16xi32>, vector<16xi32>], vector<16xf32>,
        %parallel_loop3A_272 = arith.index_cast %parallel_loop3A_213 : i32 to index
        %parallel_loop3A_273 = arith.constant 224 : index
        %parallel_loop3A_274 = tpu.vector_load %arg10[%parallel_loop3A_272, %parallel_loop3A_273] {strides = array<i32>} : memref<32x256xf32, #tpu.memory_space<vmem>>, vector<16xf32>,
        tpu.vector_store %arg10[%parallel_loop3A_272, %parallel_loop3A_273], %parallel_loop3A_271 {strides = array<i32>} : memref<32x256xf32, #tpu.memory_space<vmem>>, vector<16xf32>,
        %parallel_loop3A_275 = tpu.vector_load_idx %arg6[%parallel_loop3A_214, %get3A_56] : memref<32x256xf32, #tpu.memory_space<vmem>>[vector<16xi32>, vector<16xi32>], vector<16xf32>,
        %parallel_loop3A_276 = arith.index_cast %parallel_loop3A_213 : i32 to index
        %parallel_loop3A_277 = arith.constant 240 : index
        %parallel_loop3A_278 = tpu.vector_load %arg10[%parallel_loop3A_276, %parallel_loop3A_277] {strides = array<i32>} : memref<32x256xf32, #tpu.memory_space<vmem>>, vector<16xf32>,
        tpu.vector_store %arg10[%parallel_loop3A_276, %parallel_loop3A_277], %parallel_loop3A_275 {strides = array<i32>} : memref<32x256xf32, #tpu.memory_space<vmem>>, vector<16xf32>,
      } {sc.loop_unroll_factor = 1 : i64, sc.parallel_access}
      %mul3A_101 = arith.constant 32 : i32
      %mul3A_102 = arith.muli %add3A_89, %mul3A_101 : i32
      %add3A_103 = arith.addi %mul3A_2, %mul3A_102 : i32
      %dma_start3A_104 = arith.constant 0 : i32
      %dma_start3A_105 = tpu.memref_slice %arg4[%add3A_103, %dma_start3A_104] : memref<65536x256xf32, #tpu.memory_space<hbm>> -> memref<32x256xf32, #tpu.memory_space<hbm>>
      %dma_start3A_106 = arith.constant 0 : i32
      %dma_start3A_107 = tpu.memref_slice %arg4[%add3A_103, %dma_start3A_106] : memref<65536x256xf32, #tpu.memory_space<hbm>> -> memref<32x256xf32, #tpu.memory_space<hbm>>
      tpu.enqueue_dma source(%arg10 : memref<32x256xf32, #tpu.memory_space<vmem>>) target(%dma_start3A_107 : memref<32x256xf32, #tpu.memory_space<hbm>>) target_semaphore(%arg18 : memref<!tpu.dma_semaphore, #tpu.memory_space<semaphore_mem>>)
      %add3A_108 = arith.constant 4 : i32
      %add3A_109 = arith.addi %add3A_89, %add3A_108 : i32
      %lt3A = arith.constant 64 : i32
      %lt3A_110 = arith.cmpi slt, %add3A_109, %lt3A : i32
      %convert_element_type3A_111 = arith.extui %lt3A_110 : i1 to i32
      %cond3A_112 = arith.constant 0 : i32
      %cond3A_113 = arith.cmpi ne, %convert_element_type3A_111, %cond3A_112 : i32
      scf.if %cond3A_113 {
        %add3A_213 = arith.constant 4 : i32
        %add3A_214 = arith.addi %add3A_89, %add3A_213 : i32
        %mul3A_215 = arith.constant 32 : i32
        %mul3A_216 = arith.muli %add3A_214, %mul3A_215 : i32
        %add3A_217 = arith.addi %mul3A_2, %mul3A_216 : i32
        %dma_start3A_218 = arith.constant 0 : i32
        %dma_start3A_219 = tpu.memref_slice %arg2[%add3A_217, %dma_start3A_218] : memref<65536x256xf32, #tpu.memory_space<hbm>> -> memref<32x256xf32, #tpu.memory_space<hbm>>
        %dma_start3A_220 = arith.constant 0 : i32
        %dma_start3A_221 = tpu.memref_slice %arg2[%add3A_217, %dma_start3A_220] : memref<65536x256xf32, #tpu.memory_space<hbm>> -> memref<32x256xf32, #tpu.memory_space<hbm>>
        tpu.enqueue_dma source(%dma_start3A_221 : memref<32x256xf32, #tpu.memory_space<hbm>>) target(%arg6 : memref<32x256xf32, #tpu.memory_space<vmem>>) target_semaphore(%arg14 : memref<!tpu.dma_semaphore, #tpu.memory_space<semaphore_mem>>)
      } else {
      }
      %mul3A_114 = arith.constant 4 : i32
      %mul3A_115 = arith.muli %scan3A_85, %mul3A_114 : i32
      %add3A_116 = arith.constant 1 : i32
      %add3A_117 = arith.addi %mul3A_115, %add3A_116 : i32
      %mul3A_118 = arith.constant 32 : i32
      %mul3A_119 = arith.muli %add3A_117, %mul3A_118 : i32
      %add3A_120 = arith.addi %mul3A_2, %mul3A_119 : i32
      %dma_wait3A_121 = arith.constant 0 : i32
      %dma_wait3A_122 = tpu.memref_slice %arg2[%add3A_120, %dma_wait3A_121] : memref<65536x256xf32, #tpu.memory_space<hbm>> -> memref<32x256xf32, #tpu.memory_space<hbm>>
      %dma_wait3A_123 = arith.constant 0 : i32
      %dma_wait3A_124 = tpu.memref_slice %arg2[%add3A_120, %dma_wait3A_123] : memref<65536x256xf32, #tpu.memory_space<hbm>> -> memref<32x256xf32, #tpu.memory_space<hbm>>
      tpu.wait_dma2 semaphore(%arg15 : memref<!tpu.dma_semaphore, #tpu.memory_space<semaphore_mem>>) src(%dma_wait3A_124 : memref<32x256xf32, #tpu.memory_space<hbm>>) dst(%arg7 : memref<32x256xf32, #tpu.memory_space<vmem>>)
      %ge3A_125 = arith.constant 4 : i32
      %ge3A_126 = arith.cmpi sge, %add3A_117, %ge3A_125 : i32
      %convert_element_type3A_127 = arith.extui %ge3A_126 : i1 to i32
      %cond3A_128 = arith.constant 0 : i32
      %cond3A_129 = arith.cmpi ne, %convert_element_type3A_127, %cond3A_128 : i32
      scf.if %cond3A_129 {
        %sub3A = arith.constant 4 : i32
        %sub3A_213 = arith.subi %add3A_117, %sub3A : i32
        %mul3A_214 = arith.constant 32 : i32
        %mul3A_215 = arith.muli %sub3A_213, %mul3A_214 : i32
        %add3A_216 = arith.addi %mul3A_2, %mul3A_215 : i32
        %dma_wait3A_217 = arith.constant 0 : i32
        %dma_wait3A_218 = tpu.memref_slice %arg4[%add3A_216, %dma_wait3A_217] : memref<65536x256xf32, #tpu.memory_space<hbm>> -> memref<32x256xf32, #tpu.memory_space<hbm>>
        %dma_wait3A_219 = arith.constant 0 : i32
        %dma_wait3A_220 = tpu.memref_slice %arg4[%add3A_216, %dma_wait3A_219] : memref<65536x256xf32, #tpu.memory_space<hbm>> -> memref<32x256xf32, #tpu.memory_space<hbm>>
        tpu.wait_dma2 semaphore(%arg19 : memref<!tpu.dma_semaphore, #tpu.memory_space<semaphore_mem>>) src(%arg11 : memref<32x256xf32, #tpu.memory_space<vmem>>) dst(%dma_wait3A_220 : memref<32x256xf32, #tpu.memory_space<hbm>>)
      } else {
      }
      %parallel_loop3A_130 = arith.constant 0 : i32
      %parallel_loop3A_131 = arith.constant 32 : i32
      %parallel_loop3A_132 = arith.constant 1 : i32
      scf.for %parallel_loop3A_213 = %parallel_loop3A_130 to %parallel_loop3A_131 step %parallel_loop3A_132  : i32 {
        %parallel_loop3A_214 = vector.broadcast %parallel_loop3A_213 : i32 to vector<16xi32>
        %parallel_loop3A_215 = tpu.vector_load_idx %arg7[%parallel_loop3A_214, %get3A_26] : memref<32x256xf32, #tpu.memory_space<vmem>>[vector<16xi32>, vector<16xi32>], vector<16xf32>,
        %parallel_loop3A_216 = arith.index_cast %parallel_loop3A_213 : i32 to index
        %parallel_loop3A_217 = arith.constant 0 : index
        %parallel_loop3A_218 = tpu.vector_load %arg11[%parallel_loop3A_216, %parallel_loop3A_217] {strides = array<i32>} : memref<32x256xf32, #tpu.memory_space<vmem>>, vector<16xf32>,
        tpu.vector_store %arg11[%parallel_loop3A_216, %parallel_loop3A_217], %parallel_loop3A_215 {strides = array<i32>} : memref<32x256xf32, #tpu.memory_space<vmem>>, vector<16xf32>,
        %parallel_loop3A_219 = tpu.vector_load_idx %arg7[%parallel_loop3A_214, %get3A_28] : memref<32x256xf32, #tpu.memory_space<vmem>>[vector<16xi32>, vector<16xi32>], vector<16xf32>,
        %parallel_loop3A_220 = arith.index_cast %parallel_loop3A_213 : i32 to index
        %parallel_loop3A_221 = arith.constant 16 : index
        %parallel_loop3A_222 = tpu.vector_load %arg11[%parallel_loop3A_220, %parallel_loop3A_221] {strides = array<i32>} : memref<32x256xf32, #tpu.memory_space<vmem>>, vector<16xf32>,
        tpu.vector_store %arg11[%parallel_loop3A_220, %parallel_loop3A_221], %parallel_loop3A_219 {strides = array<i32>} : memref<32x256xf32, #tpu.memory_space<vmem>>, vector<16xf32>,
        %parallel_loop3A_223 = tpu.vector_load_idx %arg7[%parallel_loop3A_214, %get3A_30] : memref<32x256xf32, #tpu.memory_space<vmem>>[vector<16xi32>, vector<16xi32>], vector<16xf32>,
        %parallel_loop3A_224 = arith.index_cast %parallel_loop3A_213 : i32 to index
        %parallel_loop3A_225 = arith.constant 32 : index
        %parallel_loop3A_226 = tpu.vector_load %arg11[%parallel_loop3A_224, %parallel_loop3A_225] {strides = array<i32>} : memref<32x256xf32, #tpu.memory_space<vmem>>, vector<16xf32>,
        tpu.vector_store %arg11[%parallel_loop3A_224, %parallel_loop3A_225], %parallel_loop3A_223 {strides = array<i32>} : memref<32x256xf32, #tpu.memory_space<vmem>>, vector<16xf32>,
        %parallel_loop3A_227 = tpu.vector_load_idx %arg7[%parallel_loop3A_214, %get3A_32] : memref<32x256xf32, #tpu.memory_space<vmem>>[vector<16xi32>, vector<16xi32>], vector<16xf32>,
        %parallel_loop3A_228 = arith.index_cast %parallel_loop3A_213 : i32 to index
        %parallel_loop3A_229 = arith.constant 48 : index
        %parallel_loop3A_230 = tpu.vector_load %arg11[%parallel_loop3A_228, %parallel_loop3A_229] {strides = array<i32>} : memref<32x256xf32, #tpu.memory_space<vmem>>, vector<16xf32>,
        tpu.vector_store %arg11[%parallel_loop3A_228, %parallel_loop3A_229], %parallel_loop3A_227 {strides = array<i32>} : memref<32x256xf32, #tpu.memory_space<vmem>>, vector<16xf32>,
        %parallel_loop3A_231 = tpu.vector_load_idx %arg7[%parallel_loop3A_214, %get3A_34] : memref<32x256xf32, #tpu.memory_space<vmem>>[vector<16xi32>, vector<16xi32>], vector<16xf32>,
        %parallel_loop3A_232 = arith.index_cast %parallel_loop3A_213 : i32 to index
        %parallel_loop3A_233 = arith.constant 64 : index
        %parallel_loop3A_234 = tpu.vector_load %arg11[%parallel_loop3A_232, %parallel_loop3A_233] {strides = array<i32>} : memref<32x256xf32, #tpu.memory_space<vmem>>, vector<16xf32>,
        tpu.vector_store %arg11[%parallel_loop3A_232, %parallel_loop3A_233], %parallel_loop3A_231 {strides = array<i32>} : memref<32x256xf32, #tpu.memory_space<vmem>>, vector<16xf32>,
        %parallel_loop3A_235 = tpu.vector_load_idx %arg7[%parallel_loop3A_214, %get3A_36] : memref<32x256xf32, #tpu.memory_space<vmem>>[vector<16xi32>, vector<16xi32>], vector<16xf32>,
        %parallel_loop3A_236 = arith.index_cast %parallel_loop3A_213 : i32 to index
        %parallel_loop3A_237 = arith.constant 80 : index
        %parallel_loop3A_238 = tpu.vector_load %arg11[%parallel_loop3A_236, %parallel_loop3A_237] {strides = array<i32>} : memref<32x256xf32, #tpu.memory_space<vmem>>, vector<16xf32>,
        tpu.vector_store %arg11[%parallel_loop3A_236, %parallel_loop3A_237], %parallel_loop3A_235 {strides = array<i32>} : memref<32x256xf32, #tpu.memory_space<vmem>>, vector<16xf32>,
        %parallel_loop3A_239 = tpu.vector_load_idx %arg7[%parallel_loop3A_214, %get3A_38] : memref<32x256xf32, #tpu.memory_space<vmem>>[vector<16xi32>, vector<16xi32>], vector<16xf32>,
        %parallel_loop3A_240 = arith.index_cast %parallel_loop3A_213 : i32 to index
        %parallel_loop3A_241 = arith.constant 96 : index
        %parallel_loop3A_242 = tpu.vector_load %arg11[%parallel_loop3A_240, %parallel_loop3A_241] {strides = array<i32>} : memref<32x256xf32, #tpu.memory_space<vmem>>, vector<16xf32>,
        tpu.vector_store %arg11[%parallel_loop3A_240, %parallel_loop3A_241], %parallel_loop3A_239 {strides = array<i32>} : memref<32x256xf32, #tpu.memory_space<vmem>>, vector<16xf32>,
        %parallel_loop3A_243 = tpu.vector_load_idx %arg7[%parallel_loop3A_214, %get3A_40] : memref<32x256xf32, #tpu.memory_space<vmem>>[vector<16xi32>, vector<16xi32>], vector<16xf32>,
        %parallel_loop3A_244 = arith.index_cast %parallel_loop3A_213 : i32 to index
        %parallel_loop3A_245 = arith.constant 112 : index
        %parallel_loop3A_246 = tpu.vector_load %arg11[%parallel_loop3A_244, %parallel_loop3A_245] {strides = array<i32>} : memref<32x256xf32, #tpu.memory_space<vmem>>, vector<16xf32>,
        tpu.vector_store %arg11[%parallel_loop3A_244, %parallel_loop3A_245], %parallel_loop3A_243 {strides = array<i32>} : memref<32x256xf32, #tpu.memory_space<vmem>>, vector<16xf32>,
        %parallel_loop3A_247 = tpu.vector_load_idx %arg7[%parallel_loop3A_214, %get3A_42] : memref<32x256xf32, #tpu.memory_space<vmem>>[vector<16xi32>, vector<16xi32>], vector<16xf32>,
        %parallel_loop3A_248 = arith.index_cast %parallel_loop3A_213 : i32 to index
        %parallel_loop3A_249 = arith.constant 128 : index
        %parallel_loop3A_250 = tpu.vector_load %arg11[%parallel_loop3A_248, %parallel_loop3A_249] {strides = array<i32>} : memref<32x256xf32, #tpu.memory_space<vmem>>, vector<16xf32>,
        tpu.vector_store %arg11[%parallel_loop3A_248, %parallel_loop3A_249], %parallel_loop3A_247 {strides = array<i32>} : memref<32x256xf32, #tpu.memory_space<vmem>>, vector<16xf32>,
        %parallel_loop3A_251 = tpu.vector_load_idx %arg7[%parallel_loop3A_214, %get3A_44] : memref<32x256xf32, #tpu.memory_space<vmem>>[vector<16xi32>, vector<16xi32>], vector<16xf32>,
        %parallel_loop3A_252 = arith.index_cast %parallel_loop3A_213 : i32 to index
        %parallel_loop3A_253 = arith.constant 144 : index
        %parallel_loop3A_254 = tpu.vector_load %arg11[%parallel_loop3A_252, %parallel_loop3A_253] {strides = array<i32>} : memref<32x256xf32, #tpu.memory_space<vmem>>, vector<16xf32>,
        tpu.vector_store %arg11[%parallel_loop3A_252, %parallel_loop3A_253], %parallel_loop3A_251 {strides = array<i32>} : memref<32x256xf32, #tpu.memory_space<vmem>>, vector<16xf32>,
        %parallel_loop3A_255 = tpu.vector_load_idx %arg7[%parallel_loop3A_214, %get3A_46] : memref<32x256xf32, #tpu.memory_space<vmem>>[vector<16xi32>, vector<16xi32>], vector<16xf32>,
        %parallel_loop3A_256 = arith.index_cast %parallel_loop3A_213 : i32 to index
        %parallel_loop3A_257 = arith.constant 160 : index
        %parallel_loop3A_258 = tpu.vector_load %arg11[%parallel_loop3A_256, %parallel_loop3A_257] {strides = array<i32>} : memref<32x256xf32, #tpu.memory_space<vmem>>, vector<16xf32>,
        tpu.vector_store %arg11[%parallel_loop3A_256, %parallel_loop3A_257], %parallel_loop3A_255 {strides = array<i32>} : memref<32x256xf32, #tpu.memory_space<vmem>>, vector<16xf32>,
        %parallel_loop3A_259 = tpu.vector_load_idx %arg7[%parallel_loop3A_214, %get3A_48] : memref<32x256xf32, #tpu.memory_space<vmem>>[vector<16xi32>, vector<16xi32>], vector<16xf32>,
        %parallel_loop3A_260 = arith.index_cast %parallel_loop3A_213 : i32 to index
        %parallel_loop3A_261 = arith.constant 176 : index
        %parallel_loop3A_262 = tpu.vector_load %arg11[%parallel_loop3A_260, %parallel_loop3A_261] {strides = array<i32>} : memref<32x256xf32, #tpu.memory_space<vmem>>, vector<16xf32>,
        tpu.vector_store %arg11[%parallel_loop3A_260, %parallel_loop3A_261], %parallel_loop3A_259 {strides = array<i32>} : memref<32x256xf32, #tpu.memory_space<vmem>>, vector<16xf32>,
        %parallel_loop3A_263 = tpu.vector_load_idx %arg7[%parallel_loop3A_214, %get3A_50] : memref<32x256xf32, #tpu.memory_space<vmem>>[vector<16xi32>, vector<16xi32>], vector<16xf32>,
        %parallel_loop3A_264 = arith.index_cast %parallel_loop3A_213 : i32 to index
        %parallel_loop3A_265 = arith.constant 192 : index
        %parallel_loop3A_266 = tpu.vector_load %arg11[%parallel_loop3A_264, %parallel_loop3A_265] {strides = array<i32>} : memref<32x256xf32, #tpu.memory_space<vmem>>, vector<16xf32>,
        tpu.vector_store %arg11[%parallel_loop3A_264, %parallel_loop3A_265], %parallel_loop3A_263 {strides = array<i32>} : memref<32x256xf32, #tpu.memory_space<vmem>>, vector<16xf32>,
        %parallel_loop3A_267 = tpu.vector_load_idx %arg7[%parallel_loop3A_214, %get3A_52] : memref<32x256xf32, #tpu.memory_space<vmem>>[vector<16xi32>, vector<16xi32>], vector<16xf32>,
        %parallel_loop3A_268 = arith.index_cast %parallel_loop3A_213 : i32 to index
        %parallel_loop3A_269 = arith.constant 208 : index
        %parallel_loop3A_270 = tpu.vector_load %arg11[%parallel_loop3A_268, %parallel_loop3A_269] {strides = array<i32>} : memref<32x256xf32, #tpu.memory_space<vmem>>, vector<16xf32>,
        tpu.vector_store %arg11[%parallel_loop3A_268, %parallel_loop3A_269], %parallel_loop3A_267 {strides = array<i32>} : memref<32x256xf32, #tpu.memory_space<vmem>>, vector<16xf32>,
        %parallel_loop3A_271 = tpu.vector_load_idx %arg7[%parallel_loop3A_214, %get3A_54] : memref<32x256xf32, #tpu.memory_space<vmem>>[vector<16xi32>, vector<16xi32>], vector<16xf32>,
        %parallel_loop3A_272 = arith.index_cast %parallel_loop3A_213 : i32 to index
        %parallel_loop3A_273 = arith.constant 224 : index
        %parallel_loop3A_274 = tpu.vector_load %arg11[%parallel_loop3A_272, %parallel_loop3A_273] {strides = array<i32>} : memref<32x256xf32, #tpu.memory_space<vmem>>, vector<16xf32>,
        tpu.vector_store %arg11[%parallel_loop3A_272, %parallel_loop3A_273], %parallel_loop3A_271 {strides = array<i32>} : memref<32x256xf32, #tpu.memory_space<vmem>>, vector<16xf32>,
        %parallel_loop3A_275 = tpu.vector_load_idx %arg7[%parallel_loop3A_214, %get3A_56] : memref<32x256xf32, #tpu.memory_space<vmem>>[vector<16xi32>, vector<16xi32>], vector<16xf32>,
        %parallel_loop3A_276 = arith.index_cast %parallel_loop3A_213 : i32 to index
        %parallel_loop3A_277 = arith.constant 240 : index
        %parallel_loop3A_278 = tpu.vector_load %arg11[%parallel_loop3A_276, %parallel_loop3A_277] {strides = array<i32>} : memref<32x256xf32, #tpu.memory_space<vmem>>, vector<16xf32>,
        tpu.vector_store %arg11[%parallel_loop3A_276, %parallel_loop3A_277], %parallel_loop3A_275 {strides = array<i32>} : memref<32x256xf32, #tpu.memory_space<vmem>>, vector<16xf32>,
      } {sc.loop_unroll_factor = 1 : i64, sc.parallel_access}
      %mul3A_133 = arith.constant 32 : i32
      %mul3A_134 = arith.muli %add3A_117, %mul3A_133 : i32
      %add3A_135 = arith.addi %mul3A_2, %mul3A_134 : i32
      %dma_start3A_136 = arith.constant 0 : i32
      %dma_start3A_137 = tpu.memref_slice %arg4[%add3A_135, %dma_start3A_136] : memref<65536x256xf32, #tpu.memory_space<hbm>> -> memref<32x256xf32, #tpu.memory_space<hbm>>
      %dma_start3A_138 = arith.constant 0 : i32
      %dma_start3A_139 = tpu.memref_slice %arg4[%add3A_135, %dma_start3A_138] : memref<65536x256xf32, #tpu.memory_space<hbm>> -> memref<32x256xf32, #tpu.memory_space<hbm>>
      tpu.enqueue_dma source(%arg11 : memref<32x256xf32, #tpu.memory_space<vmem>>) target(%dma_start3A_139 : memref<32x256xf32, #tpu.memory_space<hbm>>) target_semaphore(%arg19 : memref<!tpu.dma_semaphore, #tpu.memory_space<semaphore_mem>>)
      %add3A_140 = arith.constant 4 : i32
      %add3A_141 = arith.addi %add3A_117, %add3A_140 : i32
      %lt3A_142 = arith.constant 64 : i32
      %lt3A_143 = arith.cmpi slt, %add3A_141, %lt3A_142 : i32
      %convert_element_type3A_144 = arith.extui %lt3A_143 : i1 to i32
      %cond3A_145 = arith.constant 0 : i32
      %cond3A_146 = arith.cmpi ne, %convert_element_type3A_144, %cond3A_145 : i32
      scf.if %cond3A_146 {
        %add3A_213 = arith.constant 4 : i32
        %add3A_214 = arith.addi %add3A_117, %add3A_213 : i32
        %mul3A_215 = arith.constant 32 : i32
        %mul3A_216 = arith.muli %add3A_214, %mul3A_215 : i32
        %add3A_217 = arith.addi %mul3A_2, %mul3A_216 : i32
        %dma_start3A_218 = arith.constant 0 : i32
        %dma_start3A_219 = tpu.memref_slice %arg2[%add3A_217, %dma_start3A_218] : memref<65536x256xf32, #tpu.memory_space<hbm>> -> memref<32x256xf32, #tpu.memory_space<hbm>>
        %dma_start3A_220 = arith.constant 0 : i32
        %dma_start3A_221 = tpu.memref_slice %arg2[%add3A_217, %dma_start3A_220] : memref<65536x256xf32, #tpu.memory_space<hbm>> -> memref<32x256xf32, #tpu.memory_space<hbm>>
        tpu.enqueue_dma source(%dma_start3A_221 : memref<32x256xf32, #tpu.memory_space<hbm>>) target(%arg7 : memref<32x256xf32, #tpu.memory_space<vmem>>) target_semaphore(%arg15 : memref<!tpu.dma_semaphore, #tpu.memory_space<semaphore_mem>>)
      } else {
      }
      %mul3A_147 = arith.constant 4 : i32
      %mul3A_148 = arith.muli %scan3A_85, %mul3A_147 : i32
      %add3A_149 = arith.constant 2 : i32
      %add3A_150 = arith.addi %mul3A_148, %add3A_149 : i32
      %mul3A_151 = arith.constant 32 : i32
      %mul3A_152 = arith.muli %add3A_150, %mul3A_151 : i32
      %add3A_153 = arith.addi %mul3A_2, %mul3A_152 : i32
      %dma_wait3A_154 = arith.constant 0 : i32
      %dma_wait3A_155 = tpu.memref_slice %arg2[%add3A_153, %dma_wait3A_154] : memref<65536x256xf32, #tpu.memory_space<hbm>> -> memref<32x256xf32, #tpu.memory_space<hbm>>
      %dma_wait3A_156 = arith.constant 0 : i32
      %dma_wait3A_157 = tpu.memref_slice %arg2[%add3A_153, %dma_wait3A_156] : memref<65536x256xf32, #tpu.memory_space<hbm>> -> memref<32x256xf32, #tpu.memory_space<hbm>>
      tpu.wait_dma2 semaphore(%arg16 : memref<!tpu.dma_semaphore, #tpu.memory_space<semaphore_mem>>) src(%dma_wait3A_157 : memref<32x256xf32, #tpu.memory_space<hbm>>) dst(%arg8 : memref<32x256xf32, #tpu.memory_space<vmem>>)
      %ge3A_158 = arith.constant 4 : i32
      %ge3A_159 = arith.cmpi sge, %add3A_150, %ge3A_158 : i32
      %convert_element_type3A_160 = arith.extui %ge3A_159 : i1 to i32
      %cond3A_161 = arith.constant 0 : i32
      %cond3A_162 = arith.cmpi ne, %convert_element_type3A_160, %cond3A_161 : i32
      scf.if %cond3A_162 {
        %sub3A = arith.constant 4 : i32
        %sub3A_213 = arith.subi %add3A_150, %sub3A : i32
        %mul3A_214 = arith.constant 32 : i32
        %mul3A_215 = arith.muli %sub3A_213, %mul3A_214 : i32
        %add3A_216 = arith.addi %mul3A_2, %mul3A_215 : i32
        %dma_wait3A_217 = arith.constant 0 : i32
        %dma_wait3A_218 = tpu.memref_slice %arg4[%add3A_216, %dma_wait3A_217] : memref<65536x256xf32, #tpu.memory_space<hbm>> -> memref<32x256xf32, #tpu.memory_space<hbm>>
        %dma_wait3A_219 = arith.constant 0 : i32
        %dma_wait3A_220 = tpu.memref_slice %arg4[%add3A_216, %dma_wait3A_219] : memref<65536x256xf32, #tpu.memory_space<hbm>> -> memref<32x256xf32, #tpu.memory_space<hbm>>
        tpu.wait_dma2 semaphore(%arg20 : memref<!tpu.dma_semaphore, #tpu.memory_space<semaphore_mem>>) src(%arg12 : memref<32x256xf32, #tpu.memory_space<vmem>>) dst(%dma_wait3A_220 : memref<32x256xf32, #tpu.memory_space<hbm>>)
      } else {
      }
      %parallel_loop3A_163 = arith.constant 0 : i32
      %parallel_loop3A_164 = arith.constant 32 : i32
      %parallel_loop3A_165 = arith.constant 1 : i32
      scf.for %parallel_loop3A_213 = %parallel_loop3A_163 to %parallel_loop3A_164 step %parallel_loop3A_165  : i32 {
        %parallel_loop3A_214 = vector.broadcast %parallel_loop3A_213 : i32 to vector<16xi32>
        %parallel_loop3A_215 = tpu.vector_load_idx %arg8[%parallel_loop3A_214, %get3A_26] : memref<32x256xf32, #tpu.memory_space<vmem>>[vector<16xi32>, vector<16xi32>], vector<16xf32>,
        %parallel_loop3A_216 = arith.index_cast %parallel_loop3A_213 : i32 to index
        %parallel_loop3A_217 = arith.constant 0 : index
        %parallel_loop3A_218 = tpu.vector_load %arg12[%parallel_loop3A_216, %parallel_loop3A_217] {strides = array<i32>} : memref<32x256xf32, #tpu.memory_space<vmem>>, vector<16xf32>,
        tpu.vector_store %arg12[%parallel_loop3A_216, %parallel_loop3A_217], %parallel_loop3A_215 {strides = array<i32>} : memref<32x256xf32, #tpu.memory_space<vmem>>, vector<16xf32>,
        %parallel_loop3A_219 = tpu.vector_load_idx %arg8[%parallel_loop3A_214, %get3A_28] : memref<32x256xf32, #tpu.memory_space<vmem>>[vector<16xi32>, vector<16xi32>], vector<16xf32>,
        %parallel_loop3A_220 = arith.index_cast %parallel_loop3A_213 : i32 to index
        %parallel_loop3A_221 = arith.constant 16 : index
        %parallel_loop3A_222 = tpu.vector_load %arg12[%parallel_loop3A_220, %parallel_loop3A_221] {strides = array<i32>} : memref<32x256xf32, #tpu.memory_space<vmem>>, vector<16xf32>,
        tpu.vector_store %arg12[%parallel_loop3A_220, %parallel_loop3A_221], %parallel_loop3A_219 {strides = array<i32>} : memref<32x256xf32, #tpu.memory_space<vmem>>, vector<16xf32>,
        %parallel_loop3A_223 = tpu.vector_load_idx %arg8[%parallel_loop3A_214, %get3A_30] : memref<32x256xf32, #tpu.memory_space<vmem>>[vector<16xi32>, vector<16xi32>], vector<16xf32>,
        %parallel_loop3A_224 = arith.index_cast %parallel_loop3A_213 : i32 to index
        %parallel_loop3A_225 = arith.constant 32 : index
        %parallel_loop3A_226 = tpu.vector_load %arg12[%parallel_loop3A_224, %parallel_loop3A_225] {strides = array<i32>} : memref<32x256xf32, #tpu.memory_space<vmem>>, vector<16xf32>,
        tpu.vector_store %arg12[%parallel_loop3A_224, %parallel_loop3A_225], %parallel_loop3A_223 {strides = array<i32>} : memref<32x256xf32, #tpu.memory_space<vmem>>, vector<16xf32>,
        %parallel_loop3A_227 = tpu.vector_load_idx %arg8[%parallel_loop3A_214, %get3A_32] : memref<32x256xf32, #tpu.memory_space<vmem>>[vector<16xi32>, vector<16xi32>], vector<16xf32>,
        %parallel_loop3A_228 = arith.index_cast %parallel_loop3A_213 : i32 to index
        %parallel_loop3A_229 = arith.constant 48 : index
        %parallel_loop3A_230 = tpu.vector_load %arg12[%parallel_loop3A_228, %parallel_loop3A_229] {strides = array<i32>} : memref<32x256xf32, #tpu.memory_space<vmem>>, vector<16xf32>,
        tpu.vector_store %arg12[%parallel_loop3A_228, %parallel_loop3A_229], %parallel_loop3A_227 {strides = array<i32>} : memref<32x256xf32, #tpu.memory_space<vmem>>, vector<16xf32>,
        %parallel_loop3A_231 = tpu.vector_load_idx %arg8[%parallel_loop3A_214, %get3A_34] : memref<32x256xf32, #tpu.memory_space<vmem>>[vector<16xi32>, vector<16xi32>], vector<16xf32>,
        %parallel_loop3A_232 = arith.index_cast %parallel_loop3A_213 : i32 to index
        %parallel_loop3A_233 = arith.constant 64 : index
        %parallel_loop3A_234 = tpu.vector_load %arg12[%parallel_loop3A_232, %parallel_loop3A_233] {strides = array<i32>} : memref<32x256xf32, #tpu.memory_space<vmem>>, vector<16xf32>,
        tpu.vector_store %arg12[%parallel_loop3A_232, %parallel_loop3A_233], %parallel_loop3A_231 {strides = array<i32>} : memref<32x256xf32, #tpu.memory_space<vmem>>, vector<16xf32>,
        %parallel_loop3A_235 = tpu.vector_load_idx %arg8[%parallel_loop3A_214, %get3A_36] : memref<32x256xf32, #tpu.memory_space<vmem>>[vector<16xi32>, vector<16xi32>], vector<16xf32>,
        %parallel_loop3A_236 = arith.index_cast %parallel_loop3A_213 : i32 to index
        %parallel_loop3A_237 = arith.constant 80 : index
        %parallel_loop3A_238 = tpu.vector_load %arg12[%parallel_loop3A_236, %parallel_loop3A_237] {strides = array<i32>} : memref<32x256xf32, #tpu.memory_space<vmem>>, vector<16xf32>,
        tpu.vector_store %arg12[%parallel_loop3A_236, %parallel_loop3A_237], %parallel_loop3A_235 {strides = array<i32>} : memref<32x256xf32, #tpu.memory_space<vmem>>, vector<16xf32>,
        %parallel_loop3A_239 = tpu.vector_load_idx %arg8[%parallel_loop3A_214, %get3A_38] : memref<32x256xf32, #tpu.memory_space<vmem>>[vector<16xi32>, vector<16xi32>], vector<16xf32>,
        %parallel_loop3A_240 = arith.index_cast %parallel_loop3A_213 : i32 to index
        %parallel_loop3A_241 = arith.constant 96 : index
        %parallel_loop3A_242 = tpu.vector_load %arg12[%parallel_loop3A_240, %parallel_loop3A_241] {strides = array<i32>} : memref<32x256xf32, #tpu.memory_space<vmem>>, vector<16xf32>,
        tpu.vector_store %arg12[%parallel_loop3A_240, %parallel_loop3A_241], %parallel_loop3A_239 {strides = array<i32>} : memref<32x256xf32, #tpu.memory_space<vmem>>, vector<16xf32>,
        %parallel_loop3A_243 = tpu.vector_load_idx %arg8[%parallel_loop3A_214, %get3A_40] : memref<32x256xf32, #tpu.memory_space<vmem>>[vector<16xi32>, vector<16xi32>], vector<16xf32>,
        %parallel_loop3A_244 = arith.index_cast %parallel_loop3A_213 : i32 to index
        %parallel_loop3A_245 = arith.constant 112 : index
        %parallel_loop3A_246 = tpu.vector_load %arg12[%parallel_loop3A_244, %parallel_loop3A_245] {strides = array<i32>} : memref<32x256xf32, #tpu.memory_space<vmem>>, vector<16xf32>,
        tpu.vector_store %arg12[%parallel_loop3A_244, %parallel_loop3A_245], %parallel_loop3A_243 {strides = array<i32>} : memref<32x256xf32, #tpu.memory_space<vmem>>, vector<16xf32>,
        %parallel_loop3A_247 = tpu.vector_load_idx %arg8[%parallel_loop3A_214, %get3A_42] : memref<32x256xf32, #tpu.memory_space<vmem>>[vector<16xi32>, vector<16xi32>], vector<16xf32>,
        %parallel_loop3A_248 = arith.index_cast %parallel_loop3A_213 : i32 to index
        %parallel_loop3A_249 = arith.constant 128 : index
        %parallel_loop3A_250 = tpu.vector_load %arg12[%parallel_loop3A_248, %parallel_loop3A_249] {strides = array<i32>} : memref<32x256xf32, #tpu.memory_space<vmem>>, vector<16xf32>,
        tpu.vector_store %arg12[%parallel_loop3A_248, %parallel_loop3A_249], %parallel_loop3A_247 {strides = array<i32>} : memref<32x256xf32, #tpu.memory_space<vmem>>, vector<16xf32>,
        %parallel_loop3A_251 = tpu.vector_load_idx %arg8[%parallel_loop3A_214, %get3A_44] : memref<32x256xf32, #tpu.memory_space<vmem>>[vector<16xi32>, vector<16xi32>], vector<16xf32>,
        %parallel_loop3A_252 = arith.index_cast %parallel_loop3A_213 : i32 to index
        %parallel_loop3A_253 = arith.constant 144 : index
        %parallel_loop3A_254 = tpu.vector_load %arg12[%parallel_loop3A_252, %parallel_loop3A_253] {strides = array<i32>} : memref<32x256xf32, #tpu.memory_space<vmem>>, vector<16xf32>,
        tpu.vector_store %arg12[%parallel_loop3A_252, %parallel_loop3A_253], %parallel_loop3A_251 {strides = array<i32>} : memref<32x256xf32, #tpu.memory_space<vmem>>, vector<16xf32>,
        %parallel_loop3A_255 = tpu.vector_load_idx %arg8[%parallel_loop3A_214, %get3A_46] : memref<32x256xf32, #tpu.memory_space<vmem>>[vector<16xi32>, vector<16xi32>], vector<16xf32>,
        %parallel_loop3A_256 = arith.index_cast %parallel_loop3A_213 : i32 to index
        %parallel_loop3A_257 = arith.constant 160 : index
        %parallel_loop3A_258 = tpu.vector_load %arg12[%parallel_loop3A_256, %parallel_loop3A_257] {strides = array<i32>} : memref<32x256xf32, #tpu.memory_space<vmem>>, vector<16xf32>,
        tpu.vector_store %arg12[%parallel_loop3A_256, %parallel_loop3A_257], %parallel_loop3A_255 {strides = array<i32>} : memref<32x256xf32, #tpu.memory_space<vmem>>, vector<16xf32>,
        %parallel_loop3A_259 = tpu.vector_load_idx %arg8[%parallel_loop3A_214, %get3A_48] : memref<32x256xf32, #tpu.memory_space<vmem>>[vector<16xi32>, vector<16xi32>], vector<16xf32>,
        %parallel_loop3A_260 = arith.index_cast %parallel_loop3A_213 : i32 to index
        %parallel_loop3A_261 = arith.constant 176 : index
        %parallel_loop3A_262 = tpu.vector_load %arg12[%parallel_loop3A_260, %parallel_loop3A_261] {strides = array<i32>} : memref<32x256xf32, #tpu.memory_space<vmem>>, vector<16xf32>,
        tpu.vector_store %arg12[%parallel_loop3A_260, %parallel_loop3A_261], %parallel_loop3A_259 {strides = array<i32>} : memref<32x256xf32, #tpu.memory_space<vmem>>, vector<16xf32>,
        %parallel_loop3A_263 = tpu.vector_load_idx %arg8[%parallel_loop3A_214, %get3A_50] : memref<32x256xf32, #tpu.memory_space<vmem>>[vector<16xi32>, vector<16xi32>], vector<16xf32>,
        %parallel_loop3A_264 = arith.index_cast %parallel_loop3A_213 : i32 to index
        %parallel_loop3A_265 = arith.constant 192 : index
        %parallel_loop3A_266 = tpu.vector_load %arg12[%parallel_loop3A_264, %parallel_loop3A_265] {strides = array<i32>} : memref<32x256xf32, #tpu.memory_space<vmem>>, vector<16xf32>,
        tpu.vector_store %arg12[%parallel_loop3A_264, %parallel_loop3A_265], %parallel_loop3A_263 {strides = array<i32>} : memref<32x256xf32, #tpu.memory_space<vmem>>, vector<16xf32>,
        %parallel_loop3A_267 = tpu.vector_load_idx %arg8[%parallel_loop3A_214, %get3A_52] : memref<32x256xf32, #tpu.memory_space<vmem>>[vector<16xi32>, vector<16xi32>], vector<16xf32>,
        %parallel_loop3A_268 = arith.index_cast %parallel_loop3A_213 : i32 to index
        %parallel_loop3A_269 = arith.constant 208 : index
        %parallel_loop3A_270 = tpu.vector_load %arg12[%parallel_loop3A_268, %parallel_loop3A_269] {strides = array<i32>} : memref<32x256xf32, #tpu.memory_space<vmem>>, vector<16xf32>,
        tpu.vector_store %arg12[%parallel_loop3A_268, %parallel_loop3A_269], %parallel_loop3A_267 {strides = array<i32>} : memref<32x256xf32, #tpu.memory_space<vmem>>, vector<16xf32>,
        %parallel_loop3A_271 = tpu.vector_load_idx %arg8[%parallel_loop3A_214, %get3A_54] : memref<32x256xf32, #tpu.memory_space<vmem>>[vector<16xi32>, vector<16xi32>], vector<16xf32>,
        %parallel_loop3A_272 = arith.index_cast %parallel_loop3A_213 : i32 to index
        %parallel_loop3A_273 = arith.constant 224 : index
        %parallel_loop3A_274 = tpu.vector_load %arg12[%parallel_loop3A_272, %parallel_loop3A_273] {strides = array<i32>} : memref<32x256xf32, #tpu.memory_space<vmem>>, vector<16xf32>,
        tpu.vector_store %arg12[%parallel_loop3A_272, %parallel_loop3A_273], %parallel_loop3A_271 {strides = array<i32>} : memref<32x256xf32, #tpu.memory_space<vmem>>, vector<16xf32>,
        %parallel_loop3A_275 = tpu.vector_load_idx %arg8[%parallel_loop3A_214, %get3A_56] : memref<32x256xf32, #tpu.memory_space<vmem>>[vector<16xi32>, vector<16xi32>], vector<16xf32>,
        %parallel_loop3A_276 = arith.index_cast %parallel_loop3A_213 : i32 to index
        %parallel_loop3A_277 = arith.constant 240 : index
        %parallel_loop3A_278 = tpu.vector_load %arg12[%parallel_loop3A_276, %parallel_loop3A_277] {strides = array<i32>} : memref<32x256xf32, #tpu.memory_space<vmem>>, vector<16xf32>,
        tpu.vector_store %arg12[%parallel_loop3A_276, %parallel_loop3A_277], %parallel_loop3A_275 {strides = array<i32>} : memref<32x256xf32, #tpu.memory_space<vmem>>, vector<16xf32>,
      } {sc.loop_unroll_factor = 1 : i64, sc.parallel_access}
      %mul3A_166 = arith.constant 32 : i32
      %mul3A_167 = arith.muli %add3A_150, %mul3A_166 : i32
      %add3A_168 = arith.addi %mul3A_2, %mul3A_167 : i32
      %dma_start3A_169 = arith.constant 0 : i32
      %dma_start3A_170 = tpu.memref_slice %arg4[%add3A_168, %dma_start3A_169] : memref<65536x256xf32, #tpu.memory_space<hbm>> -> memref<32x256xf32, #tpu.memory_space<hbm>>
      %dma_start3A_171 = arith.constant 0 : i32
      %dma_start3A_172 = tpu.memref_slice %arg4[%add3A_168, %dma_start3A_171] : memref<65536x256xf32, #tpu.memory_space<hbm>> -> memref<32x256xf32, #tpu.memory_space<hbm>>
      tpu.enqueue_dma source(%arg12 : memref<32x256xf32, #tpu.memory_space<vmem>>) target(%dma_start3A_172 : memref<32x256xf32, #tpu.memory_space<hbm>>) target_semaphore(%arg20 : memref<!tpu.dma_semaphore, #tpu.memory_space<semaphore_mem>>)
      %add3A_173 = arith.constant 4 : i32
      %add3A_174 = arith.addi %add3A_150, %add3A_173 : i32
      %lt3A_175 = arith.constant 64 : i32
      %lt3A_176 = arith.cmpi slt, %add3A_174, %lt3A_175 : i32
      %convert_element_type3A_177 = arith.extui %lt3A_176 : i1 to i32
      %cond3A_178 = arith.constant 0 : i32
      %cond3A_179 = arith.cmpi ne, %convert_element_type3A_177, %cond3A_178 : i32
      scf.if %cond3A_179 {
        %add3A_213 = arith.constant 4 : i32
        %add3A_214 = arith.addi %add3A_150, %add3A_213 : i32
        %mul3A_215 = arith.constant 32 : i32
        %mul3A_216 = arith.muli %add3A_214, %mul3A_215 : i32
        %add3A_217 = arith.addi %mul3A_2, %mul3A_216 : i32
        %dma_start3A_218 = arith.constant 0 : i32
        %dma_start3A_219 = tpu.memref_slice %arg2[%add3A_217, %dma_start3A_218] : memref<65536x256xf32, #tpu.memory_space<hbm>> -> memref<32x256xf32, #tpu.memory_space<hbm>>
        %dma_start3A_220 = arith.constant 0 : i32
        %dma_start3A_221 = tpu.memref_slice %arg2[%add3A_217, %dma_start3A_220] : memref<65536x256xf32, #tpu.memory_space<hbm>> -> memref<32x256xf32, #tpu.memory_space<hbm>>
        tpu.enqueue_dma source(%dma_start3A_221 : memref<32x256xf32, #tpu.memory_space<hbm>>) target(%arg8 : memref<32x256xf32, #tpu.memory_space<vmem>>) target_semaphore(%arg16 : memref<!tpu.dma_semaphore, #tpu.memory_space<semaphore_mem>>)
      } else {
      }
      %mul3A_180 = arith.constant 4 : i32
      %mul3A_181 = arith.muli %scan3A_85, %mul3A_180 : i32
      %add3A_182 = arith.constant 3 : i32
      %add3A_183 = arith.addi %mul3A_181, %add3A_182 : i32
      %mul3A_184 = arith.constant 32 : i32
      %mul3A_185 = arith.muli %add3A_183, %mul3A_184 : i32
      %add3A_186 = arith.addi %mul3A_2, %mul3A_185 : i32
      %dma_wait3A_187 = arith.constant 0 : i32
      %dma_wait3A_188 = tpu.memref_slice %arg2[%add3A_186, %dma_wait3A_187] : memref<65536x256xf32, #tpu.memory_space<hbm>> -> memref<32x256xf32, #tpu.memory_space<hbm>>
      %dma_wait3A_189 = arith.constant 0 : i32
      %dma_wait3A_190 = tpu.memref_slice %arg2[%add3A_186, %dma_wait3A_189] : memref<65536x256xf32, #tpu.memory_space<hbm>> -> memref<32x256xf32, #tpu.memory_space<hbm>>
      tpu.wait_dma2 semaphore(%arg17 : memref<!tpu.dma_semaphore, #tpu.memory_space<semaphore_mem>>) src(%dma_wait3A_190 : memref<32x256xf32, #tpu.memory_space<hbm>>) dst(%arg9 : memref<32x256xf32, #tpu.memory_space<vmem>>)
      %ge3A_191 = arith.constant 4 : i32
      %ge3A_192 = arith.cmpi sge, %add3A_183, %ge3A_191 : i32
      %convert_element_type3A_193 = arith.extui %ge3A_192 : i1 to i32
      %cond3A_194 = arith.constant 0 : i32
      %cond3A_195 = arith.cmpi ne, %convert_element_type3A_193, %cond3A_194 : i32
      scf.if %cond3A_195 {
        %sub3A = arith.constant 4 : i32
        %sub3A_213 = arith.subi %add3A_183, %sub3A : i32
        %mul3A_214 = arith.constant 32 : i32
        %mul3A_215 = arith.muli %sub3A_213, %mul3A_214 : i32
        %add3A_216 = arith.addi %mul3A_2, %mul3A_215 : i32
        %dma_wait3A_217 = arith.constant 0 : i32
        %dma_wait3A_218 = tpu.memref_slice %arg4[%add3A_216, %dma_wait3A_217] : memref<65536x256xf32, #tpu.memory_space<hbm>> -> memref<32x256xf32, #tpu.memory_space<hbm>>
        %dma_wait3A_219 = arith.constant 0 : i32
        %dma_wait3A_220 = tpu.memref_slice %arg4[%add3A_216, %dma_wait3A_219] : memref<65536x256xf32, #tpu.memory_space<hbm>> -> memref<32x256xf32, #tpu.memory_space<hbm>>
        tpu.wait_dma2 semaphore(%arg21 : memref<!tpu.dma_semaphore, #tpu.memory_space<semaphore_mem>>) src(%arg13 : memref<32x256xf32, #tpu.memory_space<vmem>>) dst(%dma_wait3A_220 : memref<32x256xf32, #tpu.memory_space<hbm>>)
      } else {
      }
      %parallel_loop3A_196 = arith.constant 0 : i32
      %parallel_loop3A_197 = arith.constant 32 : i32
      %parallel_loop3A_198 = arith.constant 1 : i32
      scf.for %parallel_loop3A_213 = %parallel_loop3A_196 to %parallel_loop3A_197 step %parallel_loop3A_198  : i32 {
        %parallel_loop3A_214 = vector.broadcast %parallel_loop3A_213 : i32 to vector<16xi32>
        %parallel_loop3A_215 = tpu.vector_load_idx %arg9[%parallel_loop3A_214, %get3A_26] : memref<32x256xf32, #tpu.memory_space<vmem>>[vector<16xi32>, vector<16xi32>], vector<16xf32>,
        %parallel_loop3A_216 = arith.index_cast %parallel_loop3A_213 : i32 to index
        %parallel_loop3A_217 = arith.constant 0 : index
        %parallel_loop3A_218 = tpu.vector_load %arg13[%parallel_loop3A_216, %parallel_loop3A_217] {strides = array<i32>} : memref<32x256xf32, #tpu.memory_space<vmem>>, vector<16xf32>,
        tpu.vector_store %arg13[%parallel_loop3A_216, %parallel_loop3A_217], %parallel_loop3A_215 {strides = array<i32>} : memref<32x256xf32, #tpu.memory_space<vmem>>, vector<16xf32>,
        %parallel_loop3A_219 = tpu.vector_load_idx %arg9[%parallel_loop3A_214, %get3A_28] : memref<32x256xf32, #tpu.memory_space<vmem>>[vector<16xi32>, vector<16xi32>], vector<16xf32>,
        %parallel_loop3A_220 = arith.index_cast %parallel_loop3A_213 : i32 to index
        %parallel_loop3A_221 = arith.constant 16 : index
        %parallel_loop3A_222 = tpu.vector_load %arg13[%parallel_loop3A_220, %parallel_loop3A_221] {strides = array<i32>} : memref<32x256xf32, #tpu.memory_space<vmem>>, vector<16xf32>,
        tpu.vector_store %arg13[%parallel_loop3A_220, %parallel_loop3A_221], %parallel_loop3A_219 {strides = array<i32>} : memref<32x256xf32, #tpu.memory_space<vmem>>, vector<16xf32>,
        %parallel_loop3A_223 = tpu.vector_load_idx %arg9[%parallel_loop3A_214, %get3A_30] : memref<32x256xf32, #tpu.memory_space<vmem>>[vector<16xi32>, vector<16xi32>], vector<16xf32>,
        %parallel_loop3A_224 = arith.index_cast %parallel_loop3A_213 : i32 to index
        %parallel_loop3A_225 = arith.constant 32 : index
        %parallel_loop3A_226 = tpu.vector_load %arg13[%parallel_loop3A_224, %parallel_loop3A_225] {strides = array<i32>} : memref<32x256xf32, #tpu.memory_space<vmem>>, vector<16xf32>,
        tpu.vector_store %arg13[%parallel_loop3A_224, %parallel_loop3A_225], %parallel_loop3A_223 {strides = array<i32>} : memref<32x256xf32, #tpu.memory_space<vmem>>, vector<16xf32>,
        %parallel_loop3A_227 = tpu.vector_load_idx %arg9[%parallel_loop3A_214, %get3A_32] : memref<32x256xf32, #tpu.memory_space<vmem>>[vector<16xi32>, vector<16xi32>], vector<16xf32>,
        %parallel_loop3A_228 = arith.index_cast %parallel_loop3A_213 : i32 to index
        %parallel_loop3A_229 = arith.constant 48 : index
        %parallel_loop3A_230 = tpu.vector_load %arg13[%parallel_loop3A_228, %parallel_loop3A_229] {strides = array<i32>} : memref<32x256xf32, #tpu.memory_space<vmem>>, vector<16xf32>,
        tpu.vector_store %arg13[%parallel_loop3A_228, %parallel_loop3A_229], %parallel_loop3A_227 {strides = array<i32>} : memref<32x256xf32, #tpu.memory_space<vmem>>, vector<16xf32>,
        %parallel_loop3A_231 = tpu.vector_load_idx %arg9[%parallel_loop3A_214, %get3A_34] : memref<32x256xf32, #tpu.memory_space<vmem>>[vector<16xi32>, vector<16xi32>], vector<16xf32>,
        %parallel_loop3A_232 = arith.index_cast %parallel_loop3A_213 : i32 to index
        %parallel_loop3A_233 = arith.constant 64 : index
        %parallel_loop3A_234 = tpu.vector_load %arg13[%parallel_loop3A_232, %parallel_loop3A_233] {strides = array<i32>} : memref<32x256xf32, #tpu.memory_space<vmem>>, vector<16xf32>,
        tpu.vector_store %arg13[%parallel_loop3A_232, %parallel_loop3A_233], %parallel_loop3A_231 {strides = array<i32>} : memref<32x256xf32, #tpu.memory_space<vmem>>, vector<16xf32>,
        %parallel_loop3A_235 = tpu.vector_load_idx %arg9[%parallel_loop3A_214, %get3A_36] : memref<32x256xf32, #tpu.memory_space<vmem>>[vector<16xi32>, vector<16xi32>], vector<16xf32>,
        %parallel_loop3A_236 = arith.index_cast %parallel_loop3A_213 : i32 to index
        %parallel_loop3A_237 = arith.constant 80 : index
        %parallel_loop3A_238 = tpu.vector_load %arg13[%parallel_loop3A_236, %parallel_loop3A_237] {strides = array<i32>} : memref<32x256xf32, #tpu.memory_space<vmem>>, vector<16xf32>,
        tpu.vector_store %arg13[%parallel_loop3A_236, %parallel_loop3A_237], %parallel_loop3A_235 {strides = array<i32>} : memref<32x256xf32, #tpu.memory_space<vmem>>, vector<16xf32>,
        %parallel_loop3A_239 = tpu.vector_load_idx %arg9[%parallel_loop3A_214, %get3A_38] : memref<32x256xf32, #tpu.memory_space<vmem>>[vector<16xi32>, vector<16xi32>], vector<16xf32>,
        %parallel_loop3A_240 = arith.index_cast %parallel_loop3A_213 : i32 to index
        %parallel_loop3A_241 = arith.constant 96 : index
        %parallel_loop3A_242 = tpu.vector_load %arg13[%parallel_loop3A_240, %parallel_loop3A_241] {strides = array<i32>} : memref<32x256xf32, #tpu.memory_space<vmem>>, vector<16xf32>,
        tpu.vector_store %arg13[%parallel_loop3A_240, %parallel_loop3A_241], %parallel_loop3A_239 {strides = array<i32>} : memref<32x256xf32, #tpu.memory_space<vmem>>, vector<16xf32>,
        %parallel_loop3A_243 = tpu.vector_load_idx %arg9[%parallel_loop3A_214, %get3A_40] : memref<32x256xf32, #tpu.memory_space<vmem>>[vector<16xi32>, vector<16xi32>], vector<16xf32>,
        %parallel_loop3A_244 = arith.index_cast %parallel_loop3A_213 : i32 to index
        %parallel_loop3A_245 = arith.constant 112 : index
        %parallel_loop3A_246 = tpu.vector_load %arg13[%parallel_loop3A_244, %parallel_loop3A_245] {strides = array<i32>} : memref<32x256xf32, #tpu.memory_space<vmem>>, vector<16xf32>,
        tpu.vector_store %arg13[%parallel_loop3A_244, %parallel_loop3A_245], %parallel_loop3A_243 {strides = array<i32>} : memref<32x256xf32, #tpu.memory_space<vmem>>, vector<16xf32>,
        %parallel_loop3A_247 = tpu.vector_load_idx %arg9[%parallel_loop3A_214, %get3A_42] : memref<32x256xf32, #tpu.memory_space<vmem>>[vector<16xi32>, vector<16xi32>], vector<16xf32>,
        %parallel_loop3A_248 = arith.index_cast %parallel_loop3A_213 : i32 to index
        %parallel_loop3A_249 = arith.constant 128 : index
        %parallel_loop3A_250 = tpu.vector_load %arg13[%parallel_loop3A_248, %parallel_loop3A_249] {strides = array<i32>} : memref<32x256xf32, #tpu.memory_space<vmem>>, vector<16xf32>,
        tpu.vector_store %arg13[%parallel_loop3A_248, %parallel_loop3A_249], %parallel_loop3A_247 {strides = array<i32>} : memref<32x256xf32, #tpu.memory_space<vmem>>, vector<16xf32>,
        %parallel_loop3A_251 = tpu.vector_load_idx %arg9[%parallel_loop3A_214, %get3A_44] : memref<32x256xf32, #tpu.memory_space<vmem>>[vector<16xi32>, vector<16xi32>], vector<16xf32>,
        %parallel_loop3A_252 = arith.index_cast %parallel_loop3A_213 : i32 to index
        %parallel_loop3A_253 = arith.constant 144 : index
        %parallel_loop3A_254 = tpu.vector_load %arg13[%parallel_loop3A_252, %parallel_loop3A_253] {strides = array<i32>} : memref<32x256xf32, #tpu.memory_space<vmem>>, vector<16xf32>,
        tpu.vector_store %arg13[%parallel_loop3A_252, %parallel_loop3A_253], %parallel_loop3A_251 {strides = array<i32>} : memref<32x256xf32, #tpu.memory_space<vmem>>, vector<16xf32>,
        %parallel_loop3A_255 = tpu.vector_load_idx %arg9[%parallel_loop3A_214, %get3A_46] : memref<32x256xf32, #tpu.memory_space<vmem>>[vector<16xi32>, vector<16xi32>], vector<16xf32>,
        %parallel_loop3A_256 = arith.index_cast %parallel_loop3A_213 : i32 to index
        %parallel_loop3A_257 = arith.constant 160 : index
        %parallel_loop3A_258 = tpu.vector_load %arg13[%parallel_loop3A_256, %parallel_loop3A_257] {strides = array<i32>} : memref<32x256xf32, #tpu.memory_space<vmem>>, vector<16xf32>,
        tpu.vector_store %arg13[%parallel_loop3A_256, %parallel_loop3A_257], %parallel_loop3A_255 {strides = array<i32>} : memref<32x256xf32, #tpu.memory_space<vmem>>, vector<16xf32>,
        %parallel_loop3A_259 = tpu.vector_load_idx %arg9[%parallel_loop3A_214, %get3A_48] : memref<32x256xf32, #tpu.memory_space<vmem>>[vector<16xi32>, vector<16xi32>], vector<16xf32>,
        %parallel_loop3A_260 = arith.index_cast %parallel_loop3A_213 : i32 to index
        %parallel_loop3A_261 = arith.constant 176 : index
        %parallel_loop3A_262 = tpu.vector_load %arg13[%parallel_loop3A_260, %parallel_loop3A_261] {strides = array<i32>} : memref<32x256xf32, #tpu.memory_space<vmem>>, vector<16xf32>,
        tpu.vector_store %arg13[%parallel_loop3A_260, %parallel_loop3A_261], %parallel_loop3A_259 {strides = array<i32>} : memref<32x256xf32, #tpu.memory_space<vmem>>, vector<16xf32>,
        %parallel_loop3A_263 = tpu.vector_load_idx %arg9[%parallel_loop3A_214, %get3A_50] : memref<32x256xf32, #tpu.memory_space<vmem>>[vector<16xi32>, vector<16xi32>], vector<16xf32>,
        %parallel_loop3A_264 = arith.index_cast %parallel_loop3A_213 : i32 to index
        %parallel_loop3A_265 = arith.constant 192 : index
        %parallel_loop3A_266 = tpu.vector_load %arg13[%parallel_loop3A_264, %parallel_loop3A_265] {strides = array<i32>} : memref<32x256xf32, #tpu.memory_space<vmem>>, vector<16xf32>,
        tpu.vector_store %arg13[%parallel_loop3A_264, %parallel_loop3A_265], %parallel_loop3A_263 {strides = array<i32>} : memref<32x256xf32, #tpu.memory_space<vmem>>, vector<16xf32>,
        %parallel_loop3A_267 = tpu.vector_load_idx %arg9[%parallel_loop3A_214, %get3A_52] : memref<32x256xf32, #tpu.memory_space<vmem>>[vector<16xi32>, vector<16xi32>], vector<16xf32>,
        %parallel_loop3A_268 = arith.index_cast %parallel_loop3A_213 : i32 to index
        %parallel_loop3A_269 = arith.constant 208 : index
        %parallel_loop3A_270 = tpu.vector_load %arg13[%parallel_loop3A_268, %parallel_loop3A_269] {strides = array<i32>} : memref<32x256xf32, #tpu.memory_space<vmem>>, vector<16xf32>,
        tpu.vector_store %arg13[%parallel_loop3A_268, %parallel_loop3A_269], %parallel_loop3A_267 {strides = array<i32>} : memref<32x256xf32, #tpu.memory_space<vmem>>, vector<16xf32>,
        %parallel_loop3A_271 = tpu.vector_load_idx %arg9[%parallel_loop3A_214, %get3A_54] : memref<32x256xf32, #tpu.memory_space<vmem>>[vector<16xi32>, vector<16xi32>], vector<16xf32>,
        %parallel_loop3A_272 = arith.index_cast %parallel_loop3A_213 : i32 to index
        %parallel_loop3A_273 = arith.constant 224 : index
        %parallel_loop3A_274 = tpu.vector_load %arg13[%parallel_loop3A_272, %parallel_loop3A_273] {strides = array<i32>} : memref<32x256xf32, #tpu.memory_space<vmem>>, vector<16xf32>,
        tpu.vector_store %arg13[%parallel_loop3A_272, %parallel_loop3A_273], %parallel_loop3A_271 {strides = array<i32>} : memref<32x256xf32, #tpu.memory_space<vmem>>, vector<16xf32>,
        %parallel_loop3A_275 = tpu.vector_load_idx %arg9[%parallel_loop3A_214, %get3A_56] : memref<32x256xf32, #tpu.memory_space<vmem>>[vector<16xi32>, vector<16xi32>], vector<16xf32>,
        %parallel_loop3A_276 = arith.index_cast %parallel_loop3A_213 : i32 to index
        %parallel_loop3A_277 = arith.constant 240 : index
        %parallel_loop3A_278 = tpu.vector_load %arg13[%parallel_loop3A_276, %parallel_loop3A_277] {strides = array<i32>} : memref<32x256xf32, #tpu.memory_space<vmem>>, vector<16xf32>,
        tpu.vector_store %arg13[%parallel_loop3A_276, %parallel_loop3A_277], %parallel_loop3A_275 {strides = array<i32>} : memref<32x256xf32, #tpu.memory_space<vmem>>, vector<16xf32>,
      } {sc.loop_unroll_factor = 1 : i64, sc.parallel_access}
      %mul3A_199 = arith.constant 32 : i32
      %mul3A_200 = arith.muli %add3A_183, %mul3A_199 : i32
      %add3A_201 = arith.addi %mul3A_2, %mul3A_200 : i32
      %dma_start3A_202 = arith.constant 0 : i32
      %dma_start3A_203 = tpu.memref_slice %arg4[%add3A_201, %dma_start3A_202] : memref<65536x256xf32, #tpu.memory_space<hbm>> -> memref<32x256xf32, #tpu.memory_space<hbm>>
      %dma_start3A_204 = arith.constant 0 : i32
      %dma_start3A_205 = tpu.memref_slice %arg4[%add3A_201, %dma_start3A_204] : memref<65536x256xf32, #tpu.memory_space<hbm>> -> memref<32x256xf32, #tpu.memory_space<hbm>>
      tpu.enqueue_dma source(%arg13 : memref<32x256xf32, #tpu.memory_space<vmem>>) target(%dma_start3A_205 : memref<32x256xf32, #tpu.memory_space<hbm>>) target_semaphore(%arg21 : memref<!tpu.dma_semaphore, #tpu.memory_space<semaphore_mem>>)
      %add3A_206 = arith.constant 4 : i32
      %add3A_207 = arith.addi %add3A_183, %add3A_206 : i32
      %lt3A_208 = arith.constant 64 : i32
      %lt3A_209 = arith.cmpi slt, %add3A_207, %lt3A_208 : i32
      %convert_element_type3A_210 = arith.extui %lt3A_209 : i1 to i32
      %cond3A_211 = arith.constant 0 : i32
      %cond3A_212 = arith.cmpi ne, %convert_element_type3A_210, %cond3A_211 : i32
      scf.if %cond3A_212 {
        %add3A_213 = arith.constant 4 : i32
        %add3A_214 = arith.addi %add3A_183, %add3A_213 : i32
        %mul3A_215 = arith.constant 32 : i32
        %mul3A_216 = arith.muli %add3A_214, %mul3A_215 : i32
        %add3A_217 = arith.addi %mul3A_2, %mul3A_216 : i32
        %dma_start3A_218 = arith.constant 0 : i32
        %dma_start3A_219 = tpu.memref_slice %arg2[%add3A_217, %dma_start3A_218] : memref<65536x256xf32, #tpu.memory_space<hbm>> -> memref<32x256xf32, #tpu.memory_space<hbm>>
        %dma_start3A_220 = arith.constant 0 : i32
        %dma_start3A_221 = tpu.memref_slice %arg2[%add3A_217, %dma_start3A_220] : memref<65536x256xf32, #tpu.memory_space<hbm>> -> memref<32x256xf32, #tpu.memory_space<hbm>>
        tpu.enqueue_dma source(%dma_start3A_221 : memref<32x256xf32, #tpu.memory_space<hbm>>) target(%arg9 : memref<32x256xf32, #tpu.memory_space<vmem>>) target_semaphore(%arg17 : memref<!tpu.dma_semaphore, #tpu.memory_space<semaphore_mem>>)
      } else {
      }
    }
    %scan3A_61 = arith.constant 16 : i32
    %add3A_62 = arith.constant 1920 : i32
    %add3A_63 = arith.addi %mul3A_2, %add3A_62 : i32
    %dma_wait3A = arith.constant 0 : i32
    %dma_wait3A_64 = tpu.memref_slice %arg4[%add3A_63, %dma_wait3A] : memref<65536x256xf32, #tpu.memory_space<hbm>> -> memref<32x256xf32, #tpu.memory_space<hbm>>
    %dma_wait3A_65 = arith.constant 0 : i32
    %dma_wait3A_66 = tpu.memref_slice %arg4[%add3A_63, %dma_wait3A_65] : memref<65536x256xf32, #tpu.memory_space<hbm>> -> memref<32x256xf32, #tpu.memory_space<hbm>>
    tpu.wait_dma2 semaphore(%arg18 : memref<!tpu.dma_semaphore, #tpu.memory_space<semaphore_mem>>) src(%arg10 : memref<32x256xf32, #tpu.memory_space<vmem>>) dst(%dma_wait3A_66 : memref<32x256xf32, #tpu.memory_space<hbm>>)
    %add3A_67 = arith.constant 1952 : i32
    %add3A_68 = arith.addi %mul3A_2, %add3A_67 : i32
    %dma_wait3A_69 = arith.constant 0 : i32
    %dma_wait3A_70 = tpu.memref_slice %arg4[%add3A_68, %dma_wait3A_69] : memref<65536x256xf32, #tpu.memory_space<hbm>> -> memref<32x256xf32, #tpu.memory_space<hbm>>
    %dma_wait3A_71 = arith.constant 0 : i32
    %dma_wait3A_72 = tpu.memref_slice %arg4[%add3A_68, %dma_wait3A_71] : memref<65536x256xf32, #tpu.memory_space<hbm>> -> memref<32x256xf32, #tpu.memory_space<hbm>>
    tpu.wait_dma2 semaphore(%arg19 : memref<!tpu.dma_semaphore, #tpu.memory_space<semaphore_mem>>) src(%arg11 : memref<32x256xf32, #tpu.memory_space<vmem>>) dst(%dma_wait3A_72 : memref<32x256xf32, #tpu.memory_space<hbm>>)
    %add3A_73 = arith.constant 1984 : i32
    %add3A_74 = arith.addi %mul3A_2, %add3A_73 : i32
    %dma_wait3A_75 = arith.constant 0 : i32
    %dma_wait3A_76 = tpu.memref_slice %arg4[%add3A_74, %dma_wait3A_75] : memref<65536x256xf32, #tpu.memory_space<hbm>> -> memref<32x256xf32, #tpu.memory_space<hbm>>
    %dma_wait3A_77 = arith.constant 0 : i32
    %dma_wait3A_78 = tpu.memref_slice %arg4[%add3A_74, %dma_wait3A_77] : memref<65536x256xf32, #tpu.memory_space<hbm>> -> memref<32x256xf32, #tpu.memory_space<hbm>>
    tpu.wait_dma2 semaphore(%arg20 : memref<!tpu.dma_semaphore, #tpu.memory_space<semaphore_mem>>) src(%arg12 : memref<32x256xf32, #tpu.memory_space<vmem>>) dst(%dma_wait3A_78 : memref<32x256xf32, #tpu.memory_space<hbm>>)
    %add3A_79 = arith.constant 2016 : i32
    %add3A_80 = arith.addi %mul3A_2, %add3A_79 : i32
    %dma_wait3A_81 = arith.constant 0 : i32
    %dma_wait3A_82 = tpu.memref_slice %arg4[%add3A_80, %dma_wait3A_81] : memref<65536x256xf32, #tpu.memory_space<hbm>> -> memref<32x256xf32, #tpu.memory_space<hbm>>
    %dma_wait3A_83 = arith.constant 0 : i32
    %dma_wait3A_84 = tpu.memref_slice %arg4[%add3A_80, %dma_wait3A_83] : memref<65536x256xf32, #tpu.memory_space<hbm>> -> memref<32x256xf32, #tpu.memory_space<hbm>>
    tpu.wait_dma2 semaphore(%arg21 : memref<!tpu.dma_semaphore, #tpu.memory_space<semaphore_mem>>) src(%arg13 : memref<32x256xf32, #tpu.memory_space<vmem>>) dst(%dma_wait3A_84 : memref<32x256xf32, #tpu.memory_space<hbm>>)
    return
  }
}

</mosaic_0001>

<sc_bundles>
// kernel: kernel.3.cloned.1.call-start
scs
__scs_entry_jumppad:
0x0: {  	(pc) =	sbr.rel $0x88, $3  }
0x1: {  	(tag) =	ssettag $0x0;
	lr =	simm.s32 $0x1  }
0x2: {  	[smem:$0x3F9F] =	sst lr;
	_ =	strace $0xD0000000  }
0x3: {  	_ = 	snop  }
0x4: {  	_ = 	snop  }
0x5: {  	_ = 	snop  }
0x6: {  	_ = 	snop  }
0x7: {  	_ = 	snop  }
__scs_overlays_trampoline_lowered:
0x8: {  	[smem:$0x3FAE] =	sst s0  }
0x9: {  	[smem:$0x3FAF] =	sst s1  }
0xa: {  	[smem:$0x3FB0] =	sst s2  }
0xb: {  	[smem:$0x3FB1] =	sst s3  }
0xc: {  	[smem:$0x3FB2] =	sst s4  }
0xd: {  	[smem:$0x3FB3] =	sst s5  }
0xe: {  	[smem:$0x3FB4] =	sst s6  }
0xf: {  	[smem:$0x3FB5] =	sst s7  }
0x10: {  	[smem:$0x3FB6] =	sst s8  }
0x11: {  	[smem:$0x3FB7] =	sst s9;
	s0 =	simm.s32 @!p0 $0x0  }
0x12: {  	s1 =	sld [smem:$0x3F9D];
	s0 =	simm.s32 @p0 $0x1  }
0x13: {  	[smem:$0x3FB8] =	sst s0;
	s0 =	simm.s32 @!p1 $0x0  }
0x14: {  	s2 =	sld [smem:$0x3F9C];
	s0 =	simm.s32 @p1 $0x1  }
0x15: {  	[smem:$0x3FB9] =	sst s0;
	s0 =	simm.s32 @!p2 $0x0  }
0x16: {  	s3 =	sld [smem:$0x3FDB];
	s0 =	simm.s32 @p2 $0x1  }
0x17: {  	s4 =	simm.s32 $0x1BF5;
	[smem:$0x3FBB] =	sst s0  }
0x18: {  	s0 =	sld [smem:$0x3F9E];
	_ =	swait.ge [sflag:s4], $0x0  }
0x19: {  	s7 =	sld [smem:$0x3F9F]  }
0x1a: {  	s8 =	sadd.s32 $0xFFFFE003, lr  }
0x1b: {  	s9 =	sadd.s32 $0xFFFFFEF7, lr;
	s5 =	simm.s32 $0xFFFFFFFF;
	p2 =	slt.u32 s8, $0xFFFFF086  }
0x1c: {  	p1 =	slt.u32 s9, $0xF7A;
	s5 =	simm.s32 @!p2 $0x0  }
0x1d: {  	s5 =	simm.s32 @p1 $0x1;
	p0 =	seq.s32 s7, s2  }
0x1e: {  	s7 =	smul.u32 @!p0 $0xF7A, s2;
	p2 =	seq.s32 @!p0 s5, $0x0  }
0x1f: {  	s9 =	smul.u32 $0xF7A, s1;
	s8 =	simm.s32 @!p0 $0x1BF5;
	p2 =	por !p2, p0  }
0x20: {  	[sflag:s8] =	ssyncset.s32 @!p0 $0xFFFFF086;
	s6 =	sadd.s32 @!p0 s3, s7;
	s7 =	simm.s32 @!p0 $0x108  }
0x21: {  	s3 =	sadd.s32 s3, s9;
	s6 =	sadd.s32 @!p0 $0x88, s6;
	s7 =	simm.s32 @p2 $0x1082  }
0x22: {  	[simem:s7], [sflag:s8] =	dma.local @!p0 [hbm:s6], $0xF7A  }
0x23: {  	s9 =	sor.u32 $0xD0000000, s2;
	s6 =	simm.s32 $0x108;
	_ =	swait.ge @!p0 [sflag:s8], $0x0  }
0x24: {  	s3 =	sadd.s32 $0x88, s3;
	s6 =	simm.s32 @!p1 $0x1082;
	[sflag:s4] =	ssyncset.s32 $0xFFFFF086  }
0x25: {  	[simem:s6], [sflag:s4] =	dma.local [hbm:s3], $0xF7A  }
0x26: {  	[smem:$0x3F9F] =	sst s1;
	(tag) =	ssettag s2;
	_ =	strace s9  }
0x27: {  	s1 =	sld [smem:$0x3FAF]  }
0x28: {  	s2 =	sld [smem:$0x3FB0]  }
0x29: {  	s4 =	sld [smem:$0x3FB2]  }
0x2a: {  	p0 =	seq.s32 s5, $0x0;
	s5 =	sld [smem:$0x3FB3]  }
0x2b: {  	s6 =	sld [smem:$0x3FB4]  }
0x2c: {  	s7 =	sld [smem:$0x3FB5]  }
0x2d: {  	s3 =	simm.s32 $0x108;
	s8 =	sld [smem:$0x3FB6]  }
0x2e: {  	s3 =	simm.s32 @!p0 $0x1082;
	s9 =	sld [smem:$0x3FB7]  }
0x2f: {  	lr =	sadd.s32 s0, s3;
	s0 =	sld [smem:$0x3FAE]  }
0x30: {  	s3 =	sld [smem:$0x3FB1]  }
0x31: {  	[smem:$0x3FBA] =	sst s10  }
0x32: {  	s10 =	sld [smem:$0x3FB8];
	_ =	sdelay $0x3  }
0x33: {  	p0 =	seq.s32 s10, $0x1;
	s10 =	sld [smem:$0x3FBA];
	_ =	sdelay $0x3  }
0x34: {  	[smem:$0x3FBA] =	sst s10  }
0x35: {  	s10 =	sld [smem:$0x3FB9];
	_ =	sdelay $0x3  }
0x36: {  	p1 =	seq.s32 s10, $0x1;
	s10 =	sld [smem:$0x3FBA];
	_ =	sdelay $0x3  }
0x37: {  	[smem:$0x3FBA] =	sst s10  }
0x38: {  	s10 =	sld [smem:$0x3FBB]  }
0x39: {  	_ = 	snop;
	(pc) =	sbr.ind lr, $3  }
0x3a: {  	_ = 	snop  }
0x3b: {  	_ = 	snop  }
0x3c: {  	p2 =	seq.s32 s10, $0x1;
	s10 =	sld [smem:$0x3FBA]  }
0x3d: {  	_ =	shalt  }
0x3e: {  	_ =	shalt  }
0x3f: {  	_ =	shalt  }
0x40: {  	_ =	shalt  }
0x41: {  	_ =	shalt  }
0x42: {  	_ =	shalt  }
0x43: {  	_ =	shalt  }
0x44: {  	_ =	shalt  }
0x45: {  	_ =	shalt  }
0x46: {  	_ =	shalt  }
0x47: {  	_ =	shalt  }
0x48: {  	_ =	shalt  }
0x49: {  	_ =	shalt  }
0x4a: {  	_ =	shalt  }
0x4b: {  	_ =	shalt  }
0x4c: {  	_ =	shalt  }
0x4d: {  	_ =	shalt  }
0x4e: {  	_ =	shalt  }
0x4f: {  	_ =	shalt  }
0x50: {  	_ =	shalt  }
0x51: {  	_ =	shalt  }
0x52: {  	_ =	shalt  }
0x53: {  	_ =	shalt  }
0x54: {  	_ =	shalt  }
0x55: {  	_ =	shalt  }
0x56: {  	_ =	shalt  }
0x57: {  	_ =	shalt  }
0x58: {  	_ =	shalt  }
0x59: {  	_ =	shalt  }
0x5a: {  	_ =	shalt  }
0x5b: {  	_ =	shalt  }
0x5c: {  	_ =	shalt  }
0x5d: {  	_ =	shalt  }
0x5e: {  	_ =	shalt  }
0x5f: {  	_ =	shalt  }
0x60: {  	_ =	shalt  }
0x61: {  	_ =	shalt  }
0x62: {  	_ =	shalt  }
0x63: {  	_ =	shalt  }
0x64: {  	_ =	shalt  }
0x65: {  	_ =	shalt  }
0x66: {  	_ =	shalt  }
0x67: {  	_ =	shalt  }
0x68: {  	_ =	shalt  }
0x69: {  	_ =	shalt  }
0x6a: {  	_ =	shalt  }
0x6b: {  	_ =	shalt  }
0x6c: {  	_ =	shalt  }
0x6d: {  	_ =	shalt  }
0x6e: {  	_ =	shalt  }
0x6f: {  	_ =	shalt  }
0x70: {  	_ =	shalt  }
0x71: {  	_ =	shalt  }
0x72: {  	_ =	shalt  }
0x73: {  	_ =	shalt  }
0x74: {  	_ =	shalt  }
0x75: {  	_ =	shalt  }
0x76: {  	_ =	shalt  }
0x77: {  	_ =	shalt  }
0x78: {  	_ =	shalt  }
0x79: {  	_ =	shalt  }
0x7a: {  	_ =	shalt  }
0x7b: {  	_ =	shalt  }
0x7c: {  	_ =	shalt  }
0x7d: {  	_ =	shalt  }
0x7e: {  	_ =	shalt  }
0x7f: {  	_ =	shalt  }
0x80: {  	_ =	shalt  }
0x81: {  	_ =	shalt  }
0x82: {  	_ =	shalt  }
0x83: {  	_ =	shalt  }
0x84: {  	_ =	shalt  }
0x85: {  	_ =	shalt  }
0x86: {  	_ =	shalt  }
0x87: {  	_ =	shalt  }
.Lfunc_end0:
.L_simem_size_0:
called_computation_lowered:
.L_overlay_start_0:
0x88: {  	s2 =	sld [smem:$0x3FD9]  }
0x89: {  	s3 =	sld [smem:$0x3FFE];
	_ =	sdelay $0x1  }
0x8a: {  	s1 =	srdreg.scid  }
0x8b: {  	s0 =	sand.u32 $0x1, s1  }
0x8c: {  	s18 =	sshll.u32 s0, $0xA;
	s2 =	sadd.s32 s3, s2  }
0x8d: {  	s2 =	sadd.s32 s2, s18  }
0x8e: {  	[smem:$0x3FC6] =	sst s2  }
0x8f: {  	_ = 	snop  }
0x90: {  	s2 =	sld [smem:$0x3FC9]  }
0x91: {  	s19 =	sld [smem:$0x3FC8]  }
0x92: {  	s4 =	sld [smem:$0x3FD0];
	(tm) =	ssettm $0x1  }
0x93: {  	s5 =	sld [smem:$0x3FFB];
	_ =	sdelay $0x3  }
0x94: {  	_ =	strace s5  }
0x95: {  	s5 =	sld [smem:$0x3FFC];
	_ =	sdelay $0x3  }
0x96: {  	_ =	strace s5  }
0x97: {  	s5 =	sld [smem:$0x3FFD];
	_ =	sdelay $0x3  }
0x98: {  	_ =	strace s5  }
0x99: {  	_ =	strace $0x8FFFFFFF  }
0x9a: {  	s20 =	sld [smem:$0x3FDB];
	_ =	sdelay $0x1  }
0x9b: {  	s6 =	simm.s32 $_scs_section_size  }
0x9c: {  	s7 =	simm.s32 $_size__tile_overlayer_lowered;
	s8 =	simm.s32 $_tile_overlayer_lowered  }
0x9d: {  	s23 =	simm.s32 $0x1BFF;
	s22 =	sshll.u32 s8, $0x1;
	s5 =	sadd.s32 s6, s20  }
0x9e: {  	s9 =	simm.s32 $0x0;
	s21 =	sshll.u32 s7, $0x1;
	s7 =	sadd.s32 s22, s5  }
0x9f: {  	[timem:s9], [sflag:s23] =	dma.local [hbm:s7], s21  }
0xa0: {  	_ =	swait.ge [sflag:s23], s21  }
0xa1: {  	s6 =	ssub.s32 $0x0, s21;
	[sflag:s23] =	ssyncset.done $0x0  }
0xa2: {  	[sflag:s23] =	ssyncadd.s32 s6;
	_ =	sdelay $0x1  }
0xa3: {  	s24 =	simm.s32 $0x1B8B  }
0xa4: {  	_ =	swait.ge [sflag:s24], $0x1  }
0xa5: {  	[sflag:s24] =	ssyncset.done $0x0  }
0xa6: {  	s25 =	simm.s32 $0x1B8E;
	[sflag:s24] =	ssyncadd.s32 $0xFFFFFFFF  }
0xa7: {  	s26 =	simm.s32 $execute0_lowered;
	[smem:$0x3FD2] =	sst s25  }
0xa8: {  	s6 =	sshll.u32 s26, $0x1;
	_ =	strace $0x80000046;
	[dreg:$0x1] =	wrdreg $0xFFFFFFFF  }
0xa9: {  	s28 =	simm.s32 $_size_execute0_lowered;
	s5 =	sadd.s32 s5, s6;
	[dreg:$0x0] =	wrdreg $0x0  }
0xaa: {  	s6 =	sshll.u32 s28, $0x1;
	[dreg:$0x2] =	wrdreg s5  }
0xab: {  	[dreg:$0x3] =	wrdreg s6  }
0xac: {  	[dreg:$0x4] =	wrdreg $0xC0  }
0xad: {  	_ =	task [dreg:s9], $0x5FFFF  }
0xae: {  	[dreg:$0x1] =	wrdreg $0xFFFFFFFF  }
0xaf: {  	[dreg:$0x0] =	wrdreg $0x60  }
0xb0: {  	[dreg:$0x2] =	wrdreg s2  }
0xb1: {  	[dreg:$0x3] =	wrdreg s19  }
0xb2: {  	[dreg:$0x4] =	wrdreg s4  }
0xb3: {  	[dreg:$0x5] =	wrdreg $0x9  }
0xb4: {  	_ =	task.clear_ibuf [dreg:s9], $0x6FFFF;
	_ =	strace $0x90000046  }
0xb5: {  	s29 =	simm.s32 $0x9;
	_ =	strace $0x80000048  }
0xb6: {  	_ =	swait.ge [sflag:s29], $0x1  }
0xb7: {  	[sflag:s29] =	ssyncadd.s32 $0xFFFFFFFF  }
0xb8: {  	_ =	strace $0x90000048  }
0xb9: {  	_ =	sfence  }
0xba: {  	s30 =	sld [smem:$0x0];
	_ =	sdelay $0x2  }
0xbb: {  	s31 =	sshll.u32 s1, $0xD;
	s1 =	sshrl.u32 s1, $0x2  }
0xbc: {  	s3 =	sand.u32 $0x4000, s31;
	s1 =	sadd.s32 s1, s30  }
0xbd: {  	s0 =	sor.u32 s3, s0;
	s1 =	sshll.u32 s1, $0x11  }
0xbe: {  	s0 =	sor.u32 s1, s0  }
0xbf: {  	s0 =	sadd.s32 $0x8F2B, s0  }
0xc0: {  	[sflag:s0] =	ssyncadd.remote.s32 $0x1  }
0xc1: {  	_ =	sfence.sel $0xFFFF  }
0xc2: {  	[dreg:$0x0] =	wrdreg $0xFFFFFFFF;
	(pc) =	sbr.abs _section_cstart, $3  }
0xc3: {  	[dreg:$0x1] =	wrdreg $0xFFFFFFFF  }
0xc4: {  	_ =	task.clear_ibuf [dreg:s9], $0x2FFFF;
	_ =	strace $0x9FFFFFFF  }
0xc5: {  	(tm) =	ssettm $0x7FFFFFFF  }
tec
execute0_lowered:
.L_overlay_start_1:
0x0: {  	(tag) =	ssettag $0x1  }
0x1: {  	s0 =	rddreg [dreg:$0x0];
	s1 =	srdreg.scid  }
0x2: {  	s3 =	rddreg [dreg:$0x2];
	s4 =	stileid.u32  }
0x3: {  	s17 =	simm.s32 $0x100;
	s18 =	simm.s32 $0x2100;
	s19 =	simm.s32 $0x4100  }
0x4: {  	s20 =	simm.s32 $0x6100;
	s28 =	simm.s32 $0x7;
	s1 =	sand.u32 $0x1, s1  }
0x5: {  	s30 =	simm.s32 $0x4;
	s5 =	sshll.u32 s4, $0xB;
	s2 =	sshll.u32 s1, $0xF  }
0x6: {  	s4 =	simm.s32 $0x0;
	s1 =	ssub.s32 $0x2, s1;
	s5 =	sor.u32 s5, s2  }
0x7: {  	s22 =	sshrl.u32 s1, $0x1;
	s6 =	smov.u32 s5;
	s5 =	sshll.u32 s5, $0x5  }
0x8: {  	[smem:$0x7FF] =	sst s4;
	s1 =	ssub.s32 s1, s22;
	s0 =	sadd.s32 s0, s5  }
0x9: {  	_ =	strace $0x80000047;
	s31 =	smax.u32 s1, $0x1;
	[dreg:$0x4] =	wrdreg s0  }
0xa: {  	s13 =	sadd.s32 $0x800, s3;
	s23 =	sadd.s32 $0x400, s0;
	[dreg:$0xb] =	wrdreg s31  }
0xb: {  	s2 =	simm.s32 $0x0;
	s24 =	sadd.s32 $0x800, s0;
	[dreg:$0x5] =	wrdreg s23  }
.Ltmp0:
0xc: {  	s25 =	sadd.s32 $0xC00, s0;
	[dreg:$0x6] =	wrdreg s24;
	(pc) =	sbr.rel .LBB2_1-.Ltmp0, $4  }
0xd: {  	s22 =	simm.s32 $0x1;
	s26 =	sadd.s32 $0x1000, s0;
	[dreg:$0x7] =	wrdreg s25  }
0xe: {  	s11 =	smov.u32 s5;
	s29 =	sadd.s32 $0x1400, s0;
	[dreg:$0x8] =	wrdreg s26  }
0xf: {  	s14 =	sadd.s32 $0x1800, s0;
	s0 =	sadd.s32 $0x1C00, s0;
	[dreg:$0x9] =	wrdreg s29  }
0x10: {  	[dreg:$0xa] =	wrdreg s0;
	s24 =	simm.s32 $0x2;
	s26 =	simm.s32 $0x3  }
.LBB2_16:
0x11: {  	s0 =	simm.s32 $0x5  }
0x12: {  	_ =	swait.ge [sflag:s0], $0x2000  }
0x13: {  	[sflag:s0] =	ssyncset.done $0x0  }
0x14: {  	s29 =	simm.s32 $0x6;
	[sflag:s0] =	ssyncadd.s32 $0xFFFFE000  }
0x15: {  	_ =	swait.ge [sflag:s29], $0x2000  }
0x16: {  	[sflag:s29] =	ssyncset.done $0x0  }
0x17: {  	[sflag:s29] =	ssyncadd.s32 $0xFFFFE000  }
0x18: {  	_ =	swait.ge [sflag:s28], $0x2000  }
0x19: {  	[sflag:s28] =	ssyncset.done $0x0  }
0x1a: {  	s1 =	simm.s32 $0x8;
	[sflag:s28] =	ssyncadd.s32 $0xFFFFE000  }
0x1b: {  	_ =	swait.ge [sflag:s1], $0x2000  }
0x1c: {  	s2 =	rddreg [dreg:$0xc]  }
0x1d: {  	s31 =	rddreg [dreg:$0xb];
	s2 =	sadd.s32 $0x1, s2  }
0x1e: {  	p0 =	sne.s32 s2, s31  }
.Ltmp1:
0x1f: {  	_ = 	snop;
	(pc) =	sbr.rel @!p0 .LBB2_17-.Ltmp1, $3  }
0x20: {  	_ =	sdelay $0x1  }
0x21: {  	[sflag:s1] =	ssyncset.done $0x0  }
0x22: {  	[sflag:s1] =	ssyncadd.s32 $0xFFFFE000  }
.LBB2_1:
0x23: {  	[dreg:$0xc] =	wrdreg s2  }
0x24: {  	s0 =	rddreg [dreg:$0x4]  }
0x25: {  	[tilespmem:s17], [sflag:$0x1] =	stream.linear.gather [hbm4b:s0+s4], $0x2000, $0x38;
	[tilespmem:$0x10100] =	vst v63  }
0x26: {  	s21 =	rddreg [dreg:$0x5]  }
0x27: {  	[tilespmem:s18], [sflag:$0x2] =	stream.linear.gather [hbm4b:s21+s4], $0x2000, $0x38;
	[tilespmem:$0x10100] =	vst v63  }
0x28: {  	s23 =	rddreg [dreg:$0x6]  }
0x29: {  	[tilespmem:s19], [sflag:$0x3] =	stream.linear.gather [hbm4b:s23+s4], $0x2000, $0x38;
	[tilespmem:$0x10100] =	vst v63  }
0x2a: {  	s25 =	rddreg [dreg:$0x7]  }
0x2b: {  	[tilespmem:s20], [sflag:$0x4] =	stream.linear.gather [hbm4b:s25+s4], $0x2000, $0x38;
	[tilespmem:$0x10100] =	vst v63  }
0x2c: {  	s29 =	rddreg [dreg:$0x1];
	s31 =	simm.s32 $0x9  }
0x2d: {  	[tilespmem:s4], [sflag:$0x9] =	stream.linear.gather [hbm4b:s29+s4], $0x100, $0x38;
	[tilespmem:$0x10100] =	vst v63  }
0x2e: {  	_ =	swait.ge [sflag:s31], $0x100  }
0x2f: {  	[sflag:s31] =	ssyncset.done $0x0  }
0x30: {  	[sflag:s31] =	ssyncadd.s32 $0xFFFFFF00  }
0x31: {  	v0 =	vld [tilespmem:$0x0]  }
0x32: {  	v1 =	vld [tilespmem:$0x10]  }
0x33: {  	v2 =	vld [tilespmem:$0x20]  }
0x34: {  	v3 =	vld [tilespmem:$0x30];
	_ =	sdelay $0x1  }
0x35: {  	v6 =	vld [tilespmem:$0x50];
	v5 =	vshll.u32 v0, $0x3  }
0x36: {  	v4 =	vld [tilespmem:$0x40];
	v0 =	vand.u32 $0x7F, v0;
	v7 =	vshll.u32 v1, $0x3;
	v1 =	vand.u32 $0x7F, v1  }
0x37: {  	v8 =	vand.u32 $0x7F, v2;
	v2 =	vshll.u32 v2, $0x3;
	v5 =	vand.u32 $0xFFFFFC00, v5  }
0x38: {  	v9 =	vshll.u32 v3, $0x3;
	v0 =	vor.u32 v0, v5;
	v5 =	vand.u32 $0xFFFFFC00, v7;
	v7 =	vld [tilespmem:$0x60]  }
0x39: {  	v10 =	vld [tilespmem:$0x70];
	v3 =	vand.u32 $0x7F, v3;
	v2 =	vand.u32 $0xFFFFFC00, v2;
	v9 =	vand.u32 $0xFFFFFC00, v9  }
0x3a: {  	v2 =	vor.u32 v8, v2;
	v3 =	vor.u32 v3, v9;
	v8 =	vld [tilespmem:$0x90];
	v9 =	vshll.u32 v6, $0x3  }
0x3b: {  	v11 =	vld [tilespmem:$0x80];
	v1 =	vor.u32 v1, v5;
	v5 =	vand.u32 $0x7F, v4;
	v4 =	vshll.u32 v4, $0x3  }
0x3c: {  	v6 =	vand.u32 $0x7F, v6;
	v9 =	vand.u32 $0xFFFFFC00, v9;
	v4 =	vand.u32 $0xFFFFFC00, v4  }
0x3d: {  	v12 =	vld [tilespmem:$0xA0];
	v4 =	vor.u32 v5, v4;
	v5 =	vor.u32 v6, v9;
	v6 =	vshll.u32 v7, $0x3  }
0x3e: {  	v13 =	vld [tilespmem:$0xB0];
	v9 =	vshll.u32 v10, $0x3;
	v7 =	vand.u32 $0x7F, v7;
	v6 =	vand.u32 $0xFFFFFC00, v6  }
0x3f: {  	v14 =	vld [tilespmem:$0xC0];
	v9 =	vand.u32 $0xFFFFFC00, v9;
	v15 =	vshll.u32 v8, $0x3;
	v6 =	vor.u32 v7, v6  }
0x40: {  	v18 =	vld [tilespmem:$0xE0];
	v7 =	vand.u32 $0x7F, v10;
	v10 =	vand.u32 $0x7F, v11;
	v11 =	vshll.u32 v11, $0x3  }
0x41: {  	v16 =	vld [tilespmem:$0xD0];
	v17 =	vand.u32 $0x7F, v8;
	v15 =	vand.u32 $0xFFFFFC00, v15;
	v11 =	vand.u32 $0xFFFFFC00, v11  }
0x42: {  	v7 =	vor.u32 v7, v9;
	v9 =	vor.u32 v17, v15;
	v8 =	vor.u32 v10, v11  }
0x43: {  	v15 =	vld [tilespmem:$0xF0];
	v10 =	vand.u32 $0x7F, v12;
	v11 =	vshll.u32 v12, $0x3;
	v12 =	vshll.u32 v13, $0x3  }
0x44: {  	v13 =	vand.u32 $0x7F, v13;
	v11 =	vand.u32 $0xFFFFFC00, v11;
	v12 =	vand.u32 $0xFFFFFC00, v12  }
0x45: {  	v17 =	vshll.u32 v18, $0x3;
	v10 =	vor.u32 v10, v11;
	v11 =	vor.u32 v13, v12  }
0x46: {  	v12 =	vshll.u32 v14, $0x3;
	v13 =	vand.u32 $0x7F, v14;
	v14 =	vshll.u32 v16, $0x3  }
0x47: {  	v17 =	vand.u32 $0xFFFFFC00, v17;
	v12 =	vand.u32 $0xFFFFFC00, v12;
	v14 =	vand.u32 $0xFFFFFC00, v14  }
0x48: {  	v12 =	vor.u32 v13, v12;
	v13 =	vand.u32 $0x7F, v16;
	v63 =	vshll.u32 v15, $0x3  }
0x49: {  	v16 =	vand.u32 $0x7F, v18;
	v15 =	vand.u32 $0x7F, v15;
	v18 =	vand.u32 $0xFFFFFC00, v63  }
0x4a: {  	s9 =	simm.s32 $0x0;
	v13 =	vor.u32 v13, v14;
	v14 =	vor.u32 v16, v17;
	v15 =	vor.u32 v15, v18  }
.LBB2_2:
0x4b: {  	s0 =	simm.s32 $0x0  }
0x4c: {  	v16 =	vmov s0  }
0x4d: {  	v17 =	vshll.u32 v16, $0x8  }
0x4e: {  	v16 =	vshll.u32 v16, $0x7;
	v29 =	vand.u32 $0x1800, v17  }
0x4f: {  	_ =	swait.ge [sflag:s22], $0x2000;
	v28 =	vand.u32 $0x380, v16;
	v16 =	vadd.s32 v0, v29  }
0x50: {  	p0 =	seq.s32 s9, $0x0;
	[sflag:s22] =	ssyncset.done $0x0;
	v16 =	vor.u32 v28, v16  }
0x51: {  	s1 =	simm.s32 @!p0 $0x5;
	[sflag:s22] =	ssyncadd.s32 $0xFFFFE000  }
0x52: {  	_ =	swait.ge @!p0 [sflag:s1], $0x2000  }
0x53: {  	[sflag:s1] =	ssyncset.done @!p0 $0x0  }
0x54: {  	[sflag:s1] =	ssyncadd.s32 @!p0 $0xFFFFE000  }
0x55: {  	v17 =	vadd.s32 v1, v29;
	v16 =	vld.idx.msk [tilespmem:v16+s17+$0x0], $0xffff  }
0x56: {  	v17 =	vor.u32 v28, v17;
	_ =	sdelay $0x1  }
0x57: {  	s23 =	sand.u32 $0x1800, s0;
	s0 =	sand.u32 $0x380, s0  }
0x58: {  	s2 =	simm.s32 $0x1;
	s8 =	sor.u32 s0, s23  }
0x59: {  	v18 =	vmov s2;
	[tilespmem:s8+$0x8100] =	vst v16  }
0x5a: {  	v19 =	vadd.s32 v2, v29;
	v16 =	vld.idx.msk [tilespmem:v17+s17+$0x0], $0xffff;
	v17 =	vshll.u32 v18, $0x8  }
0x5b: {  	v18 =	vshll.u32 v18, $0x7;
	v20 =	vand.u32 $0x1800, v17;
	v17 =	vor.u32 v28, v19  }
0x5c: {  	v19 =	vand.u32 $0x380, v18;
	v18 =	vadd.s32 v0, v20  }
0x5d: {  	v18 =	vor.u32 v19, v18;
	_ =	sdelay $0x1  }
0x5e: {  	[tilespmem:s8+$0x8110] =	vst v16  }
0x5f: {  	v16 =	vld.idx.msk [tilespmem:v17+s17+$0x0], $0xffff;
	v17 =	vadd.s32 v3, v29  }
0x60: {  	v17 =	vor.u32 v28, v17  }
0x61: {  	v21 =	vadd.s32 v1, v20;
	v18 =	vld.idx.msk [tilespmem:v18+s17+$0x0], $0xffff  }
0x62: {  	v21 =	vor.u32 v19, v21  }
0x63: {  	s25 =	simm.s32 $0x80;
	s29 =	simm.s32 $0x100  }
0x64: {  	s0 =	sand.u32 $0x380, s25;
	s1 =	sand.u32 $0x1800, s29;
	[tilespmem:s8+$0x8120] =	vst v16  }
0x65: {  	s31 =	simm.s32 $0x2;
	s0 =	sor.u32 s0, s1;
	v16 =	vadd.s32 v4, v29;
	v22 =	vld.idx.msk [tilespmem:v17+s17+$0x0], $0xffff  }
0x66: {  	v17 =	vmov s31;
	[tilespmem:s0+$0x8100] =	vst v18;
	v18 =	vor.u32 v28, v16  }
0x67: {  	v23 =	vadd.s32 v2, v20;
	v16 =	vshll.u32 v17, $0x8;
	v21 =	vld.idx.msk [tilespmem:v21+s17+$0x0], $0xffff  }
0x68: {  	v23 =	vor.u32 v19, v23;
	v24 =	vshll.u32 v17, $0x7;
	v17 =	vand.u32 $0x1800, v16  }
0x69: {  	v16 =	vand.u32 $0x380, v24;
	v24 =	vadd.s32 v0, v17  }
0x6a: {  	v24 =	vor.u32 v16, v24;
	[tilespmem:s8+$0x8130] =	vst v22  }
0x6b: {  	v22 =	vadd.s32 v5, v29;
	v18 =	vld.idx.msk [tilespmem:v18+s17+$0x0], $0xffff  }
0x6c: {  	[tilespmem:s0+$0x8110] =	vst v21;
	v21 =	vor.u32 v28, v22  }
0x6d: {  	v22 =	vld.idx.msk [tilespmem:v23+s17+$0x0], $0xffff;
	v23 =	vadd.s32 v3, v20  }
0x6e: {  	v23 =	vor.u32 v19, v23  }
0x6f: {  	v25 =	vadd.s32 v1, v17;
	v24 =	vld.idx.msk [tilespmem:v24+s17+$0x0], $0xffff  }
0x70: {  	v25 =	vor.u32 v16, v25;
	[tilespmem:s8+$0x8140] =	vst v18  }
0x71: {  	s5 =	simm.s32 $0x100;
	s7 =	simm.s32 $0x200;
	v18 =	vadd.s32 v6, v29;
	v21 =	vld.idx.msk [tilespmem:v21+s17+$0x0], $0xffff  }
0x72: {  	s10 =	simm.s32 $0x3;
	s2 =	sand.u32 $0x1800, s7;
	s1 =	sand.u32 $0x380, s5;
	[tilespmem:s0+$0x8120] =	vst v22;
	v22 =	vor.u32 v28, v18  }
0x73: {  	s7 =	sor.u32 s1, s2;
	v26 =	vadd.s32 v4, v20;
	v18 =	vmov s10;
	v23 =	vld.idx.msk [tilespmem:v23+s17+$0x0], $0xffff  }
0x74: {  	[tilespmem:s7+$0x8100] =	vst v24;
	v24 =	vor.u32 v19, v26;
	v26 =	vshll.u32 v18, $0x8  }
0x75: {  	v30 =	vadd.s32 v2, v17;
	v27 =	vshll.u32 v18, $0x7;
	v25 =	vld.idx.msk [tilespmem:v25+s17+$0x0], $0xffff;
	v18 =	vand.u32 $0x1800, v26  }
0x76: {  	v26 =	vor.u32 v16, v30;
	[tilespmem:s8+$0x8150] =	vst v21;
	v21 =	vand.u32 $0x380, v27;
	v27 =	vadd.s32 v0, v18  }
0x77: {  	v30 =	vadd.s32 v7, v29;
	v22 =	vld.idx.msk [tilespmem:v22+s17+$0x0], $0xffff;
	v27 =	vor.u32 v21, v27  }
0x78: {  	[tilespmem:s0+$0x8130] =	vst v23;
	v23 =	vor.u32 v28, v30  }
0x79: {  	v30 =	vadd.s32 v5, v20;
	v24 =	vld.idx.msk [tilespmem:v24+s17+$0x0], $0xffff  }
0x7a: {  	[tilespmem:s7+$0x8110] =	vst v25;
	v25 =	vor.u32 v19, v30  }
0x7b: {  	v30 =	vadd.s32 v3, v17;
	v26 =	vld.idx.msk [tilespmem:v26+s17+$0x0], $0xffff  }
0x7c: {  	v30 =	vor.u32 v16, v30;
	v27 =	vld.idx.msk [tilespmem:v27+s17+$0x0], $0xffff;
	[tilespmem:s8+$0x8160] =	vst v22;
	v22 =	vadd.s32 v1, v18  }
0x7d: {  	v31 =	vadd.s32 v8, v29;
	v23 =	vld.idx.msk [tilespmem:v23+s17+$0x0], $0xffff;
	v22 =	vor.u32 v21, v22  }
0x7e: {  	s12 =	simm.s32 $0x300;
	s10 =	simm.s32 $0x180;
	[tilespmem:s0+$0x8140] =	vst v24;
	v24 =	vor.u32 v28, v31  }
0x7f: {  	s2 =	sand.u32 $0x1800, s12;
	s1 =	sand.u32 $0x380, s10;
	v31 =	vadd.s32 v6, v20;
	v25 =	vld.idx.msk [tilespmem:v25+s17+$0x0], $0xffff  }
0x80: {  	s15 =	simm.s32 $0x4;
	s1 =	sor.u32 s1, s2;
	[tilespmem:s7+$0x8120] =	vst v26;
	v26 =	vor.u32 v19, v31  }
0x81: {  	v34 =	vadd.s32 v9, v29;
	v31 =	vmov s15;
	v30 =	vld.idx.msk [tilespmem:v30+s17+$0x0], $0xffff;
	[tilespmem:s1+$0x8100] =	vst v27;
	v27 =	vadd.s32 v4, v17  }
0x82: {  	v33 =	vld.idx.msk [tilespmem:v22+s17+$0x0], $0xffff;
	v27 =	vor.u32 v16, v27;
	[tilespmem:s8+$0x8170] =	vst v23;
	v22 =	vshll.u32 v31, $0x8;
	v23 =	vadd.s32 v2, v18  }
0x83: {  	v32 =	vshll.u32 v31, $0x7;
	v24 =	vld.idx.msk [tilespmem:v24+s17+$0x0], $0xffff;
	v22 =	vand.u32 $0x1800, v22;
	v31 =	vor.u32 v21, v23  }
0x84: {  	v37 =	vor.u32 v28, v34;
	v23 =	vand.u32 $0x380, v32;
	[tilespmem:s0+$0x8150] =	vst v25;
	v25 =	vadd.s32 v0, v22  }
0x85: {  	v38 =	vadd.s32 v7, v20;
	v26 =	vld.idx.msk [tilespmem:v26+s17+$0x0], $0xffff;
	v25 =	vor.u32 v23, v25  }
0x86: {  	[tilespmem:s7+$0x8130] =	vst v30;
	v30 =	vor.u32 v19, v38  }
0x87: {  	v39 =	vadd.s32 v5, v17;
	v27 =	vld.idx.msk [tilespmem:v27+s17+$0x0], $0xffff;
	[tilespmem:s1+$0x8110] =	vst v33  }
0x88: {  	v33 =	vor.u32 v16, v39;
	v31 =	vld.idx.msk [tilespmem:v31+s17+$0x0], $0xffff;
	[tilespmem:s8+$0x8500] =	vst v24;
	v24 =	vadd.s32 v3, v18  }
0x89: {  	v40 =	vadd.s32 v10, v29;
	v32 =	vld.idx.msk [tilespmem:v37+s17+$0x0], $0xffff;
	v24 =	vor.u32 v21, v24  }
0x8a: {  	v34 =	vor.u32 v28, v40;
	v25 =	vld.idx.msk [tilespmem:v25+s17+$0x0], $0xffff;
	[tilespmem:s0+$0x8160] =	vst v26;
	v26 =	vadd.s32 v1, v22  }
0x8b: {  	v35 =	vadd.s32 v8, v20;
	v30 =	vld.idx.msk [tilespmem:v30+s17+$0x0], $0xffff;
	v26 =	vor.u32 v23, v26  }
0x8c: {  	s16 =	simm.s32 $0x200;
	s21 =	simm.s32 $0x400;
	[tilespmem:s7+$0x8140] =	vst v27;
	v27 =	vor.u32 v19, v35  }
0x8d: {  	v36 =	vadd.s32 v11, v29;
	s10 =	sand.u32 $0x1800, s21;
	s2 =	sand.u32 $0x380, s16;
	v33 =	vld.idx.msk [tilespmem:v33+s17+$0x0], $0xffff;
	[tilespmem:s1+$0x8120] =	vst v31;
	v31 =	vadd.s32 v6, v17  }
0x8e: {  	s12 =	simm.s32 $0x5;
	s2 =	sor.u32 s2, s10;
	v42 =	vadd.s32 v4, v18;
	v41 =	vld.idx.msk [tilespmem:v24+s17+$0x0], $0xffff;
	v31 =	vor.u32 v16, v31;
	[tilespmem:s8+$0x8510] =	vst v32  }
0x8f: {  	v36 =	vor.u32 v28, v36;
	v24 =	vmov s12;
	v32 =	vor.u32 v21, v42;
	[tilespmem:s2+$0x8100] =	vst v25;
	v34 =	vld.idx.msk [tilespmem:v34+s17+$0x0], $0xffff  }
0x90: {  	v25 =	vshll.u32 v24, $0x7;
	v24 =	vshll.u32 v24, $0x8;
	v26 =	vld.idx.msk [tilespmem:v26+s17+$0x0], $0xffff;
	[tilespmem:s0+$0x8170] =	vst v30;
	v30 =	vadd.s32 v2, v22  }
0x91: {  	v37 =	vadd.s32 v9, v20;
	v24 =	vand.u32 $0x1800, v24;
	v27 =	vld.idx.msk [tilespmem:v27+s17+$0x0], $0xffff;
	v30 =	vor.u32 v23, v30  }
0x92: {  	v37 =	vor.u32 v19, v37;
	v25 =	vand.u32 $0x380, v25;
	v43 =	vadd.s32 v0, v24;
	[tilespmem:s7+$0x8150] =	vst v33  }
0x93: {  	v44 =	vadd.s32 v7, v17;
	v33 =	vor.u32 v25, v43;
	v31 =	vld.idx.msk [tilespmem:v31+s17+$0x0], $0xffff;
	[tilespmem:s1+$0x8130] =	vst v41  }
0x94: {  	v45 =	vadd.s32 v5, v18;
	v35 =	vor.u32 v16, v44;
	v32 =	vld.idx.msk [tilespmem:v32+s17+$0x0], $0xffff;
	[tilespmem:s8+$0x8520] =	vst v34  }
0x95: {  	v46 =	vadd.s32 v12, v29;
	v34 =	vor.u32 v21, v45;
	[tilespmem:s2+$0x8110] =	vst v26;
	v26 =	vld.idx.msk [tilespmem:v36+s17+$0x0], $0xffff  }
0x96: {  	v36 =	vor.u32 v28, v46;
	v30 =	vld.idx.msk [tilespmem:v30+s17+$0x0], $0xffff;
	[tilespmem:s0+$0x8500] =	vst v27;
	v27 =	vadd.s32 v3, v22  }
0x97: {  	v47 =	vadd.s32 v8, v17;
	v38 =	vadd.s32 v10, v20;
	v37 =	vld.idx.msk [tilespmem:v37+s17+$0x0], $0xffff;
	v27 =	vor.u32 v23, v27  }
0x98: {  	v38 =	vor.u32 v19, v38;
	v33 =	vld.idx.msk [tilespmem:v33+s17+$0x0], $0xffff;
	[tilespmem:s7+$0x8160] =	vst v31;
	v31 =	vadd.s32 v1, v24  }
0x99: {  	v49 =	vadd.s32 v4, v22;
	v35 =	vld.idx.msk [tilespmem:v35+s17+$0x0], $0xffff;
	v31 =	vor.u32 v25, v31;
	[tilespmem:s1+$0x8140] =	vst v32  }
0x9a: {  	s23 =	simm.s32 $0x280;
	s25 =	simm.s32 $0x500;
	v32 =	vor.u32 v16, v47;
	v34 =	vld.idx.msk [tilespmem:v34+s17+$0x0], $0xffff;
	[tilespmem:s8+$0x8530] =	vst v26;
	v26 =	vadd.s32 v6, v18  }
0x9b: {  	s10 =	sand.u32 $0x380, s23;
	s12 =	sand.u32 $0x1800, s25;
	[tilespmem:s2+$0x8120] =	vst v30;
	v30 =	vld.idx.msk [tilespmem:v36+s17+$0x0], $0xffff;
	v48 =	vor.u32 v21, v26;
	v26 =	vadd.s32 v13, v29  }
0x9c: {  	s15 =	simm.s32 $0x6;
	s12 =	sor.u32 s10, s12;
	v52 =	vadd.s32 v2, v24;
	v39 =	vld.idx.msk [tilespmem:v27+s17+$0x0], $0xffff;
	[tilespmem:s0+$0x8510] =	vst v37;
	v40 =	vor.u32 v28, v26  }
0x9d: {  	v27 =	vmov s15;
	[tilespmem:s12+$0x8100] =	vst v33;
	v37 =	vor.u32 v23, v49;
	v26 =	vadd.s32 v11, v20;
	v50 =	vld.idx.msk [tilespmem:v38+s17+$0x0], $0xffff  }
0x9e: {  	v51 =	vshll.u32 v27, $0x7;
	v27 =	vshll.u32 v27, $0x8;
	v41 =	vor.u32 v19, v26;
	v31 =	vld.idx.msk [tilespmem:v31+s17+$0x0], $0xffff;
	[tilespmem:s7+$0x8170] =	vst v35  }
0x9f: {  	v53 =	vadd.s32 v9, v17;
	v26 =	vand.u32 $0x1800, v27;
	v35 =	vor.u32 v25, v52;
	v32 =	vld.idx.msk [tilespmem:v32+s17+$0x0], $0xffff;
	[tilespmem:s1+$0x8150] =	vst v34  }
0xa0: {  	v27 =	vand.u32 $0x380, v51;
	v54 =	vadd.s32 v0, v26;
	v34 =	vor.u32 v16, v53;
	v36 =	vld.idx.msk [tilespmem:v48+s17+$0x0], $0xffff;
	[tilespmem:s8+$0x8540] =	vst v30  }
0xa1: {  	v55 =	vadd.s32 v7, v18;
	v30 =	vor.u32 v27, v54;
	[tilespmem:s2+$0x8130] =	vst v39;
	v56 =	vld.idx.msk [tilespmem:v40+s17+$0x0], $0xffff  }
0xa2: {  	v57 =	vadd.s32 v14, v29;
	v38 =	vor.u32 v21, v55;
	v37 =	vld.idx.msk [tilespmem:v37+s17+$0x0], $0xffff;
	[tilespmem:s0+$0x8520] =	vst v50  }
0xa3: {  	v33 =	vor.u32 v28, v57;
	[tilespmem:s12+$0x8110] =	vst v31;
	v31 =	vadd.s32 v5, v22;
	v58 =	vld.idx.msk [tilespmem:v41+s17+$0x0], $0xffff  }
0xa4: {  	v59 =	vld.idx.msk [tilespmem:v35+s17+$0x0], $0xffff;
	v60 =	vor.u32 v23, v31;
	[tilespmem:s7+$0x8500] =	vst v32;
	v31 =	vadd.s32 v12, v20  }
0xa5: {  	v61 =	vadd.s32 v3, v24;
	v34 =	vld.idx.msk [tilespmem:v34+s17+$0x0], $0xffff;
	v42 =	vor.u32 v19, v31  }
0xa6: {  	v32 =	vor.u32 v25, v61;
	v43 =	vld.idx.msk [tilespmem:v30+s17+$0x0], $0xffff;
	[tilespmem:s1+$0x8160] =	vst v36;
	v30 =	vadd.s32 v10, v17  }
0xa7: {  	v31 =	vadd.s32 v1, v26;
	v38 =	vld.idx.msk [tilespmem:v38+s17+$0x0], $0xffff;
	v44 =	vor.u32 v16, v30;
	[tilespmem:s8+$0x8550] =	vst v56  }
0xa8: {  	v62 =	vadd.s32 v6, v22;
	v45 =	vor.u32 v27, v31;
	[tilespmem:s2+$0x8140] =	vst v37;
	v31 =	vld.idx.msk [tilespmem:v33+s17+$0x0], $0xffff  }
0xa9: {  	s21 =	simm.s32 $0x300;
	s23 =	simm.s32 $0x600;
	v63 =	vadd.s32 v4, v24;
	v30 =	vadd.s32 v8, v18;
	[tilespmem:s0+$0x8530] =	vst v58;
	v36 =	vld.idx.msk [tilespmem:v60+s17+$0x0], $0xffff  }
0xaa: {  	s31 =	sand.u32 $0x380, s21;
	s29 =	sand.u32 $0x1800, s23;
	v29 =	vadd.s32 v15, v29;
	v35 =	vor.u32 v21, v30;
	[tilespmem:s12+$0x8120] =	vst v59;
	v33 =	vld.idx.msk [tilespmem:v42+s17+$0x0], $0xffff  }
0xab: {  	s16 =	sor.u32 s31, s29;
	s25 =	simm.s32 $0x7;
	v40 =	vor.u32 v25, v63;
	v30 =	vor.u32 v28, v29;
	v39 =	vld.idx.msk [tilespmem:v32+s17+$0x0], $0xffff;
	[tilespmem:s7+$0x8510] =	vst v34  }
0xac: {  	v37 =	vor.u32 v23, v62;
	v28 =	vadd.s32 v13, v20;
	v29 =	vmov s25;
	[tilespmem:s16+$0x8100] =	vst v43;
	v34 =	vld.idx.msk [tilespmem:v44+s17+$0x0], $0xffff  }
0xad: {  	s10 =	sshll.u32 s9, $0xC;
	s25 =	simm.s32 $0x8;
	v32 =	vor.u32 v19, v28;
	v28 =	vshll.u32 v29, $0x7;
	v41 =	vld.idx.msk [tilespmem:v45+s17+$0x0], $0xffff;
	[tilespmem:s1+$0x8170] =	vst v38;
	v38 =	vadd.s32 v11, v17  }
.LBB2_3:
0xae: {  	v29 =	vshll.u32 v29, $0x8;
	v42 =	vadd.s32 v2, v26;
	v38 =	vor.u32 v16, v38  }
0xaf: {  	p1 =	sne.s32 s25, $0x1F;
	v35 =	vld.idx.msk [tilespmem:v35+s17+$0x0], $0xffff;
	[tilespmem:s8+$0x8560] =	vst v31;
	v43 =	vmovc v24;
	v24 =	vmovc v26;
	v44 =	vmov v19;
	v19 =	vmov v16;
	v16 =	vmov v21  }
0xb0: {  	v26 =	vand.u32 $0x1800, v29;
	v29 =	vor.u32 v27, v42;
	[tilespmem:s2+$0x8150] =	vst v36;
	v42 =	vadd.s32 v9, v18;
	v30 =	vld.idx.msk [tilespmem:v30+s17+$0x0], $0xffff  }
0xb1: {  	v28 =	vand.u32 $0x380, v28;
	v31 =	vadd.s32 v0, v26;
	v36 =	vld.idx.msk [tilespmem:v37+s17+$0x0], $0xffff;
	v37 =	vor.u32 v16, v42;
	[tilespmem:s0+$0x8540] =	vst v33  }
0xb2: {  	v21 =	vmov v23;
	v33 =	vadd.s32 v7, v22;
	v31 =	vor.u32 v28, v31;
	[tilespmem:s12+$0x8130] =	vst v39;
	v32 =	vld.idx.msk [tilespmem:v32+s17+$0x0], $0xffff  }
0xb3: {  	v23 =	vmov v25;
	v33 =	vor.u32 v21, v33;
	v39 =	vld.idx.msk [tilespmem:v40+s17+$0x0], $0xffff;
	[tilespmem:s7+$0x8520] =	vst v34;
	v34 =	vadd.s32 v14, v20  }
0xb4: {  	v25 =	vmov v27;
	v40 =	vadd.s32 v5, v43;
	[tilespmem:s16+$0x8110] =	vst v41;
	v38 =	vld.idx.msk [tilespmem:v38+s17+$0x0], $0xffff;
	v34 =	vor.u32 v44, v34  }
0xb5: {  	v27 =	vmov v28;
	v40 =	vor.u32 v23, v40;
	v29 =	vld.idx.msk [tilespmem:v29+s17+$0x0], $0xffff;
	[tilespmem:s1+$0x8500] =	vst v35;
	v35 =	vadd.s32 v12, v17  }
0xb6: {  	v28 =	vadd.s32 v3, v24;
	v41 =	vld.idx.msk [tilespmem:v37+s17+$0x0], $0xffff;
	v37 =	vor.u32 v19, v35;
	[tilespmem:s8+$0x8570] =	vst v30;
	s8 =	smov.u32 s0;
	s0 =	smov.u32 s7;
	s7 =	smov.u32 s1  }
0xb7: {  	v28 =	vor.u32 v25, v28;
	v30 =	vadd.s32 v10, v18;
	s1 =	smov.u32 s2;
	v42 =	vld.idx.msk [tilespmem:v31+s17+$0x0], $0xffff;
	[tilespmem:s2+$0x8160] =	vst v36;
	s2 =	smov.u32 s12;
	s12 =	smov.u32 s16  }
0xb8: {  	v31 =	vadd.s32 v1, v26;
	v46 =	vor.u32 v16, v30;
	v45 =	vld.idx.msk [tilespmem:v33+s17+$0x0], $0xffff;
	[tilespmem:s8+$0x8550] =	vst v32  }
0xb9: {  	v30 =	vadd.s32 v8, v22;
	v47 =	vor.u32 v27, v31;
	[tilespmem:s2+$0x8140] =	vst v39;
	v31 =	vld.idx.msk [tilespmem:v34+s17+$0x0], $0xffff  }
.Ltmp2:
0xba: {  	s21 =	sadd.s32 $0x80, s21;
	s23 =	sadd.s32 $0x100, s23;
	v35 =	vor.u32 v21, v30;
	v30 =	vadd.s32 v15, v20;
	v20 =	vmov v17;
	v36 =	vld.idx.msk [tilespmem:v40+s17+$0x0], $0xffff;
	[tilespmem:s0+$0x8530] =	vst v38;
	(pc) =	sbr.rel @p1 .LBB2_3-.Ltmp2, $4  }
0xbb: {  	s15 =	sand.u32 $0x1800, s23;
	s16 =	sand.u32 $0x380, s21;
	v17 =	vmov v18;
	v30 =	vor.u32 v44, v30;
	[tilespmem:s12+$0x8120] =	vst v29;
	v29 =	vadd.s32 v6, v43;
	v33 =	vld.idx.msk [tilespmem:v37+s17+$0x0], $0xffff  }
0xbc: {  	s16 =	sor.u32 s16, s15;
	v18 =	vmov v22;
	v39 =	vld.idx.msk [tilespmem:v28+s17+$0x0], $0xffff;
	v37 =	vor.u32 v23, v29;
	[tilespmem:s7+$0x8510] =	vst v41;
	v28 =	vadd.s32 v13, v20  }
0xbd: {  	v22 =	vmovc v43;
	v38 =	vadd.s32 v4, v24;
	v29 =	vmov s25;
	[tilespmem:s16+$0x8100] =	vst v42;
	v34 =	vld.idx.msk [tilespmem:v46+s17+$0x0], $0xffff;
	v32 =	vor.u32 v19, v28  }
0xbe: {  	v40 =	vor.u32 v25, v38;
	v38 =	vadd.s32 v11, v17;
	s25 =	sadd.s32 $0x1, s25;
	v28 =	vshll.u32 v29, $0x7;
	v41 =	vld.idx.msk [tilespmem:v47+s17+$0x0], $0xffff;
	[tilespmem:s1+$0x8170] =	vst v45  }
0xbf: {  	v29 =	vshll.u32 v29, $0x8  }
0xc0: {  	v29 =	vand.u32 $0x1800, v29  }
0xc1: {  	v28 =	vand.u32 $0x380, v28;
	v42 =	vadd.s32 v0, v29  }
0xc2: {  	v42 =	vor.u32 v28, v42;
	_ =	sdelay $0x4  }
0xc3: {  	v43 =	vadd.s32 v1, v29;
	v42 =	vld.idx.msk [tilespmem:v42+s17+$0x0], $0xffff  }
0xc4: {  	v43 =	vor.u32 v28, v43  }
0xc5: {  	s15 =	sadd.s32 $0x80, s21;
	s25 =	sadd.s32 $0x100, s23  }
0xc6: {  	s21 =	sand.u32 $0x1800, s25;
	s15 =	sand.u32 $0x380, s15  }
0xc7: {  	s21 =	sor.u32 s15, s21  }
0xc8: {  	v44 =	vadd.s32 v2, v26;
	[tilespmem:s21+$0x8100] =	vst v42  }
0xc9: {  	v49 =	vor.u32 v27, v44;
	v50 =	vadd.s32 v2, v29;
	v43 =	vld.idx.msk [tilespmem:v43+s17+$0x0], $0xffff  }
0xca: {  	v44 =	vor.u32 v28, v50;
	_ =	sdelay $0x2  }
0xcb: {  	[tilespmem:s16+$0x8110] =	vst v41  }
0xcc: {  	v51 =	vadd.s32 v3, v26;
	v41 =	vld.idx.msk [tilespmem:v49+s17+$0x0], $0xffff;
	[tilespmem:s21+$0x8110] =	vst v43  }
0xcd: {  	v52 =	vadd.s32 v3, v29;
	v42 =	vor.u32 v27, v51;
	v43 =	vld.idx.msk [tilespmem:v44+s17+$0x0], $0xffff  }
0xce: {  	v44 =	vor.u32 v28, v52;
	_ =	sdelay $0x2  }
0xcf: {  	[tilespmem:s16+$0x8120] =	vst v41  }
0xd0: {  	v53 =	vadd.s32 v4, v26;
	v41 =	vld.idx.msk [tilespmem:v42+s17+$0x0], $0xffff;
	[tilespmem:s21+$0x8120] =	vst v43  }
0xd1: {  	v54 =	vadd.s32 v4, v29;
	v42 =	vor.u32 v27, v53;
	v43 =	vld.idx.msk [tilespmem:v44+s17+$0x0], $0xffff  }
0xd2: {  	v44 =	vor.u32 v28, v54;
	_ =	sdelay $0x1  }
0xd3: {  	[tilespmem:s12+$0x8130] =	vst v39  }
0xd4: {  	v55 =	vadd.s32 v5, v24;
	v39 =	vld.idx.msk [tilespmem:v40+s17+$0x0], $0xffff;
	[tilespmem:s16+$0x8130] =	vst v41  }
0xd5: {  	v56 =	vadd.s32 v5, v26;
	v40 =	vor.u32 v25, v55;
	v41 =	vld.idx.msk [tilespmem:v42+s17+$0x0], $0xffff;
	[tilespmem:s21+$0x8130] =	vst v43  }
0xd6: {  	v57 =	vadd.s32 v5, v29;
	v42 =	vor.u32 v27, v56;
	v43 =	vld.idx.msk [tilespmem:v44+s17+$0x0], $0xffff  }
0xd7: {  	v44 =	vor.u32 v28, v57;
	_ =	sdelay $0x1  }
0xd8: {  	[tilespmem:s12+$0x8140] =	vst v39  }
0xd9: {  	v58 =	vadd.s32 v6, v24;
	v39 =	vld.idx.msk [tilespmem:v40+s17+$0x0], $0xffff;
	[tilespmem:s16+$0x8140] =	vst v41  }
0xda: {  	v59 =	vadd.s32 v6, v26;
	v40 =	vor.u32 v25, v58;
	v41 =	vld.idx.msk [tilespmem:v42+s17+$0x0], $0xffff;
	[tilespmem:s21+$0x8140] =	vst v43  }
0xdb: {  	v60 =	vadd.s32 v6, v29;
	v42 =	vor.u32 v27, v59;
	v43 =	vld.idx.msk [tilespmem:v44+s17+$0x0], $0xffff  }
0xdc: {  	v44 =	vor.u32 v28, v60  }
0xdd: {  	[tilespmem:s2+$0x8150] =	vst v36  }
0xde: {  	v61 =	vadd.s32 v7, v22;
	v36 =	vld.idx.msk [tilespmem:v37+s17+$0x0], $0xffff;
	[tilespmem:s12+$0x8150] =	vst v39  }
0xdf: {  	v62 =	vadd.s32 v7, v24;
	v37 =	vor.u32 v23, v61;
	v39 =	vld.idx.msk [tilespmem:v40+s17+$0x0], $0xffff;
	[tilespmem:s16+$0x8150] =	vst v41  }
0xe0: {  	v63 =	vadd.s32 v7, v26;
	v40 =	vor.u32 v25, v62;
	v41 =	vld.idx.msk [tilespmem:v42+s17+$0x0], $0xffff;
	[tilespmem:s21+$0x8150] =	vst v43  }
0xe1: {  	[tilespmem:s8+$0x8560] =	vst v31;
	v31 =	vor.u32 v27, v63;
	v46 =	vadd.s32 v7, v29;
	v45 =	vld.idx.msk [tilespmem:v44+s17+$0x0], $0xffff  }
0xe2: {  	[tilespmem:s0+$0x8540] =	vst v33;
	v47 =	vor.u32 v28, v46  }
0xe3: {  	v35 =	vld.idx.msk [tilespmem:v35+s17+$0x0], $0xffff;
	[tilespmem:s2+$0x8160] =	vst v36  }
0xe4: {  	v48 =	vadd.s32 v8, v22;
	v36 =	vld.idx.msk [tilespmem:v37+s17+$0x0], $0xffff;
	[tilespmem:s12+$0x8160] =	vst v39  }
0xe5: {  	v49 =	vadd.s32 v8, v24;
	v37 =	vor.u32 v23, v48;
	v39 =	vld.idx.msk [tilespmem:v40+s17+$0x0], $0xffff;
	[tilespmem:s16+$0x8160] =	vst v41  }
0xe6: {  	v50 =	vadd.s32 v8, v26;
	v40 =	vor.u32 v25, v49;
	v31 =	vld.idx.msk [tilespmem:v31+s17+$0x0], $0xffff;
	[tilespmem:s21+$0x8160] =	vst v45  }
0xe7: {  	[tilespmem:s7+$0x8520] =	vst v34;
	v51 =	vor.u32 v27, v50;
	v52 =	vadd.s32 v8, v29;
	v33 =	vld.idx.msk [tilespmem:v47+s17+$0x0], $0xffff  }
0xe8: {  	v30 =	vld.idx.msk [tilespmem:v30+s17+$0x0], $0xffff;
	[tilespmem:s1+$0x8500] =	vst v35;
	v53 =	vor.u32 v28, v52  }
0xe9: {  	v38 =	vor.u32 v16, v38;
	v32 =	vld.idx.msk [tilespmem:v32+s17+$0x0], $0xffff;
	[tilespmem:s2+$0x8170] =	vst v36;
	v54 =	vadd.s32 v9, v18  }
0xea: {  	v37 =	vld.idx.msk [tilespmem:v37+s17+$0x0], $0xffff;
	v56 =	vadd.s32 v9, v22;
	[tilespmem:s12+$0x8170] =	vst v39;
	v55 =	vor.u32 v21, v54  }
0xeb: {  	v58 =	vadd.s32 v9, v24;
	v40 =	vld.idx.msk [tilespmem:v40+s17+$0x0], $0xffff;
	v57 =	vor.u32 v23, v56;
	[tilespmem:s16+$0x8170] =	vst v31  }
0xec: {  	v59 =	vadd.s32 v9, v26;
	v31 =	vor.u32 v25, v58;
	v34 =	vld.idx.msk [tilespmem:v51+s17+$0x0], $0xffff;
	[tilespmem:s21+$0x8170] =	vst v33  }
0xed: {  	[tilespmem:s8+$0x8570] =	vst v30;
	v30 =	vor.u32 v27, v59;
	v60 =	vadd.s32 v9, v29;
	v33 =	vld.idx.msk [tilespmem:v53+s17+$0x0], $0xffff  }
0xee: {  	v61 =	vadd.s32 v14, v20;
	v38 =	vld.idx.msk [tilespmem:v38+s17+$0x0], $0xffff;
	[tilespmem:s0+$0x8550] =	vst v32;
	v62 =	vor.u32 v28, v60  }
0xef: {  	v63 =	vor.u32 v19, v61;
	[tilespmem:s2+$0x8500] =	vst v37;
	v36 =	vld.idx.msk [tilespmem:v55+s17+$0x0], $0xffff;
	v44 =	vadd.s32 v10, v18  }
0xf0: {  	v46 =	vadd.s32 v10, v22;
	[tilespmem:s12+$0x8500] =	vst v40;
	v39 =	vld.idx.msk [tilespmem:v57+s17+$0x0], $0xffff;
	v45 =	vor.u32 v21, v44  }
0xf1: {  	v48 =	vadd.s32 v10, v24;
	v47 =	vor.u32 v23, v46;
	v31 =	vld.idx.msk [tilespmem:v31+s17+$0x0], $0xffff;
	[tilespmem:s16+$0x8500] =	vst v34  }
0xf2: {  	v50 =	vadd.s32 v10, v26;
	v49 =	vor.u32 v25, v48;
	v30 =	vld.idx.msk [tilespmem:v30+s17+$0x0], $0xffff;
	[tilespmem:s21+$0x8500] =	vst v33  }
0xf3: {  	[tilespmem:s7+$0x8530] =	vst v38;
	v52 =	vadd.s32 v10, v29;
	v51 =	vor.u32 v27, v50;
	v32 =	vld.idx.msk [tilespmem:v62+s17+$0x0], $0xffff  }
0xf4: {  	v20 =	vadd.s32 v15, v20;
	v35 =	vld.idx.msk [tilespmem:v63+s17+$0x0], $0xffff;
	v54 =	vor.u32 v28, v52;
	[tilespmem:s1+$0x8510] =	vst v36  }
0xf5: {  	v19 =	vor.u32 v19, v20;
	v56 =	vadd.s32 v11, v18;
	[tilespmem:s2+$0x8510] =	vst v39;
	v37 =	vld.idx.msk [tilespmem:v45+s17+$0x0], $0xffff  }
0xf6: {  	v57 =	vor.u32 v21, v56;
	v58 =	vadd.s32 v11, v22;
	v40 =	vld.idx.msk [tilespmem:v47+s17+$0x0], $0xffff;
	[tilespmem:s12+$0x8510] =	vst v31  }
0xf7: {  	v59 =	vadd.s32 v11, v24;
	v31 =	vor.u32 v23, v58;
	v34 =	vld.idx.msk [tilespmem:v49+s17+$0x0], $0xffff;
	[tilespmem:s16+$0x8510] =	vst v30  }
0xf8: {  	v60 =	vadd.s32 v11, v26;
	v30 =	vor.u32 v25, v59;
	v33 =	vld.idx.msk [tilespmem:v51+s17+$0x0], $0xffff;
	[tilespmem:s21+$0x8510] =	vst v32  }
0xf9: {  	v63 =	vadd.s32 v11, v29;
	[tilespmem:s0+$0x8560] =	vst v35;
	v61 =	vor.u32 v27, v60;
	v62 =	vld.idx.msk [tilespmem:v54+s17+$0x0], $0xffff  }
0xfa: {  	v19 =	vld.idx.msk [tilespmem:v19+s17+$0x0], $0xffff;
	v36 =	vor.u32 v28, v63;
	v53 =	vadd.s32 v12, v17;
	[tilespmem:s1+$0x8520] =	vst v37  }
0xfb: {  	v41 =	vadd.s32 v12, v18;
	v55 =	vor.u32 v16, v53;
	v20 =	vld.idx.msk [tilespmem:v57+s17+$0x0], $0xffff;
	[tilespmem:s2+$0x8520] =	vst v40  }
0xfc: {  	v42 =	vadd.s32 v12, v22;
	v37 =	vor.u32 v21, v41;
	v31 =	vld.idx.msk [tilespmem:v31+s17+$0x0], $0xffff;
	[tilespmem:s12+$0x8520] =	vst v34  }
0xfd: {  	v43 =	vor.u32 v23, v42;
	v44 =	vadd.s32 v12, v24;
	v30 =	vld.idx.msk [tilespmem:v30+s17+$0x0], $0xffff;
	[tilespmem:s16+$0x8520] =	vst v33  }
0xfe: {  	v46 =	vadd.s32 v12, v26;
	v45 =	vor.u32 v25, v44;
	v32 =	vld.idx.msk [tilespmem:v61+s17+$0x0], $0xffff;
	[tilespmem:s21+$0x8520] =	vst v62  }
0xff: {  	[tilespmem:s0+$0x8570] =	vst v19;
	v48 =	vadd.s32 v12, v29;
	v47 =	vor.u32 v27, v46;
	v36 =	vld.idx.msk [tilespmem:v36+s17+$0x0], $0xffff  }
0x100: {  	v49 =	vadd.s32 v13, v17;
	v38 =	vld.idx.msk [tilespmem:v55+s17+$0x0], $0xffff;
	[tilespmem:s1+$0x8530] =	vst v20;
	v20 =	vor.u32 v28, v48  }
0x101: {  	v50 =	vor.u32 v16, v49;
	v51 =	vadd.s32 v13, v18;
	v37 =	vld.idx.msk [tilespmem:v37+s17+$0x0], $0xffff;
	[tilespmem:s2+$0x8530] =	vst v31  }
0x102: {  	v52 =	vadd.s32 v13, v22;
	v31 =	vor.u32 v21, v51;
	v34 =	vld.idx.msk [tilespmem:v43+s17+$0x0], $0xffff;
	[tilespmem:s12+$0x8530] =	vst v30  }
0x103: {  	v53 =	vadd.s32 v13, v24;
	v30 =	vor.u32 v23, v52;
	v33 =	vld.idx.msk [tilespmem:v45+s17+$0x0], $0xffff;
	[tilespmem:s16+$0x8530] =	vst v32  }
0x104: {  	v55 =	vadd.s32 v13, v26;
	v54 =	vor.u32 v25, v53;
	v35 =	vld.idx.msk [tilespmem:v47+s17+$0x0], $0xffff;
	[tilespmem:s21+$0x8530] =	vst v36  }
0x105: {  	v56 =	vadd.s32 v13, v29;
	v19 =	vor.u32 v27, v55;
	[tilespmem:s7+$0x8540] =	vst v38;
	v20 =	vld.idx.msk [tilespmem:v20+s17+$0x0], $0xffff  }
0x106: {  	v57 =	vadd.s32 v14, v17;
	v38 =	vld.idx.msk [tilespmem:v50+s17+$0x0], $0xffff;
	[tilespmem:s1+$0x8540] =	vst v37;
	v36 =	vor.u32 v28, v56  }
0x107: {  	v59 =	vadd.s32 v14, v18;
	v58 =	vor.u32 v16, v57;
	v31 =	vld.idx.msk [tilespmem:v31+s17+$0x0], $0xffff;
	[tilespmem:s2+$0x8540] =	vst v34  }
0x108: {  	v60 =	vor.u32 v21, v59;
	v61 =	vadd.s32 v14, v22;
	v30 =	vld.idx.msk [tilespmem:v30+s17+$0x0], $0xffff;
	[tilespmem:s12+$0x8540] =	vst v33  }
0x109: {  	v63 =	vadd.s32 v14, v24;
	v62 =	vor.u32 v23, v61;
	v32 =	vld.idx.msk [tilespmem:v54+s17+$0x0], $0xffff;
	[tilespmem:s16+$0x8540] =	vst v35  }
0x10a: {  	v42 =	vor.u32 v25, v63;
	v43 =	vadd.s32 v14, v26;
	v19 =	vld.idx.msk [tilespmem:v19+s17+$0x0], $0xffff;
	[tilespmem:s21+$0x8540] =	vst v20  }
0x10b: {  	v44 =	vadd.s32 v14, v29;
	[tilespmem:s7+$0x8550] =	vst v38;
	v20 =	vor.u32 v27, v43;
	v36 =	vld.idx.msk [tilespmem:v36+s17+$0x0], $0xffff  }
0x10c: {  	v17 =	vadd.s32 v15, v17;
	v37 =	vld.idx.msk [tilespmem:v58+s17+$0x0], $0xffff;
	[tilespmem:s1+$0x8550] =	vst v31;
	v31 =	vor.u32 v28, v44  }
0x10d: {  	v16 =	vor.u32 v16, v17;
	v18 =	vadd.s32 v15, v18;
	v17 =	vld.idx.msk [tilespmem:v60+s17+$0x0], $0xffff;
	[tilespmem:s2+$0x8550] =	vst v30  }
0x10e: {  	v18 =	vor.u32 v21, v18;
	v22 =	vadd.s32 v15, v22;
	v21 =	vld.idx.msk [tilespmem:v62+s17+$0x0], $0xffff;
	[tilespmem:s12+$0x8550] =	vst v32  }
0x10f: {  	v24 =	vadd.s32 v15, v24;
	v22 =	vor.u32 v23, v22;
	v23 =	vld.idx.msk [tilespmem:v42+s17+$0x0], $0xffff;
	[tilespmem:s16+$0x8550] =	vst v19  }
0x110: {  	v19 =	vor.u32 v25, v24;
	v24 =	vadd.s32 v15, v26;
	v20 =	vld.idx.msk [tilespmem:v20+s17+$0x0], $0xffff;
	[tilespmem:s21+$0x8550] =	vst v36  }
0x111: {  	[tilespmem:s7+$0x8560] =	vst v37;
	v26 =	vadd.s32 v15, v29;
	v24 =	vor.u32 v27, v24;
	v25 =	vld.idx.msk [tilespmem:v31+s17+$0x0], $0xffff  }
0x112: {  	v16 =	vld.idx.msk [tilespmem:v16+s17+$0x0], $0xffff;
	[tilespmem:s1+$0x8560] =	vst v17;
	v17 =	vor.u32 v28, v26  }
0x113: {  	v18 =	vld.idx.msk [tilespmem:v18+s17+$0x0], $0xffff;
	[tilespmem:s2+$0x8560] =	vst v21  }
0x114: {  	v21 =	vld.idx.msk [tilespmem:v22+s17+$0x0], $0xffff;
	[tilespmem:s12+$0x8560] =	vst v23  }
0x115: {  	v19 =	vld.idx.msk [tilespmem:v19+s17+$0x0], $0xffff;
	[tilespmem:s16+$0x8560] =	vst v20  }
0x116: {  	v20 =	vld.idx.msk [tilespmem:v24+s17+$0x0], $0xffff;
	[tilespmem:s21+$0x8560] =	vst v25  }
0x117: {  	[tilespmem:s7+$0x8570] =	vst v16;
	v16 =	vld.idx.msk [tilespmem:v17+s17+$0x0], $0xffff  }
0x118: {  	[tilespmem:s1+$0x8570] =	vst v18  }
0x119: {  	[tilespmem:s2+$0x8570] =	vst v21  }
0x11a: {  	[tilespmem:s12+$0x8570] =	vst v19  }
0x11b: {  	s7 =	sor.u32 s11, s10;
	[tilespmem:s16+$0x8570] =	vst v20  }
0x11c: {  	s8 =	simm.s32 $0x8100;
	s5 =	sadd.s32 s3, s7;
	s12 =	simm.s32 $0x0;
	[tilespmem:s21+$0x8570] =	vst v16  }
0x11d: {  	[hbm4b:s5+s4] =	stream.linear.scatter [tilespmem:s8], [sflag:$0x5], $0x2000, $0x38;
	[tilespmem:$0x10100] =	vst v63  }
0x11e: {  	p1 =	seq.s32 s9, $0xF;
	v16 =	vmov s12;
	s1 =	rddreg [dreg:$0x8]  }
0x11f: {  	s2 =	simm.s32 @!p1 $0x0;
	s8 =	simm.s32 @!p1 $0x100;
	v17 =	vshll.u32 v16, $0x8;
	s1 =	sadd.s32 @!p1 s10, s1  }
0x120: {  	v16 =	vshll.u32 v16, $0x7;
	v29 =	vand.u32 $0x1800, v17;
	[tilespmem:s8], [sflag:$0x1] =	stream.linear.gather @!p1 [hbm4b:s1+s2], $0x2000, $0x38;
	[tilespmem:$0x10100] =	vst v63  }
0x121: {  	v28 =	vand.u32 $0x380, v16;
	v16 =	vadd.s32 v0, v29;
	_ =	swait.ge [sflag:s24], $0x2000  }
0x122: {  	v16 =	vor.u32 v28, v16;
	[sflag:s24] =	ssyncset.done $0x0  }
0x123: {  	s1 =	simm.s32 @!p0 $0x6;
	[sflag:s24] =	ssyncadd.s32 $0xFFFFE000  }
0x124: {  	_ =	swait.ge @!p0 [sflag:s1], $0x2000  }
0x125: {  	[sflag:s1] =	ssyncset.done @!p0 $0x0  }
0x126: {  	[sflag:s1] =	ssyncadd.s32 @!p0 $0xFFFFE000  }
0x127: {  	v17 =	vadd.s32 v1, v29;
	v16 =	vld.idx.msk [tilespmem:v16+s18+$0x0], $0xffff  }
0x128: {  	v17 =	vor.u32 v28, v17;
	_ =	sdelay $0x1  }
0x129: {  	s15 =	sand.u32 $0x1800, s12;
	s0 =	sand.u32 $0x380, s12  }
0x12a: {  	s16 =	simm.s32 $0x1;
	s8 =	sor.u32 s0, s15  }
0x12b: {  	v18 =	vmov s16;
	[tilespmem:s8+$0xA100] =	vst v16  }
0x12c: {  	v19 =	vadd.s32 v2, v29;
	v16 =	vld.idx.msk [tilespmem:v17+s18+$0x0], $0xffff;
	v17 =	vshll.u32 v18, $0x8  }
0x12d: {  	v18 =	vshll.u32 v18, $0x7;
	v20 =	vand.u32 $0x1800, v17;
	v17 =	vor.u32 v28, v19  }
0x12e: {  	v19 =	vand.u32 $0x380, v18;
	v18 =	vadd.s32 v0, v20  }
0x12f: {  	v18 =	vor.u32 v19, v18;
	_ =	sdelay $0x1  }
0x130: {  	[tilespmem:s8+$0xA110] =	vst v16  }
0x131: {  	v16 =	vld.idx.msk [tilespmem:v17+s18+$0x0], $0xffff;
	v17 =	vadd.s32 v3, v29  }
0x132: {  	v17 =	vor.u32 v28, v17  }
0x133: {  	v21 =	vadd.s32 v1, v20;
	v18 =	vld.idx.msk [tilespmem:v18+s18+$0x0], $0xffff  }
0x134: {  	v21 =	vor.u32 v19, v21  }
0x135: {  	s23 =	simm.s32 $0x100;
	s21 =	simm.s32 $0x80  }
0x136: {  	s0 =	sand.u32 $0x380, s21;
	s1 =	sand.u32 $0x1800, s23;
	[tilespmem:s8+$0xA120] =	vst v16  }
0x137: {  	s25 =	simm.s32 $0x2;
	s0 =	sor.u32 s0, s1;
	v16 =	vadd.s32 v4, v29;
	v22 =	vld.idx.msk [tilespmem:v17+s18+$0x0], $0xffff  }
0x138: {  	v17 =	vmov s25;
	[tilespmem:s0+$0xA100] =	vst v18;
	v18 =	vor.u32 v28, v16  }
0x139: {  	v23 =	vadd.s32 v2, v20;
	v16 =	vshll.u32 v17, $0x8;
	v21 =	vld.idx.msk [tilespmem:v21+s18+$0x0], $0xffff  }
0x13a: {  	v23 =	vor.u32 v19, v23;
	v24 =	vshll.u32 v17, $0x7;
	v17 =	vand.u32 $0x1800, v16  }
0x13b: {  	v16 =	vand.u32 $0x380, v24;
	v24 =	vadd.s32 v0, v17  }
0x13c: {  	v24 =	vor.u32 v16, v24;
	[tilespmem:s8+$0xA130] =	vst v22  }
0x13d: {  	v22 =	vadd.s32 v5, v29;
	v18 =	vld.idx.msk [tilespmem:v18+s18+$0x0], $0xffff  }
0x13e: {  	[tilespmem:s0+$0xA110] =	vst v21;
	v21 =	vor.u32 v28, v22  }
0x13f: {  	v22 =	vld.idx.msk [tilespmem:v23+s18+$0x0], $0xffff;
	v23 =	vadd.s32 v3, v20  }
0x140: {  	v23 =	vor.u32 v19, v23  }
0x141: {  	v25 =	vadd.s32 v1, v17;
	v24 =	vld.idx.msk [tilespmem:v24+s18+$0x0], $0xffff  }
0x142: {  	v25 =	vor.u32 v16, v25;
	[tilespmem:s8+$0xA140] =	vst v18  }
0x143: {  	s12 =	simm.s32 $0x200;
	s5 =	simm.s32 $0x100;
	v18 =	vadd.s32 v6, v29;
	v21 =	vld.idx.msk [tilespmem:v21+s18+$0x0], $0xffff  }
0x144: {  	s15 =	simm.s32 $0x3;
	s2 =	sand.u32 $0x1800, s12;
	s1 =	sand.u32 $0x380, s5;
	[tilespmem:s0+$0xA120] =	vst v22;
	v22 =	vor.u32 v28, v18  }
0x145: {  	s21 =	sor.u32 s1, s2;
	v26 =	vadd.s32 v4, v20;
	v18 =	vmov s15;
	v23 =	vld.idx.msk [tilespmem:v23+s18+$0x0], $0xffff  }
0x146: {  	[tilespmem:s21+$0xA100] =	vst v24;
	v24 =	vor.u32 v19, v26;
	v26 =	vshll.u32 v18, $0x8  }
0x147: {  	v30 =	vadd.s32 v2, v17;
	v27 =	vshll.u32 v18, $0x7;
	v25 =	vld.idx.msk [tilespmem:v25+s18+$0x0], $0xffff;
	v18 =	vand.u32 $0x1800, v26  }
0x148: {  	v26 =	vor.u32 v16, v30;
	[tilespmem:s8+$0xA150] =	vst v21;
	v21 =	vand.u32 $0x380, v27;
	v27 =	vadd.s32 v0, v18  }
0x149: {  	v30 =	vadd.s32 v7, v29;
	v22 =	vld.idx.msk [tilespmem:v22+s18+$0x0], $0xffff;
	v27 =	vor.u32 v21, v27  }
0x14a: {  	[tilespmem:s0+$0xA130] =	vst v23;
	v23 =	vor.u32 v28, v30  }
0x14b: {  	v30 =	vadd.s32 v5, v20;
	v24 =	vld.idx.msk [tilespmem:v24+s18+$0x0], $0xffff  }
0x14c: {  	[tilespmem:s21+$0xA110] =	vst v25;
	v25 =	vor.u32 v19, v30  }
0x14d: {  	v30 =	vadd.s32 v3, v17;
	v26 =	vld.idx.msk [tilespmem:v26+s18+$0x0], $0xffff  }
0x14e: {  	v30 =	vor.u32 v16, v30;
	v27 =	vld.idx.msk [tilespmem:v27+s18+$0x0], $0xffff;
	[tilespmem:s8+$0xA160] =	vst v22;
	v22 =	vadd.s32 v1, v18  }
0x14f: {  	v31 =	vadd.s32 v8, v29;
	v23 =	vld.idx.msk [tilespmem:v23+s18+$0x0], $0xffff;
	v22 =	vor.u32 v21, v22  }
0x150: {  	s16 =	simm.s32 $0x180;
	s23 =	simm.s32 $0x300;
	[tilespmem:s0+$0xA140] =	vst v24;
	v24 =	vor.u32 v28, v31  }
0x151: {  	s2 =	sand.u32 $0x1800, s23;
	s1 =	sand.u32 $0x380, s16;
	v31 =	vadd.s32 v6, v20;
	v25 =	vld.idx.msk [tilespmem:v25+s18+$0x0], $0xffff  }
0x152: {  	s1 =	sor.u32 s1, s2;
	s25 =	simm.s32 $0x4;
	[tilespmem:s21+$0xA120] =	vst v26;
	v26 =	vor.u32 v19, v31  }
0x153: {  	v47 =	vadd.s32 v9, v29;
	v31 =	vmov s25;
	v30 =	vld.idx.msk [tilespmem:v30+s18+$0x0], $0xffff;
	[tilespmem:s1+$0xA100] =	vst v27;
	v27 =	vadd.s32 v4, v17  }
0x154: {  	v46 =	vld.idx.msk [tilespmem:v22+s18+$0x0], $0xffff;
	v27 =	vor.u32 v16, v27;
	[tilespmem:s8+$0xA170] =	vst v23;
	v22 =	vshll.u32 v31, $0x8;
	v23 =	vadd.s32 v2, v18  }
0x155: {  	v45 =	vshll.u32 v31, $0x7;
	v24 =	vld.idx.msk [tilespmem:v24+s18+$0x0], $0xffff;
	v22 =	vand.u32 $0x1800, v22;
	v31 =	vor.u32 v21, v23  }
0x156: {  	v48 =	vor.u32 v28, v47;
	v23 =	vand.u32 $0x380, v45;
	[tilespmem:s0+$0xA150] =	vst v25;
	v25 =	vadd.s32 v0, v22  }
0x157: {  	v49 =	vadd.s32 v7, v20;
	v26 =	vld.idx.msk [tilespmem:v26+s18+$0x0], $0xffff;
	v25 =	vor.u32 v23, v25  }
0x158: {  	[tilespmem:s21+$0xA130] =	vst v30;
	v30 =	vor.u32 v19, v49  }
0x159: {  	v50 =	vadd.s32 v5, v17;
	v27 =	vld.idx.msk [tilespmem:v27+s18+$0x0], $0xffff;
	[tilespmem:s1+$0xA110] =	vst v46  }
0x15a: {  	v33 =	vor.u32 v16, v50;
	v31 =	vld.idx.msk [tilespmem:v31+s18+$0x0], $0xffff;
	[tilespmem:s8+$0xA500] =	vst v24;
	v24 =	vadd.s32 v3, v18  }
0x15b: {  	v51 =	vadd.s32 v10, v29;
	v32 =	vld.idx.msk [tilespmem:v48+s18+$0x0], $0xffff;
	v24 =	vor.u32 v21, v24  }
0x15c: {  	v34 =	vor.u32 v28, v51;
	v25 =	vld.idx.msk [tilespmem:v25+s18+$0x0], $0xffff;
	[tilespmem:s0+$0xA160] =	vst v26;
	v26 =	vadd.s32 v1, v22  }
0x15d: {  	v52 =	vadd.s32 v8, v20;
	v30 =	vld.idx.msk [tilespmem:v30+s18+$0x0], $0xffff;
	v26 =	vor.u32 v23, v26  }
0x15e: {  	v55 =	vadd.s32 v11, v29;
	s5 =	simm.s32 $0x200;
	s15 =	simm.s32 $0x400;
	[tilespmem:s21+$0xA140] =	vst v27;
	v27 =	vor.u32 v19, v52  }
0x15f: {  	v60 =	vadd.s32 v12, v29;
	s2 =	sand.u32 $0x380, s5;
	s12 =	sand.u32 $0x1800, s15;
	v33 =	vld.idx.msk [tilespmem:v33+s18+$0x0], $0xffff;
	[tilespmem:s1+$0xA120] =	vst v31;
	v31 =	vadd.s32 v6, v17  }
0x160: {  	s16 =	simm.s32 $0x5;
	s2 =	sor.u32 s2, s12;
	v54 =	vadd.s32 v4, v18;
	v53 =	vld.idx.msk [tilespmem:v24+s18+$0x0], $0xffff;
	v31 =	vor.u32 v16, v31;
	[tilespmem:s8+$0xA510] =	vst v32  }
0x161: {  	v36 =	vor.u32 v28, v55;
	v24 =	vmov s16;
	v32 =	vor.u32 v21, v54;
	[tilespmem:s2+$0xA100] =	vst v25;
	v34 =	vld.idx.msk [tilespmem:v34+s18+$0x0], $0xffff  }
0x162: {  	v25 =	vshll.u32 v24, $0x7;
	v24 =	vshll.u32 v24, $0x8;
	v26 =	vld.idx.msk [tilespmem:v26+s18+$0x0], $0xffff;
	[tilespmem:s0+$0xA170] =	vst v30;
	v30 =	vadd.s32 v2, v22  }
0x163: {  	v56 =	vadd.s32 v9, v20;
	v24 =	vand.u32 $0x1800, v24;
	v27 =	vld.idx.msk [tilespmem:v27+s18+$0x0], $0xffff;
	v30 =	vor.u32 v23, v30  }
0x164: {  	v37 =	vor.u32 v19, v56;
	v25 =	vand.u32 $0x380, v25;
	v57 =	vadd.s32 v0, v24;
	[tilespmem:s21+$0xA150] =	vst v33  }
0x165: {  	v58 =	vadd.s32 v7, v17;
	v33 =	vor.u32 v25, v57;
	v31 =	vld.idx.msk [tilespmem:v31+s18+$0x0], $0xffff;
	[tilespmem:s1+$0xA130] =	vst v53  }
0x166: {  	v35 =	vor.u32 v16, v58;
	v59 =	vadd.s32 v5, v18;
	v32 =	vld.idx.msk [tilespmem:v32+s18+$0x0], $0xffff;
	[tilespmem:s8+$0xA520] =	vst v34  }
0x167: {  	v61 =	vadd.s32 v10, v20;
	v34 =	vor.u32 v21, v59;
	[tilespmem:s2+$0xA110] =	vst v26;
	v26 =	vld.idx.msk [tilespmem:v36+s18+$0x0], $0xffff  }
0x168: {  	v36 =	vor.u32 v28, v60;
	v30 =	vld.idx.msk [tilespmem:v30+s18+$0x0], $0xffff;
	[tilespmem:s0+$0xA500] =	vst v27;
	v27 =	vadd.s32 v3, v22  }
0x169: {  	v38 =	vor.u32 v19, v61;
	v37 =	vld.idx.msk [tilespmem:v37+s18+$0x0], $0xffff;
	v27 =	vor.u32 v23, v27  }
0x16a: {  	v62 =	vadd.s32 v8, v17;
	v33 =	vld.idx.msk [tilespmem:v33+s18+$0x0], $0xffff;
	[tilespmem:s21+$0xA160] =	vst v31;
	v31 =	vadd.s32 v1, v24  }
0x16b: {  	v45 =	vadd.s32 v4, v22;
	v35 =	vld.idx.msk [tilespmem:v35+s18+$0x0], $0xffff;
	v31 =	vor.u32 v25, v31;
	[tilespmem:s1+$0xA140] =	vst v32  }
0x16c: {  	s23 =	simm.s32 $0x280;
	s25 =	simm.s32 $0x500;
	v32 =	vor.u32 v16, v62;
	v34 =	vld.idx.msk [tilespmem:v34+s18+$0x0], $0xffff;
	[tilespmem:s8+$0xA530] =	vst v26;
	v26 =	vadd.s32 v6, v18  }
0x16d: {  	s12 =	sand.u32 $0x380, s23;
	s15 =	sand.u32 $0x1800, s25;
	[tilespmem:s2+$0xA120] =	vst v30;
	v30 =	vld.idx.msk [tilespmem:v36+s18+$0x0], $0xffff;
	v63 =	vor.u32 v21, v26;
	v26 =	vadd.s32 v13, v29  }
0x16e: {  	s5 =	simm.s32 $0x6;
	s12 =	sor.u32 s12, s15;
	v49 =	vadd.s32 v2, v24;
	v44 =	vld.idx.msk [tilespmem:v27+s18+$0x0], $0xffff;
	[tilespmem:s0+$0xA510] =	vst v37;
	v46 =	vor.u32 v28, v26  }
0x16f: {  	v27 =	vmov s5;
	[tilespmem:s12+$0xA100] =	vst v33;
	v37 =	vor.u32 v23, v45;
	v26 =	vadd.s32 v11, v20;
	v47 =	vld.idx.msk [tilespmem:v38+s18+$0x0], $0xffff  }
0x170: {  	v48 =	vshll.u32 v27, $0x7;
	v27 =	vshll.u32 v27, $0x8;
	v50 =	vor.u32 v19, v26;
	v31 =	vld.idx.msk [tilespmem:v31+s18+$0x0], $0xffff;
	[tilespmem:s21+$0xA170] =	vst v35  }
0x171: {  	v51 =	vadd.s32 v9, v17;
	v26 =	vand.u32 $0x1800, v27;
	v35 =	vor.u32 v25, v49;
	v32 =	vld.idx.msk [tilespmem:v32+s18+$0x0], $0xffff;
	[tilespmem:s1+$0xA150] =	vst v34  }
0x172: {  	v27 =	vand.u32 $0x380, v48;
	v52 =	vadd.s32 v0, v26;
	v34 =	vor.u32 v16, v51;
	v36 =	vld.idx.msk [tilespmem:v63+s18+$0x0], $0xffff;
	[tilespmem:s8+$0xA540] =	vst v30  }
0x173: {  	v53 =	vadd.s32 v7, v18;
	v30 =	vor.u32 v27, v52;
	[tilespmem:s2+$0xA130] =	vst v44;
	v54 =	vld.idx.msk [tilespmem:v46+s18+$0x0], $0xffff  }
0x174: {  	v55 =	vadd.s32 v14, v29;
	v38 =	vor.u32 v21, v53;
	v37 =	vld.idx.msk [tilespmem:v37+s18+$0x0], $0xffff;
	[tilespmem:s0+$0xA520] =	vst v47  }
0x175: {  	v33 =	vor.u32 v28, v55;
	[tilespmem:s12+$0xA110] =	vst v31;
	v31 =	vadd.s32 v5, v22;
	v56 =	vld.idx.msk [tilespmem:v50+s18+$0x0], $0xffff  }
0x176: {  	v35 =	vld.idx.msk [tilespmem:v35+s18+$0x0], $0xffff;
	v57 =	vor.u32 v23, v31;
	[tilespmem:s21+$0xA500] =	vst v32;
	v31 =	vadd.s32 v12, v20  }
0x177: {  	v58 =	vadd.s32 v3, v24;
	v59 =	vld.idx.msk [tilespmem:v34+s18+$0x0], $0xffff;
	v60 =	vor.u32 v19, v31  }
0x178: {  	v45 =	vor.u32 v25, v58;
	v61 =	vld.idx.msk [tilespmem:v30+s18+$0x0], $0xffff;
	[tilespmem:s1+$0xA160] =	vst v36;
	v30 =	vadd.s32 v10, v17  }
0x179: {  	v31 =	vadd.s32 v1, v26;
	v38 =	vld.idx.msk [tilespmem:v38+s18+$0x0], $0xffff;
	v46 =	vor.u32 v16, v30;
	[tilespmem:s8+$0xA550] =	vst v54  }
0x17a: {  	v62 =	vadd.s32 v6, v22;
	v47 =	vor.u32 v27, v31;
	[tilespmem:s2+$0xA140] =	vst v37;
	v31 =	vld.idx.msk [tilespmem:v33+s18+$0x0], $0xffff  }
0x17b: {  	s29 =	simm.s32 $0x300;
	s31 =	simm.s32 $0x600;
	v29 =	vadd.s32 v15, v29;
	v30 =	vadd.s32 v8, v18;
	[tilespmem:s0+$0xA530] =	vst v56;
	v36 =	vld.idx.msk [tilespmem:v57+s18+$0x0], $0xffff  }
0x17c: {  	s25 =	sand.u32 $0x380, s29;
	s16 =	sand.u32 $0x1800, s31;
	v63 =	vadd.s32 v4, v24;
	v34 =	vor.u32 v21, v30;
	[tilespmem:s12+$0xA120] =	vst v35;
	v32 =	vld.idx.msk [tilespmem:v60+s18+$0x0], $0xffff  }
0x17d: {  	s23 =	sshll.u32 s9, $0x7;
	s25 =	sor.u32 s25, s16;
	s5 =	simm.s32 $0x7;
	v40 =	vor.u32 v25, v63;
	v30 =	vor.u32 v28, v29;
	v39 =	vld.idx.msk [tilespmem:v45+s18+$0x0], $0xffff;
	[tilespmem:s21+$0xA510] =	vst v59  }
0x17e: {  	s16 =	sadd.s32 s23, s6;
	v37 =	vor.u32 v23, v62;
	v28 =	vadd.s32 v13, v20;
	v29 =	vmov s5;
	[tilespmem:s25+$0xA100] =	vst v61;
	v35 =	vld.idx.msk [tilespmem:v46+s18+$0x0], $0xffff  }
0x17f: {  	s15 =	simm.s32 $0x8;
	s23 =	sadd.s32 $0x20, s16;
	v33 =	vor.u32 v19, v28;
	v28 =	vshll.u32 v29, $0x7;
	v41 =	vld.idx.msk [tilespmem:v47+s18+$0x0], $0xffff;
	[tilespmem:s1+$0xA170] =	vst v38;
	v38 =	vadd.s32 v11, v17  }
.LBB2_5:
0x180: {  	v29 =	vshll.u32 v29, $0x8;
	v42 =	vadd.s32 v2, v26;
	v38 =	vor.u32 v16, v38  }
0x181: {  	p2 =	sne.s32 s15, $0x1F;
	v34 =	vld.idx.msk [tilespmem:v34+s18+$0x0], $0xffff;
	[tilespmem:s8+$0xA560] =	vst v31;
	v43 =	vmovc v24;
	v24 =	vmovc v26;
	v44 =	vmov v19;
	v19 =	vmov v16;
	v16 =	vmov v21  }
0x182: {  	v26 =	vand.u32 $0x1800, v29;
	v29 =	vor.u32 v27, v42;
	[tilespmem:s2+$0xA150] =	vst v36;
	v42 =	vadd.s32 v9, v18;
	v30 =	vld.idx.msk [tilespmem:v30+s18+$0x0], $0xffff  }
0x183: {  	v28 =	vand.u32 $0x380, v28;
	v31 =	vadd.s32 v0, v26;
	v36 =	vld.idx.msk [tilespmem:v37+s18+$0x0], $0xffff;
	v37 =	vor.u32 v16, v42;
	[tilespmem:s0+$0xA540] =	vst v32  }
0x184: {  	v21 =	vmov v23;
	v32 =	vadd.s32 v7, v22;
	v31 =	vor.u32 v28, v31;
	[tilespmem:s12+$0xA130] =	vst v39;
	v33 =	vld.idx.msk [tilespmem:v33+s18+$0x0], $0xffff  }
0x185: {  	v23 =	vmov v25;
	v32 =	vor.u32 v21, v32;
	v39 =	vld.idx.msk [tilespmem:v40+s18+$0x0], $0xffff;
	[tilespmem:s21+$0xA520] =	vst v35;
	v35 =	vadd.s32 v14, v20  }
0x186: {  	v25 =	vmov v27;
	v40 =	vadd.s32 v5, v43;
	[tilespmem:s25+$0xA110] =	vst v41;
	v38 =	vld.idx.msk [tilespmem:v38+s18+$0x0], $0xffff;
	v35 =	vor.u32 v44, v35  }
0x187: {  	v27 =	vmov v28;
	v40 =	vor.u32 v23, v40;
	v29 =	vld.idx.msk [tilespmem:v29+s18+$0x0], $0xffff;
	[tilespmem:s1+$0xA500] =	vst v34;
	v34 =	vadd.s32 v12, v17  }
0x188: {  	v28 =	vadd.s32 v3, v24;
	v41 =	vld.idx.msk [tilespmem:v37+s18+$0x0], $0xffff;
	v37 =	vor.u32 v19, v34;
	[tilespmem:s8+$0xA570] =	vst v30;
	s8 =	smov.u32 s0;
	s0 =	smov.u32 s21;
	s21 =	smov.u32 s1  }
0x189: {  	v28 =	vor.u32 v25, v28;
	v30 =	vadd.s32 v10, v18;
	s1 =	smov.u32 s2;
	v42 =	vld.idx.msk [tilespmem:v31+s18+$0x0], $0xffff;
	[tilespmem:s2+$0xA160] =	vst v36;
	s2 =	smov.u32 s12;
	s12 =	smov.u32 s25  }
0x18a: {  	v31 =	vadd.s32 v1, v26;
	v46 =	vor.u32 v16, v30;
	v45 =	vld.idx.msk [tilespmem:v32+s18+$0x0], $0xffff;
	[tilespmem:s8+$0xA550] =	vst v33  }
0x18b: {  	v30 =	vadd.s32 v8, v22;
	v47 =	vor.u32 v27, v31;
	[tilespmem:s2+$0xA140] =	vst v39;
	v31 =	vld.idx.msk [tilespmem:v35+s18+$0x0], $0xffff  }
.Ltmp3:
0x18c: {  	s29 =	sadd.s32 $0x80, s29;
	s31 =	sadd.s32 $0x100, s31;
	v34 =	vor.u32 v21, v30;
	v30 =	vadd.s32 v15, v20;
	v20 =	vmov v17;
	v36 =	vld.idx.msk [tilespmem:v40+s18+$0x0], $0xffff;
	[tilespmem:s0+$0xA530] =	vst v38;
	(pc) =	sbr.rel @p2 .LBB2_5-.Ltmp3, $4  }
0x18d: {  	s5 =	sand.u32 $0x1800, s31;
	s25 =	sand.u32 $0x380, s29;
	v17 =	vmov v18;
	v30 =	vor.u32 v44, v30;
	[tilespmem:s12+$0xA120] =	vst v29;
	v29 =	vadd.s32 v6, v43;
	v32 =	vld.idx.msk [tilespmem:v37+s18+$0x0], $0xffff  }
0x18e: {  	s25 =	sor.u32 s25, s5;
	v18 =	vmov v22;
	v39 =	vld.idx.msk [tilespmem:v28+s18+$0x0], $0xffff;
	v37 =	vor.u32 v23, v29;
	[tilespmem:s21+$0xA510] =	vst v41;
	v28 =	vadd.s32 v13, v20  }
0x18f: {  	v22 =	vmovc v43;
	v38 =	vadd.s32 v4, v24;
	v29 =	vmov s15;
	[tilespmem:s25+$0xA100] =	vst v42;
	v35 =	vld.idx.msk [tilespmem:v46+s18+$0x0], $0xffff;
	v33 =	vor.u32 v19, v28  }
0x190: {  	v40 =	vor.u32 v25, v38;
	v38 =	vadd.s32 v11, v17;
	s15 =	sadd.s32 $0x1, s15;
	v28 =	vshll.u32 v29, $0x7;
	v41 =	vld.idx.msk [tilespmem:v47+s18+$0x0], $0xffff;
	[tilespmem:s1+$0xA170] =	vst v45  }
0x191: {  	v29 =	vshll.u32 v29, $0x8  }
0x192: {  	v29 =	vand.u32 $0x1800, v29  }
0x193: {  	v28 =	vand.u32 $0x380, v28;
	v42 =	vadd.s32 v0, v29  }
0x194: {  	v42 =	vor.u32 v28, v42;
	_ =	sdelay $0x4  }
0x195: {  	v43 =	vadd.s32 v1, v29;
	v42 =	vld.idx.msk [tilespmem:v42+s18+$0x0], $0xffff  }
0x196: {  	v43 =	vor.u32 v28, v43  }
0x197: {  	s5 =	sadd.s32 $0x80, s29;
	s15 =	sadd.s32 $0x100, s31  }
0x198: {  	s15 =	sand.u32 $0x1800, s15;
	s5 =	sand.u32 $0x380, s5  }
0x199: {  	s15 =	sor.u32 s5, s15  }
0x19a: {  	v44 =	vadd.s32 v2, v26;
	[tilespmem:s15+$0xA100] =	vst v42  }
0x19b: {  	v62 =	vor.u32 v27, v44;
	v63 =	vadd.s32 v2, v29;
	v43 =	vld.idx.msk [tilespmem:v43+s18+$0x0], $0xffff  }
0x19c: {  	v44 =	vor.u32 v28, v63;
	_ =	sdelay $0x2  }
0x19d: {  	[tilespmem:s25+$0xA110] =	vst v41  }
0x19e: {  	v48 =	vadd.s32 v3, v26;
	v41 =	vld.idx.msk [tilespmem:v62+s18+$0x0], $0xffff;
	[tilespmem:s15+$0xA110] =	vst v43  }
0x19f: {  	v49 =	vadd.s32 v3, v29;
	v42 =	vor.u32 v27, v48;
	v43 =	vld.idx.msk [tilespmem:v44+s18+$0x0], $0xffff  }
0x1a0: {  	v44 =	vor.u32 v28, v49;
	_ =	sdelay $0x2  }
0x1a1: {  	[tilespmem:s25+$0xA120] =	vst v41  }
0x1a2: {  	v50 =	vadd.s32 v4, v26;
	v41 =	vld.idx.msk [tilespmem:v42+s18+$0x0], $0xffff;
	[tilespmem:s15+$0xA120] =	vst v43  }
0x1a3: {  	v51 =	vadd.s32 v4, v29;
	[tilespmem:s12+$0xA130] =	vst v39;
	v42 =	vor.u32 v27, v50;
	v43 =	vld.idx.msk [tilespmem:v44+s18+$0x0], $0xffff  }
0x1a4: {  	v52 =	vadd.s32 v5, v24;
	v39 =	vld.idx.msk [tilespmem:v40+s18+$0x0], $0xffff;
	v44 =	vor.u32 v28, v51  }
0x1a5: {  	v40 =	vor.u32 v25, v52;
	_ =	sdelay $0x1  }
0x1a6: {  	[tilespmem:s25+$0xA130] =	vst v41  }
0x1a7: {  	v53 =	vadd.s32 v5, v26;
	v41 =	vld.idx.msk [tilespmem:v42+s18+$0x0], $0xffff;
	[tilespmem:s15+$0xA130] =	vst v43  }
0x1a8: {  	v54 =	vadd.s32 v5, v29;
	[tilespmem:s12+$0xA140] =	vst v39;
	v42 =	vor.u32 v27, v53;
	v43 =	vld.idx.msk [tilespmem:v44+s18+$0x0], $0xffff  }
0x1a9: {  	v55 =	vadd.s32 v6, v24;
	v39 =	vld.idx.msk [tilespmem:v40+s18+$0x0], $0xffff;
	v44 =	vor.u32 v28, v54  }
0x1aa: {  	v40 =	vor.u32 v25, v55  }
0x1ab: {  	[tilespmem:s2+$0xA150] =	vst v36  }
0x1ac: {  	v58 =	vadd.s32 v7, v22;
	v36 =	vld.idx.msk [tilespmem:v37+s18+$0x0], $0xffff;
	[tilespmem:s25+$0xA140] =	vst v41  }
0x1ad: {  	v56 =	vadd.s32 v6, v26;
	v37 =	vor.u32 v23, v58;
	v41 =	vld.idx.msk [tilespmem:v42+s18+$0x0], $0xffff;
	[tilespmem:s15+$0xA140] =	vst v43  }
0x1ae: {  	v57 =	vadd.s32 v6, v29;
	[tilespmem:s12+$0xA150] =	vst v39;
	v42 =	vor.u32 v27, v56;
	v43 =	vld.idx.msk [tilespmem:v44+s18+$0x0], $0xffff  }
0x1af: {  	v59 =	vadd.s32 v7, v24;
	v39 =	vld.idx.msk [tilespmem:v40+s18+$0x0], $0xffff;
	v44 =	vor.u32 v28, v57  }
0x1b0: {  	[tilespmem:s8+$0xA560] =	vst v31;
	v40 =	vor.u32 v25, v59  }
0x1b1: {  	v34 =	vld.idx.msk [tilespmem:v34+s18+$0x0], $0xffff;
	[tilespmem:s2+$0xA160] =	vst v36  }
0x1b2: {  	v45 =	vadd.s32 v8, v22;
	v36 =	vld.idx.msk [tilespmem:v37+s18+$0x0], $0xffff;
	[tilespmem:s25+$0xA150] =	vst v41  }
0x1b3: {  	v60 =	vadd.s32 v7, v26;
	v37 =	vor.u32 v23, v45;
	v41 =	vld.idx.msk [tilespmem:v42+s18+$0x0], $0xffff;
	[tilespmem:s15+$0xA150] =	vst v43  }
0x1b4: {  	v61 =	vor.u32 v27, v60;
	v63 =	vadd.s32 v7, v29;
	[tilespmem:s12+$0xA160] =	vst v39;
	v62 =	vld.idx.msk [tilespmem:v44+s18+$0x0], $0xffff  }
0x1b5: {  	v46 =	vadd.s32 v8, v24;
	[tilespmem:s0+$0xA540] =	vst v32;
	v39 =	vld.idx.msk [tilespmem:v40+s18+$0x0], $0xffff;
	v44 =	vor.u32 v28, v63  }
0x1b6: {  	v30 =	vld.idx.msk [tilespmem:v30+s18+$0x0], $0xffff;
	[tilespmem:s21+$0xA520] =	vst v35;
	v40 =	vor.u32 v25, v46  }
0x1b7: {  	v38 =	vor.u32 v16, v38;
	v33 =	vld.idx.msk [tilespmem:v33+s18+$0x0], $0xffff;
	[tilespmem:s2+$0xA170] =	vst v36;
	v51 =	vadd.s32 v9, v18  }
0x1b8: {  	v37 =	vld.idx.msk [tilespmem:v37+s18+$0x0], $0xffff;
	v53 =	vadd.s32 v9, v22;
	v52 =	vor.u32 v21, v51;
	[tilespmem:s25+$0xA160] =	vst v41  }
0x1b9: {  	v47 =	vadd.s32 v8, v26;
	v54 =	vor.u32 v23, v53;
	v31 =	vld.idx.msk [tilespmem:v61+s18+$0x0], $0xffff;
	[tilespmem:s15+$0xA160] =	vst v62  }
0x1ba: {  	v48 =	vor.u32 v27, v47;
	v49 =	vadd.s32 v8, v29;
	[tilespmem:s12+$0xA170] =	vst v39;
	v32 =	vld.idx.msk [tilespmem:v44+s18+$0x0], $0xffff  }
0x1bb: {  	[tilespmem:s1+$0xA500] =	vst v34;
	v55 =	vadd.s32 v9, v24;
	v50 =	vor.u32 v28, v49;
	v40 =	vld.idx.msk [tilespmem:v40+s18+$0x0], $0xffff  }
0x1bc: {  	v38 =	vld.idx.msk [tilespmem:v38+s18+$0x0], $0xffff;
	[tilespmem:s8+$0xA570] =	vst v30;
	v56 =	vor.u32 v25, v55  }
0x1bd: {  	[tilespmem:s2+$0xA500] =	vst v37;
	v36 =	vld.idx.msk [tilespmem:v52+s18+$0x0], $0xffff;
	v52 =	vadd.s32 v12, v17  }
0x1be: {  	v45 =	vadd.s32 v10, v22;
	v39 =	vld.idx.msk [tilespmem:v54+s18+$0x0], $0xffff;
	v54 =	vor.u32 v16, v52;
	[tilespmem:s25+$0xA170] =	vst v31  }
0x1bf: {  	v46 =	vor.u32 v23, v45;
	v57 =	vadd.s32 v9, v26;
	v35 =	vld.idx.msk [tilespmem:v48+s18+$0x0], $0xffff;
	[tilespmem:s15+$0xA170] =	vst v32  }
0x1c0: {  	v59 =	vadd.s32 v9, v29;
	[tilespmem:s12+$0xA500] =	vst v40;
	v58 =	vor.u32 v27, v57;
	v32 =	vld.idx.msk [tilespmem:v50+s18+$0x0], $0xffff  }
0x1c1: {  	[tilespmem:s0+$0xA550] =	vst v33;
	v47 =	vadd.s32 v10, v24;
	v61 =	vor.u32 v28, v59;
	v31 =	vld.idx.msk [tilespmem:v56+s18+$0x0], $0xffff  }
0x1c2: {  	[tilespmem:s21+$0xA530] =	vst v38;
	v63 =	vadd.s32 v10, v18;
	v48 =	vor.u32 v25, v47  }
0x1c3: {  	v60 =	vadd.s32 v14, v20;
	[tilespmem:s2+$0xA510] =	vst v39;
	v38 =	vld.idx.msk [tilespmem:v54+s18+$0x0], $0xffff;
	v44 =	vor.u32 v21, v63  }
0x1c4: {  	v57 =	vadd.s32 v11, v22;
	v40 =	vld.idx.msk [tilespmem:v46+s18+$0x0], $0xffff;
	v62 =	vor.u32 v19, v60;
	[tilespmem:s25+$0xA500] =	vst v35  }
0x1c5: {  	v49 =	vadd.s32 v10, v26;
	v30 =	vld.idx.msk [tilespmem:v58+s18+$0x0], $0xffff;
	v58 =	vor.u32 v23, v57;
	[tilespmem:s15+$0xA500] =	vst v32  }
0x1c6: {  	v51 =	vadd.s32 v10, v29;
	[tilespmem:s12+$0xA510] =	vst v31;
	v50 =	vor.u32 v27, v49;
	v33 =	vld.idx.msk [tilespmem:v61+s18+$0x0], $0xffff  }
0x1c7: {  	v53 =	vor.u32 v28, v51;
	[tilespmem:s1+$0xA510] =	vst v36;
	v35 =	vld.idx.msk [tilespmem:v48+s18+$0x0], $0xffff  }
0x1c8: {  	v55 =	vadd.s32 v11, v18;
	v37 =	vld.idx.msk [tilespmem:v44+s18+$0x0], $0xffff  }
0x1c9: {  	v59 =	vadd.s32 v11, v24;
	v56 =	vor.u32 v21, v55;
	[tilespmem:s2+$0xA520] =	vst v40;
	v34 =	vld.idx.msk [tilespmem:v62+s18+$0x0], $0xffff  }
0x1ca: {  	v46 =	vadd.s32 v12, v22;
	v60 =	vor.u32 v25, v59;
	[tilespmem:s25+$0xA510] =	vst v30;
	v31 =	vld.idx.msk [tilespmem:v58+s18+$0x0], $0xffff  }
0x1cb: {  	v47 =	vor.u32 v23, v46;
	v32 =	vld.idx.msk [tilespmem:v50+s18+$0x0], $0xffff;
	v61 =	vadd.s32 v11, v26;
	[tilespmem:s15+$0xA510] =	vst v33  }
0x1cc: {  	v41 =	vadd.s32 v11, v29;
	[tilespmem:s21+$0xA540] =	vst v38;
	v62 =	vor.u32 v27, v61;
	v63 =	vld.idx.msk [tilespmem:v53+s18+$0x0], $0xffff  }
0x1cd: {  	v42 =	vadd.s32 v15, v20;
	v36 =	vor.u32 v28, v41;
	[tilespmem:s1+$0xA520] =	vst v37  }
0x1ce: {  	v45 =	vadd.s32 v12, v18;
	v43 =	vor.u32 v19, v42;
	[tilespmem:s12+$0xA520] =	vst v35;
	v44 =	vld.idx.msk [tilespmem:v56+s18+$0x0], $0xffff  }
0x1cf: {  	v48 =	vadd.s32 v12, v24;
	v30 =	vld.idx.msk [tilespmem:v60+s18+$0x0], $0xffff;
	v37 =	vor.u32 v21, v45;
	[tilespmem:s2+$0xA530] =	vst v31  }
0x1d0: {  	v49 =	vor.u32 v25, v48;
	v58 =	vadd.s32 v13, v22;
	v35 =	vld.idx.msk [tilespmem:v47+s18+$0x0], $0xffff;
	[tilespmem:s25+$0xA520] =	vst v32  }
0x1d1: {  	v59 =	vor.u32 v23, v58;
	v50 =	vadd.s32 v12, v26;
	v33 =	vld.idx.msk [tilespmem:v62+s18+$0x0], $0xffff;
	[tilespmem:s15+$0xA520] =	vst v63  }
0x1d2: {  	v52 =	vadd.s32 v12, v29;
	[tilespmem:s0+$0xA560] =	vst v34;
	v51 =	vor.u32 v27, v50;
	v36 =	vld.idx.msk [tilespmem:v36+s18+$0x0], $0xffff  }
0x1d3: {  	v54 =	vor.u32 v28, v52;
	v19 =	vld.idx.msk [tilespmem:v43+s18+$0x0], $0xffff;
	[tilespmem:s1+$0xA530] =	vst v44;
	v53 =	vadd.s32 v13, v17  }
0x1d4: {  	v56 =	vadd.s32 v13, v18;
	[tilespmem:s12+$0xA530] =	vst v30;
	v37 =	vld.idx.msk [tilespmem:v37+s18+$0x0], $0xffff;
	v55 =	vor.u32 v16, v53  }
0x1d5: {  	v60 =	vadd.s32 v13, v24;
	v57 =	vor.u32 v21, v56;
	v32 =	vld.idx.msk [tilespmem:v49+s18+$0x0], $0xffff;
	[tilespmem:s2+$0xA540] =	vst v35  }
0x1d6: {  	v61 =	vor.u32 v25, v60;
	v47 =	vadd.s32 v14, v22;
	v30 =	vld.idx.msk [tilespmem:v59+s18+$0x0], $0xffff;
	[tilespmem:s25+$0xA530] =	vst v33  }
0x1d7: {  	v48 =	vor.u32 v23, v47;
	v62 =	vadd.s32 v13, v26;
	v34 =	vld.idx.msk [tilespmem:v51+s18+$0x0], $0xffff;
	[tilespmem:s15+$0xA530] =	vst v36  }
0x1d8: {  	v42 =	vadd.s32 v13, v29;
	[tilespmem:s0+$0xA570] =	vst v19;
	v63 =	vor.u32 v27, v62;
	v20 =	vld.idx.msk [tilespmem:v54+s18+$0x0], $0xffff  }
0x1d9: {  	v43 =	vadd.s32 v14, v17;
	[tilespmem:s1+$0xA540] =	vst v37;
	v38 =	vld.idx.msk [tilespmem:v55+s18+$0x0], $0xffff;
	v36 =	vor.u32 v28, v42  }
0x1da: {  	v45 =	vadd.s32 v14, v18;
	v44 =	vor.u32 v16, v43;
	[tilespmem:s12+$0xA540] =	vst v32;
	v31 =	vld.idx.msk [tilespmem:v57+s18+$0x0], $0xffff  }
0x1db: {  	v46 =	vor.u32 v21, v45;
	v33 =	vld.idx.msk [tilespmem:v61+s18+$0x0], $0xffff;
	[tilespmem:s2+$0xA550] =	vst v30  }
0x1dc: {  	v49 =	vadd.s32 v14, v24;
	v56 =	vld.idx.msk [tilespmem:v48+s18+$0x0], $0xffff;
	[tilespmem:s25+$0xA540] =	vst v34  }
0x1dd: {  	v50 =	vor.u32 v25, v49;
	v51 =	vadd.s32 v14, v26;
	v19 =	vld.idx.msk [tilespmem:v63+s18+$0x0], $0xffff;
	[tilespmem:s15+$0xA540] =	vst v20  }
0x1de: {  	v53 =	vadd.s32 v14, v29;
	v52 =	vor.u32 v27, v51;
	[tilespmem:s21+$0xA550] =	vst v38;
	v36 =	vld.idx.msk [tilespmem:v36+s18+$0x0], $0xffff  }
0x1df: {  	v17 =	vadd.s32 v15, v17;
	[tilespmem:s1+$0xA550] =	vst v31;
	v37 =	vld.idx.msk [tilespmem:v44+s18+$0x0], $0xffff;
	v54 =	vor.u32 v28, v53  }
0x1e0: {  	v16 =	vor.u32 v16, v17;
	v57 =	vadd.s32 v15, v22;
	[tilespmem:s12+$0xA550] =	vst v33;
	v17 =	vld.idx.msk [tilespmem:v46+s18+$0x0], $0xffff  }
0x1e1: {  	v55 =	vadd.s32 v15, v18;
	v22 =	vor.u32 v23, v57;
	[tilespmem:s2+$0xA560] =	vst v56  }
0x1e2: {  	v59 =	vadd.s32 v15, v24;
	v18 =	vor.u32 v21, v55;
	v58 =	vld.idx.msk [tilespmem:v50+s18+$0x0], $0xffff;
	[tilespmem:s25+$0xA550] =	vst v19  }
0x1e3: {  	v60 =	vor.u32 v25, v59;
	v61 =	vadd.s32 v15, v26;
	v20 =	vld.idx.msk [tilespmem:v52+s18+$0x0], $0xffff;
	[tilespmem:s15+$0xA550] =	vst v36  }
0x1e4: {  	v24 =	vor.u32 v27, v61;
	v63 =	vadd.s32 v15, v29;
	[tilespmem:s21+$0xA560] =	vst v37;
	v62 =	vld.idx.msk [tilespmem:v54+s18+$0x0], $0xffff  }
0x1e5: {  	[tilespmem:s1+$0xA560] =	vst v17;
	v17 =	vor.u32 v28, v63;
	v16 =	vld.idx.msk [tilespmem:v16+s18+$0x0], $0xffff  }
0x1e6: {  	v21 =	vld.idx.msk [tilespmem:v22+s18+$0x0], $0xffff  }
0x1e7: {  	[tilespmem:s12+$0xA560] =	vst v58;
	v18 =	vld.idx.msk [tilespmem:v18+s18+$0x0], $0xffff  }
0x1e8: {  	v19 =	vld.idx.msk [tilespmem:v60+s18+$0x0], $0xffff;
	[tilespmem:s25+$0xA560] =	vst v20  }
0x1e9: {  	v20 =	vld.idx.msk [tilespmem:v24+s18+$0x0], $0xffff;
	[tilespmem:s15+$0xA560] =	vst v62  }
0x1ea: {  	[tilespmem:s21+$0xA570] =	vst v16;
	v16 =	vld.idx.msk [tilespmem:v17+s18+$0x0], $0xffff  }
0x1eb: {  	p2 =	sne.s32 s9, $0xF;
	[tilespmem:s2+$0xA570] =	vst v21  }
.Ltmp4:
0x1ec: {  	[tilespmem:s1+$0xA570] =	vst v18;
	(pc) =	sbr.rel @p2 .LBB2_8-.Ltmp4, $4  }
0x1ed: {  	[tilespmem:s12+$0xA570] =	vst v19  }
0x1ee: {  	[tilespmem:s25+$0xA570] =	vst v20;
	s25 =	sshll.u32 s23, $0x5  }
0x1ef: {  	s31 =	simm.s32 $0xA100;
	s0 =	sadd.s32 s3, s25;
	[tilespmem:s15+$0xA570] =	vst v16  }
0x1f0: {  	[hbm4b:s0+s4] =	stream.linear.scatter [tilespmem:s31], [sflag:$0x6], $0x2000, $0x38;
	[tilespmem:$0x10100] =	vst v63  }
.Ltmp5:
0x1f1: {  	(pc) =	sbr.rel .LBB2_9-.Ltmp5, $4  }
0x1f2: {  	_ = 	snop  }
0x1f3: {  	_ =	swait.ge [sflag:s26], $0x2000  }
0x1f4: {  	[sflag:s26] =	ssyncset.done $0x0  }
0x1f5: {  	[sflag:s26] =	ssyncadd.s32 $0xFFFFE000  }
.LBB2_8:
0x1f6: {  	s0 =	rddreg [dreg:$0x9]  }
.Ltmp6:
0x1f7: {  	s0 =	sadd.s32 s10, s0;
	(pc) =	sbr.rel @p0 .LBB2_10-.Ltmp6, $4  }
0x1f8: {  	[tilespmem:s18], [sflag:$0x2] =	stream.linear.gather [hbm4b:s0+s4], $0x2000, $0x38;
	[tilespmem:$0x10100] =	vst v63  }
0x1f9: {  	_ =	swait.ge [sflag:s26], $0x2000  }
0x1fa: {  	[sflag:s26] =	ssyncset.done $0x0  }
0x1fb: {  	[sflag:s26] =	ssyncadd.s32 $0xFFFFE000  }
.LBB2_9:
0x1fc: {  	_ =	swait.ge [sflag:s28], $0x2000  }
0x1fd: {  	[sflag:s28] =	ssyncset.done $0x0  }
0x1fe: {  	[sflag:s28] =	ssyncadd.s32 $0xFFFFE000  }
.LBB2_10:
0x1ff: {  	s0 =	simm.s32 $0x0  }
0x200: {  	v16 =	vmov s0  }
0x201: {  	v17 =	vshll.u32 v16, $0x8  }
0x202: {  	v16 =	vshll.u32 v16, $0x7;
	v29 =	vand.u32 $0x1800, v17  }
0x203: {  	v28 =	vand.u32 $0x380, v16;
	v16 =	vadd.s32 v0, v29  }
0x204: {  	v16 =	vor.u32 v28, v16;
	_ =	sdelay $0x4  }
0x205: {  	v17 =	vadd.s32 v1, v29;
	v16 =	vld.idx.msk [tilespmem:v16+s19+$0x0], $0xffff  }
0x206: {  	v17 =	vor.u32 v28, v17;
	_ =	sdelay $0x1  }
0x207: {  	s1 =	sand.u32 $0x1800, s0;
	s0 =	sand.u32 $0x380, s0  }
0x208: {  	s2 =	simm.s32 $0x1;
	s8 =	sor.u32 s0, s1  }
0x209: {  	v18 =	vmov s2;
	[tilespmem:s8+$0xC100] =	vst v16  }
0x20a: {  	v19 =	vadd.s32 v2, v29;
	v16 =	vld.idx.msk [tilespmem:v17+s19+$0x0], $0xffff;
	v17 =	vshll.u32 v18, $0x8  }
0x20b: {  	v18 =	vshll.u32 v18, $0x7;
	v20 =	vand.u32 $0x1800, v17;
	v17 =	vor.u32 v28, v19  }
0x20c: {  	v19 =	vand.u32 $0x380, v18;
	v18 =	vadd.s32 v0, v20  }
0x20d: {  	v18 =	vor.u32 v19, v18;
	_ =	sdelay $0x1  }
0x20e: {  	[tilespmem:s8+$0xC110] =	vst v16  }
0x20f: {  	v16 =	vld.idx.msk [tilespmem:v17+s19+$0x0], $0xffff;
	v17 =	vadd.s32 v3, v29  }
0x210: {  	v17 =	vor.u32 v28, v17  }
0x211: {  	v21 =	vadd.s32 v1, v20;
	v18 =	vld.idx.msk [tilespmem:v18+s19+$0x0], $0xffff  }
0x212: {  	v21 =	vor.u32 v19, v21  }
0x213: {  	s12 =	simm.s32 $0x80;
	s15 =	simm.s32 $0x100  }
0x214: {  	s1 =	sand.u32 $0x1800, s15;
	s0 =	sand.u32 $0x380, s12;
	[tilespmem:s8+$0xC120] =	vst v16  }
0x215: {  	s21 =	simm.s32 $0x2;
	s0 =	sor.u32 s0, s1;
	v16 =	vadd.s32 v4, v29;
	v22 =	vld.idx.msk [tilespmem:v17+s19+$0x0], $0xffff  }
0x216: {  	v17 =	vmov s21;
	[tilespmem:s0+$0xC100] =	vst v18;
	v18 =	vor.u32 v28, v16  }
0x217: {  	v23 =	vadd.s32 v2, v20;
	v16 =	vshll.u32 v17, $0x8;
	v21 =	vld.idx.msk [tilespmem:v21+s19+$0x0], $0xffff  }
0x218: {  	v23 =	vor.u32 v19, v23;
	v24 =	vshll.u32 v17, $0x7;
	v17 =	vand.u32 $0x1800, v16  }
0x219: {  	v16 =	vand.u32 $0x380, v24;
	v24 =	vadd.s32 v0, v17  }
0x21a: {  	v24 =	vor.u32 v16, v24;
	[tilespmem:s8+$0xC130] =	vst v22  }
0x21b: {  	v22 =	vadd.s32 v5, v29;
	v18 =	vld.idx.msk [tilespmem:v18+s19+$0x0], $0xffff  }
0x21c: {  	[tilespmem:s0+$0xC110] =	vst v21;
	v21 =	vor.u32 v28, v22  }
0x21d: {  	v22 =	vld.idx.msk [tilespmem:v23+s19+$0x0], $0xffff;
	v23 =	vadd.s32 v3, v20  }
0x21e: {  	v23 =	vor.u32 v19, v23  }
0x21f: {  	v25 =	vadd.s32 v1, v17;
	v24 =	vld.idx.msk [tilespmem:v24+s19+$0x0], $0xffff  }
0x220: {  	v25 =	vor.u32 v16, v25;
	[tilespmem:s8+$0xC140] =	vst v18  }
0x221: {  	s23 =	simm.s32 $0x100;
	s25 =	simm.s32 $0x200;
	v18 =	vadd.s32 v6, v29;
	v21 =	vld.idx.msk [tilespmem:v21+s19+$0x0], $0xffff  }
0x222: {  	s5 =	simm.s32 $0x3;
	s2 =	sand.u32 $0x1800, s25;
	s1 =	sand.u32 $0x380, s23;
	[tilespmem:s0+$0xC120] =	vst v22;
	v22 =	vor.u32 v28, v18  }
0x223: {  	v26 =	vadd.s32 v4, v20;
	s21 =	sor.u32 s1, s2;
	v18 =	vmov s5;
	v23 =	vld.idx.msk [tilespmem:v23+s19+$0x0], $0xffff  }
0x224: {  	[tilespmem:s21+$0xC100] =	vst v24;
	v24 =	vor.u32 v19, v26;
	v26 =	vshll.u32 v18, $0x8  }
0x225: {  	v30 =	vadd.s32 v2, v17;
	v27 =	vshll.u32 v18, $0x7;
	v25 =	vld.idx.msk [tilespmem:v25+s19+$0x0], $0xffff;
	v18 =	vand.u32 $0x1800, v26  }
0x226: {  	v26 =	vor.u32 v16, v30;
	[tilespmem:s8+$0xC150] =	vst v21;
	v21 =	vand.u32 $0x380, v27;
	v27 =	vadd.s32 v0, v18  }
0x227: {  	v30 =	vadd.s32 v7, v29;
	v22 =	vld.idx.msk [tilespmem:v22+s19+$0x0], $0xffff;
	v27 =	vor.u32 v21, v27  }
0x228: {  	[tilespmem:s0+$0xC130] =	vst v23;
	v23 =	vor.u32 v28, v30  }
0x229: {  	v30 =	vadd.s32 v5, v20;
	v24 =	vld.idx.msk [tilespmem:v24+s19+$0x0], $0xffff  }
0x22a: {  	[tilespmem:s21+$0xC110] =	vst v25;
	v25 =	vor.u32 v19, v30  }
0x22b: {  	v30 =	vadd.s32 v3, v17;
	v26 =	vld.idx.msk [tilespmem:v26+s19+$0x0], $0xffff  }
0x22c: {  	v30 =	vor.u32 v16, v30;
	v27 =	vld.idx.msk [tilespmem:v27+s19+$0x0], $0xffff;
	[tilespmem:s8+$0xC160] =	vst v22;
	v22 =	vadd.s32 v1, v18  }
0x22d: {  	v31 =	vadd.s32 v8, v29;
	v23 =	vld.idx.msk [tilespmem:v23+s19+$0x0], $0xffff;
	v22 =	vor.u32 v21, v22  }
0x22e: {  	s31 =	simm.s32 $0x180;
	s5 =	simm.s32 $0x300;
	[tilespmem:s0+$0xC140] =	vst v24;
	v24 =	vor.u32 v28, v31  }
0x22f: {  	s1 =	sand.u32 $0x380, s31;
	s2 =	sand.u32 $0x1800, s5;
	v31 =	vadd.s32 v6, v20;
	v25 =	vld.idx.msk [tilespmem:v25+s19+$0x0], $0xffff  }
0x230: {  	s12 =	simm.s32 $0x4;
	s1 =	sor.u32 s1, s2;
	[tilespmem:s21+$0xC120] =	vst v26;
	v26 =	vor.u32 v19, v31  }
0x231: {  	v34 =	vadd.s32 v9, v29;
	v31 =	vmov s12;
	v30 =	vld.idx.msk [tilespmem:v30+s19+$0x0], $0xffff;
	[tilespmem:s1+$0xC100] =	vst v27;
	v27 =	vadd.s32 v4, v17  }
0x232: {  	v33 =	vld.idx.msk [tilespmem:v22+s19+$0x0], $0xffff;
	v27 =	vor.u32 v16, v27;
	[tilespmem:s8+$0xC170] =	vst v23;
	v22 =	vshll.u32 v31, $0x8;
	v23 =	vadd.s32 v2, v18  }
0x233: {  	v32 =	vshll.u32 v31, $0x7;
	v24 =	vld.idx.msk [tilespmem:v24+s19+$0x0], $0xffff;
	v22 =	vand.u32 $0x1800, v22;
	v31 =	vor.u32 v21, v23  }
0x234: {  	v37 =	vor.u32 v28, v34;
	v23 =	vand.u32 $0x380, v32;
	[tilespmem:s0+$0xC150] =	vst v25;
	v25 =	vadd.s32 v0, v22  }
0x235: {  	v38 =	vadd.s32 v7, v20;
	v26 =	vld.idx.msk [tilespmem:v26+s19+$0x0], $0xffff;
	v25 =	vor.u32 v23, v25  }
0x236: {  	[tilespmem:s21+$0xC130] =	vst v30;
	v30 =	vor.u32 v19, v38  }
0x237: {  	v39 =	vadd.s32 v5, v17;
	v27 =	vld.idx.msk [tilespmem:v27+s19+$0x0], $0xffff;
	[tilespmem:s1+$0xC110] =	vst v33  }
0x238: {  	v33 =	vor.u32 v16, v39;
	v31 =	vld.idx.msk [tilespmem:v31+s19+$0x0], $0xffff;
	[tilespmem:s8+$0xC500] =	vst v24;
	v24 =	vadd.s32 v3, v18  }
0x239: {  	v40 =	vadd.s32 v10, v29;
	v32 =	vld.idx.msk [tilespmem:v37+s19+$0x0], $0xffff;
	v24 =	vor.u32 v21, v24  }
0x23a: {  	v34 =	vor.u32 v28, v40;
	v25 =	vld.idx.msk [tilespmem:v25+s19+$0x0], $0xffff;
	[tilespmem:s0+$0xC160] =	vst v26;
	v26 =	vadd.s32 v1, v22  }
0x23b: {  	v35 =	vadd.s32 v8, v20;
	v30 =	vld.idx.msk [tilespmem:v30+s19+$0x0], $0xffff;
	v26 =	vor.u32 v23, v26  }
0x23c: {  	s15 =	simm.s32 $0x200;
	s23 =	simm.s32 $0x400;
	[tilespmem:s21+$0xC140] =	vst v27;
	v27 =	vor.u32 v19, v35  }
0x23d: {  	v36 =	vadd.s32 v11, v29;
	s5 =	sand.u32 $0x1800, s23;
	s2 =	sand.u32 $0x380, s15;
	v33 =	vld.idx.msk [tilespmem:v33+s19+$0x0], $0xffff;
	[tilespmem:s1+$0xC120] =	vst v31;
	v31 =	vadd.s32 v6, v17  }
0x23e: {  	s2 =	sor.u32 s2, s5;
	v42 =	vadd.s32 v4, v18;
	s12 =	simm.s32 $0x5;
	v41 =	vld.idx.msk [tilespmem:v24+s19+$0x0], $0xffff;
	v31 =	vor.u32 v16, v31;
	[tilespmem:s8+$0xC510] =	vst v32  }
0x23f: {  	v36 =	vor.u32 v28, v36;
	v24 =	vmov s12;
	v32 =	vor.u32 v21, v42;
	[tilespmem:s2+$0xC100] =	vst v25;
	v34 =	vld.idx.msk [tilespmem:v34+s19+$0x0], $0xffff  }
0x240: {  	v25 =	vshll.u32 v24, $0x7;
	v24 =	vshll.u32 v24, $0x8;
	v26 =	vld.idx.msk [tilespmem:v26+s19+$0x0], $0xffff;
	[tilespmem:s0+$0xC170] =	vst v30;
	v30 =	vadd.s32 v2, v22  }
0x241: {  	v37 =	vadd.s32 v9, v20;
	v24 =	vand.u32 $0x1800, v24;
	v27 =	vld.idx.msk [tilespmem:v27+s19+$0x0], $0xffff;
	v30 =	vor.u32 v23, v30  }
0x242: {  	v37 =	vor.u32 v19, v37;
	v25 =	vand.u32 $0x380, v25;
	v43 =	vadd.s32 v0, v24;
	[tilespmem:s21+$0xC150] =	vst v33  }
0x243: {  	v44 =	vadd.s32 v7, v17;
	v33 =	vor.u32 v25, v43;
	v31 =	vld.idx.msk [tilespmem:v31+s19+$0x0], $0xffff;
	[tilespmem:s1+$0xC130] =	vst v41  }
0x244: {  	v45 =	vadd.s32 v5, v18;
	v35 =	vor.u32 v16, v44;
	v32 =	vld.idx.msk [tilespmem:v32+s19+$0x0], $0xffff;
	[tilespmem:s8+$0xC520] =	vst v34  }
0x245: {  	v46 =	vadd.s32 v12, v29;
	v34 =	vor.u32 v21, v45;
	[tilespmem:s2+$0xC110] =	vst v26;
	v26 =	vld.idx.msk [tilespmem:v36+s19+$0x0], $0xffff  }
0x246: {  	v36 =	vor.u32 v28, v46;
	v30 =	vld.idx.msk [tilespmem:v30+s19+$0x0], $0xffff;
	[tilespmem:s0+$0xC500] =	vst v27;
	v27 =	vadd.s32 v3, v22  }
0x247: {  	v47 =	vadd.s32 v8, v17;
	v38 =	vadd.s32 v10, v20;
	v37 =	vld.idx.msk [tilespmem:v37+s19+$0x0], $0xffff;
	v27 =	vor.u32 v23, v27  }
0x248: {  	v38 =	vor.u32 v19, v38;
	v33 =	vld.idx.msk [tilespmem:v33+s19+$0x0], $0xffff;
	[tilespmem:s21+$0xC160] =	vst v31;
	v31 =	vadd.s32 v1, v24  }
0x249: {  	v49 =	vadd.s32 v4, v22;
	v35 =	vld.idx.msk [tilespmem:v35+s19+$0x0], $0xffff;
	v31 =	vor.u32 v25, v31;
	[tilespmem:s1+$0xC140] =	vst v32  }
0x24a: {  	s25 =	simm.s32 $0x280;
	s31 =	simm.s32 $0x500;
	v32 =	vor.u32 v16, v47;
	v34 =	vld.idx.msk [tilespmem:v34+s19+$0x0], $0xffff;
	[tilespmem:s8+$0xC530] =	vst v26;
	v26 =	vadd.s32 v6, v18  }
0x24b: {  	s5 =	sand.u32 $0x380, s25;
	s12 =	sand.u32 $0x1800, s31;
	[tilespmem:s2+$0xC120] =	vst v30;
	v30 =	vld.idx.msk [tilespmem:v36+s19+$0x0], $0xffff;
	v48 =	vor.u32 v21, v26;
	v26 =	vadd.s32 v13, v29  }
0x24c: {  	s15 =	simm.s32 $0x6;
	s12 =	sor.u32 s5, s12;
	v52 =	vadd.s32 v2, v24;
	v39 =	vld.idx.msk [tilespmem:v27+s19+$0x0], $0xffff;
	[tilespmem:s0+$0xC510] =	vst v37;
	v40 =	vor.u32 v28, v26  }
0x24d: {  	v27 =	vmov s15;
	[tilespmem:s12+$0xC100] =	vst v33;
	v37 =	vor.u32 v23, v49;
	v26 =	vadd.s32 v11, v20;
	v50 =	vld.idx.msk [tilespmem:v38+s19+$0x0], $0xffff  }
0x24e: {  	v51 =	vshll.u32 v27, $0x7;
	v27 =	vshll.u32 v27, $0x8;
	v41 =	vor.u32 v19, v26;
	v31 =	vld.idx.msk [tilespmem:v31+s19+$0x0], $0xffff;
	[tilespmem:s21+$0xC170] =	vst v35  }
0x24f: {  	v53 =	vadd.s32 v9, v17;
	v26 =	vand.u32 $0x1800, v27;
	v35 =	vor.u32 v25, v52;
	v32 =	vld.idx.msk [tilespmem:v32+s19+$0x0], $0xffff;
	[tilespmem:s1+$0xC150] =	vst v34  }
0x250: {  	v27 =	vand.u32 $0x380, v51;
	v54 =	vadd.s32 v0, v26;
	v34 =	vor.u32 v16, v53;
	v36 =	vld.idx.msk [tilespmem:v48+s19+$0x0], $0xffff;
	[tilespmem:s8+$0xC540] =	vst v30  }
0x251: {  	v55 =	vadd.s32 v7, v18;
	v30 =	vor.u32 v27, v54;
	[tilespmem:s2+$0xC130] =	vst v39;
	v56 =	vld.idx.msk [tilespmem:v40+s19+$0x0], $0xffff  }
0x252: {  	v57 =	vadd.s32 v14, v29;
	v38 =	vor.u32 v21, v55;
	v37 =	vld.idx.msk [tilespmem:v37+s19+$0x0], $0xffff;
	[tilespmem:s0+$0xC520] =	vst v50  }
0x253: {  	v33 =	vor.u32 v28, v57;
	[tilespmem:s12+$0xC110] =	vst v31;
	v31 =	vadd.s32 v5, v22;
	v58 =	vld.idx.msk [tilespmem:v41+s19+$0x0], $0xffff  }
0x254: {  	v59 =	vld.idx.msk [tilespmem:v35+s19+$0x0], $0xffff;
	v60 =	vor.u32 v23, v31;
	[tilespmem:s21+$0xC500] =	vst v32;
	v31 =	vadd.s32 v12, v20  }
0x255: {  	v61 =	vadd.s32 v3, v24;
	v34 =	vld.idx.msk [tilespmem:v34+s19+$0x0], $0xffff;
	v42 =	vor.u32 v19, v31  }
0x256: {  	v32 =	vor.u32 v25, v61;
	v43 =	vld.idx.msk [tilespmem:v30+s19+$0x0], $0xffff;
	[tilespmem:s1+$0xC160] =	vst v36;
	v30 =	vadd.s32 v10, v17  }
0x257: {  	v31 =	vadd.s32 v1, v26;
	v38 =	vld.idx.msk [tilespmem:v38+s19+$0x0], $0xffff;
	v44 =	vor.u32 v16, v30;
	[tilespmem:s8+$0xC550] =	vst v56  }
0x258: {  	v62 =	vadd.s32 v6, v22;
	v45 =	vor.u32 v27, v31;
	[tilespmem:s2+$0xC140] =	vst v37;
	v31 =	vld.idx.msk [tilespmem:v33+s19+$0x0], $0xffff  }
0x259: {  	s29 =	simm.s32 $0x600;
	s25 =	simm.s32 $0x300;
	v63 =	vadd.s32 v4, v24;
	v30 =	vadd.s32 v8, v18;
	[tilespmem:s0+$0xC530] =	vst v58;
	v36 =	vld.idx.msk [tilespmem:v60+s19+$0x0], $0xffff  }
0x25a: {  	s23 =	sand.u32 $0x380, s25;
	v29 =	vadd.s32 v15, v29;
	s15 =	sand.u32 $0x1800, s29;
	v35 =	vor.u32 v21, v30;
	[tilespmem:s12+$0xC120] =	vst v59;
	v33 =	vld.idx.msk [tilespmem:v42+s19+$0x0], $0xffff  }
0x25b: {  	s31 =	simm.s32 $0x7;
	s23 =	sor.u32 s23, s15;
	v40 =	vor.u32 v25, v63;
	v30 =	vor.u32 v28, v29;
	v39 =	vld.idx.msk [tilespmem:v32+s19+$0x0], $0xffff;
	[tilespmem:s21+$0xC510] =	vst v34  }
0x25c: {  	v37 =	vor.u32 v23, v62;
	v28 =	vadd.s32 v13, v20;
	v29 =	vmov s31;
	[tilespmem:s23+$0xC100] =	vst v43;
	v34 =	vld.idx.msk [tilespmem:v44+s19+$0x0], $0xffff  }
0x25d: {  	s15 =	simm.s32 $0x8;
	v32 =	vor.u32 v19, v28;
	v28 =	vshll.u32 v29, $0x7;
	v41 =	vld.idx.msk [tilespmem:v45+s19+$0x0], $0xffff;
	[tilespmem:s1+$0xC170] =	vst v38;
	v38 =	vadd.s32 v11, v17  }
.LBB2_11:
0x25e: {  	v29 =	vshll.u32 v29, $0x8;
	v42 =	vadd.s32 v2, v26;
	v38 =	vor.u32 v16, v38  }
0x25f: {  	p2 =	sne.s32 s15, $0x1F;
	v35 =	vld.idx.msk [tilespmem:v35+s19+$0x0], $0xffff;
	[tilespmem:s8+$0xC560] =	vst v31;
	v43 =	vmovc v24;
	v24 =	vmovc v26;
	v44 =	vmov v19;
	v19 =	vmov v16;
	v16 =	vmov v21  }
0x260: {  	v26 =	vand.u32 $0x1800, v29;
	v29 =	vor.u32 v27, v42;
	[tilespmem:s2+$0xC150] =	vst v36;
	v42 =	vadd.s32 v9, v18;
	v30 =	vld.idx.msk [tilespmem:v30+s19+$0x0], $0xffff  }
0x261: {  	v28 =	vand.u32 $0x380, v28;
	v31 =	vadd.s32 v0, v26;
	v36 =	vld.idx.msk [tilespmem:v37+s19+$0x0], $0xffff;
	v37 =	vor.u32 v16, v42;
	[tilespmem:s0+$0xC540] =	vst v33  }
0x262: {  	v21 =	vmov v23;
	v33 =	vadd.s32 v7, v22;
	v31 =	vor.u32 v28, v31;
	[tilespmem:s12+$0xC130] =	vst v39;
	v32 =	vld.idx.msk [tilespmem:v32+s19+$0x0], $0xffff  }
0x263: {  	v23 =	vmov v25;
	v33 =	vor.u32 v21, v33;
	v39 =	vld.idx.msk [tilespmem:v40+s19+$0x0], $0xffff;
	[tilespmem:s21+$0xC520] =	vst v34;
	v34 =	vadd.s32 v14, v20  }
0x264: {  	v25 =	vmov v27;
	v40 =	vadd.s32 v5, v43;
	[tilespmem:s23+$0xC110] =	vst v41;
	v38 =	vld.idx.msk [tilespmem:v38+s19+$0x0], $0xffff;
	v34 =	vor.u32 v44, v34  }
0x265: {  	v27 =	vmov v28;
	v40 =	vor.u32 v23, v40;
	v29 =	vld.idx.msk [tilespmem:v29+s19+$0x0], $0xffff;
	[tilespmem:s1+$0xC500] =	vst v35;
	v35 =	vadd.s32 v12, v17  }
0x266: {  	v28 =	vadd.s32 v3, v24;
	v41 =	vld.idx.msk [tilespmem:v37+s19+$0x0], $0xffff;
	v37 =	vor.u32 v19, v35;
	[tilespmem:s8+$0xC570] =	vst v30;
	s8 =	smov.u32 s0;
	s0 =	smov.u32 s21;
	s21 =	smov.u32 s1  }
0x267: {  	v28 =	vor.u32 v25, v28;
	v30 =	vadd.s32 v10, v18;
	s1 =	smov.u32 s2;
	v42 =	vld.idx.msk [tilespmem:v31+s19+$0x0], $0xffff;
	[tilespmem:s2+$0xC160] =	vst v36;
	s2 =	smov.u32 s12;
	s12 =	smov.u32 s23  }
0x268: {  	v31 =	vadd.s32 v1, v26;
	v46 =	vor.u32 v16, v30;
	v45 =	vld.idx.msk [tilespmem:v33+s19+$0x0], $0xffff;
	[tilespmem:s8+$0xC550] =	vst v32  }
0x269: {  	v30 =	vadd.s32 v8, v22;
	v47 =	vor.u32 v27, v31;
	[tilespmem:s2+$0xC140] =	vst v39;
	v31 =	vld.idx.msk [tilespmem:v34+s19+$0x0], $0xffff  }
.Ltmp7:
0x26a: {  	s25 =	sadd.s32 $0x80, s25;
	s29 =	sadd.s32 $0x100, s29;
	v35 =	vor.u32 v21, v30;
	v30 =	vadd.s32 v15, v20;
	v20 =	vmov v17;
	v36 =	vld.idx.msk [tilespmem:v40+s19+$0x0], $0xffff;
	[tilespmem:s0+$0xC530] =	vst v38;
	(pc) =	sbr.rel @p2 .LBB2_11-.Ltmp7, $4  }
0x26b: {  	s5 =	sand.u32 $0x1800, s29;
	s23 =	sand.u32 $0x380, s25;
	v17 =	vmov v18;
	v30 =	vor.u32 v44, v30;
	[tilespmem:s12+$0xC120] =	vst v29;
	v29 =	vadd.s32 v6, v43;
	v33 =	vld.idx.msk [tilespmem:v37+s19+$0x0], $0xffff  }
0x26c: {  	s23 =	sor.u32 s23, s5;
	v18 =	vmov v22;
	v39 =	vld.idx.msk [tilespmem:v28+s19+$0x0], $0xffff;
	v37 =	vor.u32 v23, v29;
	[tilespmem:s21+$0xC510] =	vst v41;
	v28 =	vadd.s32 v13, v20  }
0x26d: {  	v22 =	vmovc v43;
	v38 =	vadd.s32 v4, v24;
	v29 =	vmov s15;
	[tilespmem:s23+$0xC100] =	vst v42;
	v34 =	vld.idx.msk [tilespmem:v46+s19+$0x0], $0xffff;
	v32 =	vor.u32 v19, v28  }
0x26e: {  	v40 =	vor.u32 v25, v38;
	v38 =	vadd.s32 v11, v17;
	s15 =	sadd.s32 $0x1, s15;
	v28 =	vshll.u32 v29, $0x7;
	v41 =	vld.idx.msk [tilespmem:v47+s19+$0x0], $0xffff;
	[tilespmem:s1+$0xC170] =	vst v45  }
0x26f: {  	v29 =	vshll.u32 v29, $0x8  }
0x270: {  	v29 =	vand.u32 $0x1800, v29  }
0x271: {  	v28 =	vand.u32 $0x380, v28;
	v42 =	vadd.s32 v0, v29  }
0x272: {  	v42 =	vor.u32 v28, v42;
	_ =	sdelay $0x4  }
0x273: {  	v43 =	vadd.s32 v1, v29;
	v42 =	vld.idx.msk [tilespmem:v42+s19+$0x0], $0xffff  }
0x274: {  	v43 =	vor.u32 v28, v43  }
0x275: {  	s5 =	sadd.s32 $0x80, s25;
	s15 =	sadd.s32 $0x100, s29  }
0x276: {  	s15 =	sand.u32 $0x1800, s15;
	s5 =	sand.u32 $0x380, s5  }
0x277: {  	s15 =	sor.u32 s5, s15  }
0x278: {  	v44 =	vadd.s32 v2, v26;
	[tilespmem:s15+$0xC100] =	vst v42  }
0x279: {  	v63 =	vor.u32 v27, v44;
	v48 =	vadd.s32 v2, v29;
	v43 =	vld.idx.msk [tilespmem:v43+s19+$0x0], $0xffff  }
0x27a: {  	v44 =	vor.u32 v28, v48;
	_ =	sdelay $0x2  }
0x27b: {  	[tilespmem:s23+$0xC110] =	vst v41  }
0x27c: {  	v49 =	vadd.s32 v3, v26;
	v41 =	vld.idx.msk [tilespmem:v63+s19+$0x0], $0xffff;
	[tilespmem:s15+$0xC110] =	vst v43  }
0x27d: {  	v50 =	vadd.s32 v3, v29;
	v42 =	vor.u32 v27, v49;
	v43 =	vld.idx.msk [tilespmem:v44+s19+$0x0], $0xffff  }
0x27e: {  	v44 =	vor.u32 v28, v50;
	_ =	sdelay $0x2  }
0x27f: {  	[tilespmem:s23+$0xC120] =	vst v41  }
0x280: {  	v51 =	vadd.s32 v4, v26;
	v41 =	vld.idx.msk [tilespmem:v42+s19+$0x0], $0xffff;
	[tilespmem:s15+$0xC120] =	vst v43  }
0x281: {  	v52 =	vadd.s32 v4, v29;
	v42 =	vor.u32 v27, v51;
	v43 =	vld.idx.msk [tilespmem:v44+s19+$0x0], $0xffff  }
0x282: {  	v44 =	vor.u32 v28, v52;
	_ =	sdelay $0x1  }
0x283: {  	[tilespmem:s12+$0xC130] =	vst v39  }
0x284: {  	v53 =	vadd.s32 v5, v24;
	v39 =	vld.idx.msk [tilespmem:v40+s19+$0x0], $0xffff;
	[tilespmem:s23+$0xC130] =	vst v41  }
0x285: {  	v54 =	vadd.s32 v5, v26;
	v40 =	vor.u32 v25, v53;
	v41 =	vld.idx.msk [tilespmem:v42+s19+$0x0], $0xffff;
	[tilespmem:s15+$0xC130] =	vst v43  }
0x286: {  	v55 =	vadd.s32 v5, v29;
	v42 =	vor.u32 v27, v54;
	v43 =	vld.idx.msk [tilespmem:v44+s19+$0x0], $0xffff  }
0x287: {  	v44 =	vor.u32 v28, v55;
	_ =	sdelay $0x1  }
0x288: {  	[tilespmem:s12+$0xC140] =	vst v39  }
0x289: {  	v56 =	vadd.s32 v6, v24;
	v39 =	vld.idx.msk [tilespmem:v40+s19+$0x0], $0xffff;
	[tilespmem:s23+$0xC140] =	vst v41  }
0x28a: {  	v57 =	vadd.s32 v6, v26;
	v40 =	vor.u32 v25, v56;
	v41 =	vld.idx.msk [tilespmem:v42+s19+$0x0], $0xffff;
	[tilespmem:s15+$0xC140] =	vst v43  }
0x28b: {  	v58 =	vadd.s32 v6, v29;
	v42 =	vor.u32 v27, v57;
	v43 =	vld.idx.msk [tilespmem:v44+s19+$0x0], $0xffff  }
0x28c: {  	v44 =	vor.u32 v28, v58  }
0x28d: {  	[tilespmem:s2+$0xC150] =	vst v36  }
0x28e: {  	v59 =	vadd.s32 v7, v22;
	v36 =	vld.idx.msk [tilespmem:v37+s19+$0x0], $0xffff;
	[tilespmem:s12+$0xC150] =	vst v39  }
0x28f: {  	v60 =	vadd.s32 v7, v24;
	v37 =	vor.u32 v23, v59;
	v39 =	vld.idx.msk [tilespmem:v40+s19+$0x0], $0xffff;
	[tilespmem:s23+$0xC150] =	vst v41  }
0x290: {  	v61 =	vadd.s32 v7, v26;
	v40 =	vor.u32 v25, v60;
	v41 =	vld.idx.msk [tilespmem:v42+s19+$0x0], $0xffff;
	[tilespmem:s15+$0xC150] =	vst v43  }
0x291: {  	[tilespmem:s8+$0xC560] =	vst v31;
	v31 =	vor.u32 v27, v61;
	v63 =	vadd.s32 v7, v29;
	v62 =	vld.idx.msk [tilespmem:v44+s19+$0x0], $0xffff  }
0x292: {  	[tilespmem:s0+$0xC540] =	vst v33;
	v45 =	vor.u32 v28, v63  }
0x293: {  	v35 =	vld.idx.msk [tilespmem:v35+s19+$0x0], $0xffff;
	[tilespmem:s2+$0xC160] =	vst v36  }
0x294: {  	v46 =	vadd.s32 v8, v22;
	v36 =	vld.idx.msk [tilespmem:v37+s19+$0x0], $0xffff;
	[tilespmem:s12+$0xC160] =	vst v39  }
0x295: {  	v47 =	vadd.s32 v8, v24;
	v37 =	vor.u32 v23, v46;
	v39 =	vld.idx.msk [tilespmem:v40+s19+$0x0], $0xffff;
	[tilespmem:s23+$0xC160] =	vst v41  }
0x296: {  	v48 =	vadd.s32 v8, v26;
	v40 =	vor.u32 v25, v47;
	v31 =	vld.idx.msk [tilespmem:v31+s19+$0x0], $0xffff;
	[tilespmem:s15+$0xC160] =	vst v62  }
0x297: {  	[tilespmem:s21+$0xC520] =	vst v34;
	v49 =	vor.u32 v27, v48;
	v50 =	vadd.s32 v8, v29;
	v33 =	vld.idx.msk [tilespmem:v45+s19+$0x0], $0xffff  }
0x298: {  	v30 =	vld.idx.msk [tilespmem:v30+s19+$0x0], $0xffff;
	[tilespmem:s1+$0xC500] =	vst v35;
	v51 =	vor.u32 v28, v50  }
0x299: {  	v38 =	vor.u32 v16, v38;
	v32 =	vld.idx.msk [tilespmem:v32+s19+$0x0], $0xffff;
	[tilespmem:s2+$0xC170] =	vst v36;
	v52 =	vadd.s32 v9, v18  }
0x29a: {  	v37 =	vld.idx.msk [tilespmem:v37+s19+$0x0], $0xffff;
	v54 =	vadd.s32 v9, v22;
	[tilespmem:s12+$0xC170] =	vst v39;
	v53 =	vor.u32 v21, v52  }
0x29b: {  	v56 =	vadd.s32 v9, v24;
	v40 =	vld.idx.msk [tilespmem:v40+s19+$0x0], $0xffff;
	v55 =	vor.u32 v23, v54;
	[tilespmem:s23+$0xC170] =	vst v31  }
0x29c: {  	v57 =	vadd.s32 v9, v26;
	v31 =	vor.u32 v25, v56;
	v34 =	vld.idx.msk [tilespmem:v49+s19+$0x0], $0xffff;
	[tilespmem:s15+$0xC170] =	vst v33  }
0x29d: {  	[tilespmem:s8+$0xC570] =	vst v30;
	v30 =	vor.u32 v27, v57;
	v58 =	vadd.s32 v9, v29;
	v33 =	vld.idx.msk [tilespmem:v51+s19+$0x0], $0xffff  }
0x29e: {  	v59 =	vadd.s32 v14, v20;
	v38 =	vld.idx.msk [tilespmem:v38+s19+$0x0], $0xffff;
	[tilespmem:s0+$0xC550] =	vst v32;
	v60 =	vor.u32 v28, v58  }
0x29f: {  	v61 =	vor.u32 v19, v59;
	[tilespmem:s2+$0xC500] =	vst v37;
	v36 =	vld.idx.msk [tilespmem:v53+s19+$0x0], $0xffff;
	v62 =	vadd.s32 v10, v18  }
0x2a0: {  	[tilespmem:s12+$0xC500] =	vst v40;
	v39 =	vld.idx.msk [tilespmem:v55+s19+$0x0], $0xffff;
	v44 =	vadd.s32 v10, v22;
	v63 =	vor.u32 v21, v62  }
0x2a1: {  	v46 =	vadd.s32 v10, v24;
	v45 =	vor.u32 v23, v44;
	v31 =	vld.idx.msk [tilespmem:v31+s19+$0x0], $0xffff;
	[tilespmem:s23+$0xC500] =	vst v34  }
0x2a2: {  	v48 =	vadd.s32 v10, v26;
	v47 =	vor.u32 v25, v46;
	v30 =	vld.idx.msk [tilespmem:v30+s19+$0x0], $0xffff;
	[tilespmem:s15+$0xC500] =	vst v33  }
0x2a3: {  	[tilespmem:s21+$0xC530] =	vst v38;
	v50 =	vadd.s32 v10, v29;
	v49 =	vor.u32 v27, v48;
	v32 =	vld.idx.msk [tilespmem:v60+s19+$0x0], $0xffff  }
0x2a4: {  	v20 =	vadd.s32 v15, v20;
	v35 =	vld.idx.msk [tilespmem:v61+s19+$0x0], $0xffff;
	v52 =	vor.u32 v28, v50;
	[tilespmem:s1+$0xC510] =	vst v36  }
0x2a5: {  	v19 =	vor.u32 v19, v20;
	v54 =	vadd.s32 v11, v18;
	[tilespmem:s2+$0xC510] =	vst v39;
	v37 =	vld.idx.msk [tilespmem:v63+s19+$0x0], $0xffff  }
0x2a6: {  	v55 =	vor.u32 v21, v54;
	v56 =	vadd.s32 v11, v22;
	v40 =	vld.idx.msk [tilespmem:v45+s19+$0x0], $0xffff;
	[tilespmem:s12+$0xC510] =	vst v31  }
0x2a7: {  	v57 =	vadd.s32 v11, v24;
	v31 =	vor.u32 v23, v56;
	v34 =	vld.idx.msk [tilespmem:v47+s19+$0x0], $0xffff;
	[tilespmem:s23+$0xC510] =	vst v30  }
0x2a8: {  	v58 =	vadd.s32 v11, v26;
	v30 =	vor.u32 v25, v57;
	v33 =	vld.idx.msk [tilespmem:v49+s19+$0x0], $0xffff;
	[tilespmem:s15+$0xC510] =	vst v32  }
0x2a9: {  	v61 =	vadd.s32 v11, v29;
	[tilespmem:s0+$0xC560] =	vst v35;
	v59 =	vor.u32 v27, v58;
	v60 =	vld.idx.msk [tilespmem:v52+s19+$0x0], $0xffff  }
0x2aa: {  	v19 =	vld.idx.msk [tilespmem:v19+s19+$0x0], $0xffff;
	v36 =	vor.u32 v28, v61;
	v51 =	vadd.s32 v12, v17;
	[tilespmem:s1+$0xC520] =	vst v37  }
0x2ab: {  	v62 =	vadd.s32 v12, v18;
	v53 =	vor.u32 v16, v51;
	[tilespmem:s2+$0xC520] =	vst v40;
	v20 =	vld.idx.msk [tilespmem:v55+s19+$0x0], $0xffff  }
0x2ac: {  	v63 =	vadd.s32 v12, v22;
	v37 =	vor.u32 v21, v62;
	v31 =	vld.idx.msk [tilespmem:v31+s19+$0x0], $0xffff;
	[tilespmem:s12+$0xC520] =	vst v34  }
0x2ad: {  	v43 =	vadd.s32 v12, v24;
	v42 =	vor.u32 v23, v63;
	v30 =	vld.idx.msk [tilespmem:v30+s19+$0x0], $0xffff;
	[tilespmem:s23+$0xC520] =	vst v33  }
0x2ae: {  	v44 =	vor.u32 v25, v43;
	v45 =	vadd.s32 v12, v26;
	v32 =	vld.idx.msk [tilespmem:v59+s19+$0x0], $0xffff;
	[tilespmem:s15+$0xC520] =	vst v60  }
0x2af: {  	[tilespmem:s0+$0xC570] =	vst v19;
	v46 =	vor.u32 v27, v45;
	v47 =	vadd.s32 v12, v29;
	v36 =	vld.idx.msk [tilespmem:v36+s19+$0x0], $0xffff  }
0x2b0: {  	v48 =	vadd.s32 v13, v17;
	v38 =	vld.idx.msk [tilespmem:v53+s19+$0x0], $0xffff;
	[tilespmem:s1+$0xC530] =	vst v20;
	v20 =	vor.u32 v28, v47  }
0x2b1: {  	v50 =	vadd.s32 v13, v18;
	v49 =	vor.u32 v16, v48;
	v37 =	vld.idx.msk [tilespmem:v37+s19+$0x0], $0xffff;
	[tilespmem:s2+$0xC530] =	vst v31  }
0x2b2: {  	v51 =	vadd.s32 v13, v22;
	v31 =	vor.u32 v21, v50;
	v34 =	vld.idx.msk [tilespmem:v42+s19+$0x0], $0xffff;
	[tilespmem:s12+$0xC530] =	vst v30  }
0x2b3: {  	v52 =	vadd.s32 v13, v24;
	v30 =	vor.u32 v23, v51;
	v33 =	vld.idx.msk [tilespmem:v44+s19+$0x0], $0xffff;
	[tilespmem:s23+$0xC530] =	vst v32  }
0x2b4: {  	v54 =	vadd.s32 v13, v26;
	v53 =	vor.u32 v25, v52;
	v35 =	vld.idx.msk [tilespmem:v46+s19+$0x0], $0xffff;
	[tilespmem:s15+$0xC530] =	vst v36  }
0x2b5: {  	v19 =	vor.u32 v27, v54;
	v55 =	vadd.s32 v13, v29;
	[tilespmem:s21+$0xC540] =	vst v38;
	v20 =	vld.idx.msk [tilespmem:v20+s19+$0x0], $0xffff  }
0x2b6: {  	v56 =	vadd.s32 v14, v17;
	v38 =	vld.idx.msk [tilespmem:v49+s19+$0x0], $0xffff;
	[tilespmem:s1+$0xC540] =	vst v37;
	v36 =	vor.u32 v28, v55  }
0x2b7: {  	v58 =	vadd.s32 v14, v18;
	v57 =	vor.u32 v16, v56;
	v31 =	vld.idx.msk [tilespmem:v31+s19+$0x0], $0xffff;
	[tilespmem:s2+$0xC540] =	vst v34  }
0x2b8: {  	v59 =	vor.u32 v21, v58;
	v60 =	vadd.s32 v14, v22;
	v30 =	vld.idx.msk [tilespmem:v30+s19+$0x0], $0xffff;
	[tilespmem:s12+$0xC540] =	vst v33  }
0x2b9: {  	v62 =	vadd.s32 v14, v24;
	v61 =	vor.u32 v23, v60;
	v32 =	vld.idx.msk [tilespmem:v53+s19+$0x0], $0xffff;
	[tilespmem:s23+$0xC540] =	vst v35  }
0x2ba: {  	v63 =	vor.u32 v25, v62;
	v42 =	vadd.s32 v14, v26;
	v19 =	vld.idx.msk [tilespmem:v19+s19+$0x0], $0xffff;
	[tilespmem:s15+$0xC540] =	vst v20  }
0x2bb: {  	v43 =	vadd.s32 v14, v29;
	[tilespmem:s21+$0xC550] =	vst v38;
	v20 =	vor.u32 v27, v42;
	v36 =	vld.idx.msk [tilespmem:v36+s19+$0x0], $0xffff  }
0x2bc: {  	v17 =	vadd.s32 v15, v17;
	v37 =	vld.idx.msk [tilespmem:v57+s19+$0x0], $0xffff;
	[tilespmem:s1+$0xC550] =	vst v31;
	v31 =	vor.u32 v28, v43  }
0x2bd: {  	v18 =	vadd.s32 v15, v18;
	v16 =	vor.u32 v16, v17;
	v17 =	vld.idx.msk [tilespmem:v59+s19+$0x0], $0xffff;
	[tilespmem:s2+$0xC550] =	vst v30  }
0x2be: {  	v18 =	vor.u32 v21, v18;
	v22 =	vadd.s32 v15, v22;
	v21 =	vld.idx.msk [tilespmem:v61+s19+$0x0], $0xffff;
	[tilespmem:s12+$0xC550] =	vst v32  }
0x2bf: {  	v24 =	vadd.s32 v15, v24;
	v22 =	vor.u32 v23, v22;
	v23 =	vld.idx.msk [tilespmem:v63+s19+$0x0], $0xffff;
	[tilespmem:s23+$0xC550] =	vst v19  }
0x2c0: {  	v19 =	vor.u32 v25, v24;
	v24 =	vadd.s32 v15, v26;
	v20 =	vld.idx.msk [tilespmem:v20+s19+$0x0], $0xffff;
	[tilespmem:s15+$0xC550] =	vst v36  }
0x2c1: {  	[tilespmem:s21+$0xC560] =	vst v37;
	v26 =	vadd.s32 v15, v29;
	v24 =	vor.u32 v27, v24;
	v25 =	vld.idx.msk [tilespmem:v31+s19+$0x0], $0xffff  }
0x2c2: {  	v16 =	vld.idx.msk [tilespmem:v16+s19+$0x0], $0xffff;
	[tilespmem:s1+$0xC560] =	vst v17;
	v17 =	vor.u32 v28, v26  }
0x2c3: {  	v18 =	vld.idx.msk [tilespmem:v18+s19+$0x0], $0xffff;
	[tilespmem:s2+$0xC560] =	vst v21  }
0x2c4: {  	v21 =	vld.idx.msk [tilespmem:v22+s19+$0x0], $0xffff;
	[tilespmem:s12+$0xC560] =	vst v23  }
0x2c5: {  	v19 =	vld.idx.msk [tilespmem:v19+s19+$0x0], $0xffff;
	[tilespmem:s23+$0xC560] =	vst v20  }
0x2c6: {  	v20 =	vld.idx.msk [tilespmem:v24+s19+$0x0], $0xffff;
	[tilespmem:s15+$0xC560] =	vst v25  }
0x2c7: {  	[tilespmem:s21+$0xC570] =	vst v16;
	v16 =	vld.idx.msk [tilespmem:v17+s19+$0x0], $0xffff  }
0x2c8: {  	[tilespmem:s1+$0xC570] =	vst v18  }
0x2c9: {  	[tilespmem:s2+$0xC570] =	vst v21  }
0x2ca: {  	[tilespmem:s12+$0xC570] =	vst v19  }
0x2cb: {  	[tilespmem:s23+$0xC570] =	vst v20  }
0x2cc: {  	s25 =	sadd.s32 s7, s13;
	s29 =	simm.s32 $0x0;
	s31 =	simm.s32 $0xC100;
	[tilespmem:s15+$0xC570] =	vst v16  }
0x2cd: {  	v16 =	vmov s29;
	[hbm4b:s25+s4] =	stream.linear.scatter [tilespmem:s31], [sflag:$0x7], $0x2000, $0x38;
	[tilespmem:$0x10100] =	vst v63  }
0x2ce: {  	s5 =	simm.s32 @!p1 $0x4100;
	s0 =	sadd.s32 @!p1 s10, s14;
	s2 =	simm.s32 @!p1 $0x0;
	v17 =	vshll.u32 v16, $0x8  }
0x2cf: {  	v16 =	vshll.u32 v16, $0x7;
	v29 =	vand.u32 $0x1800, v17;
	[tilespmem:s5], [sflag:$0x3] =	stream.linear.gather @!p1 [hbm4b:s0+s2], $0x2000, $0x38;
	[tilespmem:$0x10100] =	vst v63  }
0x2d0: {  	v28 =	vand.u32 $0x380, v16;
	v16 =	vadd.s32 v0, v29;
	_ =	swait.ge [sflag:s30], $0x2000  }
0x2d1: {  	v16 =	vor.u32 v28, v16;
	[sflag:s30] =	ssyncset.done $0x0  }
0x2d2: {  	s0 =	simm.s32 @!p0 $0x8;
	[sflag:s30] =	ssyncadd.s32 $0xFFFFE000  }
0x2d3: {  	_ =	swait.ge @!p0 [sflag:s0], $0x2000  }
0x2d4: {  	[sflag:s0] =	ssyncset.done @!p0 $0x0  }
0x2d5: {  	[sflag:s0] =	ssyncadd.s32 @!p0 $0xFFFFE000  }
0x2d6: {  	v17 =	vadd.s32 v1, v29;
	v16 =	vld.idx.msk [tilespmem:v16+s20+$0x0], $0xffff  }
0x2d7: {  	v17 =	vor.u32 v28, v17;
	_ =	sdelay $0x1  }
0x2d8: {  	s1 =	sand.u32 $0x380, s29;
	s5 =	sand.u32 $0x1800, s29  }
0x2d9: {  	s7 =	simm.s32 $0x1;
	s8 =	sor.u32 s1, s5  }
0x2da: {  	v18 =	vmov s7;
	[tilespmem:s8+$0xE100] =	vst v16  }
0x2db: {  	v19 =	vadd.s32 v2, v29;
	v16 =	vld.idx.msk [tilespmem:v17+s20+$0x0], $0xffff;
	v17 =	vshll.u32 v18, $0x8  }
0x2dc: {  	v18 =	vshll.u32 v18, $0x7;
	v20 =	vand.u32 $0x1800, v17;
	v17 =	vor.u32 v28, v19  }
0x2dd: {  	v19 =	vand.u32 $0x380, v18;
	v18 =	vadd.s32 v0, v20  }
0x2de: {  	v18 =	vor.u32 v19, v18;
	_ =	sdelay $0x1  }
0x2df: {  	[tilespmem:s8+$0xE110] =	vst v16  }
0x2e0: {  	v16 =	vld.idx.msk [tilespmem:v17+s20+$0x0], $0xffff;
	v17 =	vadd.s32 v3, v29  }
0x2e1: {  	v17 =	vor.u32 v28, v17  }
0x2e2: {  	v21 =	vadd.s32 v1, v20;
	v18 =	vld.idx.msk [tilespmem:v18+s20+$0x0], $0xffff  }
0x2e3: {  	v21 =	vor.u32 v19, v21  }
0x2e4: {  	s12 =	simm.s32 $0x80;
	s15 =	simm.s32 $0x100  }
0x2e5: {  	s1 =	sand.u32 $0x1800, s15;
	s0 =	sand.u32 $0x380, s12;
	[tilespmem:s8+$0xE120] =	vst v16  }
0x2e6: {  	s21 =	simm.s32 $0x2;
	s0 =	sor.u32 s0, s1;
	v16 =	vadd.s32 v4, v29;
	v22 =	vld.idx.msk [tilespmem:v17+s20+$0x0], $0xffff  }
0x2e7: {  	v17 =	vmov s21;
	[tilespmem:s0+$0xE100] =	vst v18;
	v18 =	vor.u32 v28, v16  }
0x2e8: {  	v23 =	vadd.s32 v2, v20;
	v16 =	vshll.u32 v17, $0x8;
	v21 =	vld.idx.msk [tilespmem:v21+s20+$0x0], $0xffff  }
0x2e9: {  	v23 =	vor.u32 v19, v23;
	v24 =	vshll.u32 v17, $0x7;
	v17 =	vand.u32 $0x1800, v16  }
0x2ea: {  	v16 =	vand.u32 $0x380, v24;
	v24 =	vadd.s32 v0, v17  }
0x2eb: {  	v24 =	vor.u32 v16, v24;
	[tilespmem:s8+$0xE130] =	vst v22  }
0x2ec: {  	v22 =	vadd.s32 v5, v29;
	v18 =	vld.idx.msk [tilespmem:v18+s20+$0x0], $0xffff  }
0x2ed: {  	[tilespmem:s0+$0xE110] =	vst v21;
	v21 =	vor.u32 v28, v22  }
0x2ee: {  	v22 =	vld.idx.msk [tilespmem:v23+s20+$0x0], $0xffff;
	v23 =	vadd.s32 v3, v20  }
0x2ef: {  	v23 =	vor.u32 v19, v23  }
0x2f0: {  	v25 =	vadd.s32 v1, v17;
	v24 =	vld.idx.msk [tilespmem:v24+s20+$0x0], $0xffff  }
0x2f1: {  	v25 =	vor.u32 v16, v25;
	[tilespmem:s8+$0xE140] =	vst v18  }
0x2f2: {  	s23 =	simm.s32 $0x100;
	s25 =	simm.s32 $0x200;
	v18 =	vadd.s32 v6, v29;
	v21 =	vld.idx.msk [tilespmem:v21+s20+$0x0], $0xffff  }
0x2f3: {  	s29 =	simm.s32 $0x3;
	s2 =	sand.u32 $0x1800, s25;
	s1 =	sand.u32 $0x380, s23;
	[tilespmem:s0+$0xE120] =	vst v22;
	v22 =	vor.u32 v28, v18  }
0x2f4: {  	s7 =	sor.u32 s1, s2;
	v26 =	vadd.s32 v4, v20;
	v18 =	vmov s29;
	v23 =	vld.idx.msk [tilespmem:v23+s20+$0x0], $0xffff  }
0x2f5: {  	[tilespmem:s7+$0xE100] =	vst v24;
	v24 =	vor.u32 v19, v26;
	v26 =	vshll.u32 v18, $0x8  }
0x2f6: {  	v30 =	vadd.s32 v2, v17;
	v27 =	vshll.u32 v18, $0x7;
	v25 =	vld.idx.msk [tilespmem:v25+s20+$0x0], $0xffff;
	v18 =	vand.u32 $0x1800, v26  }
0x2f7: {  	v26 =	vor.u32 v16, v30;
	[tilespmem:s8+$0xE150] =	vst v21;
	v21 =	vand.u32 $0x380, v27;
	v27 =	vadd.s32 v0, v18  }
0x2f8: {  	v30 =	vadd.s32 v7, v29;
	v22 =	vld.idx.msk [tilespmem:v22+s20+$0x0], $0xffff;
	v27 =	vor.u32 v21, v27  }
0x2f9: {  	[tilespmem:s0+$0xE130] =	vst v23;
	v23 =	vor.u32 v28, v30  }
0x2fa: {  	v30 =	vadd.s32 v5, v20;
	v24 =	vld.idx.msk [tilespmem:v24+s20+$0x0], $0xffff  }
0x2fb: {  	[tilespmem:s7+$0xE110] =	vst v25;
	v25 =	vor.u32 v19, v30  }
0x2fc: {  	v30 =	vadd.s32 v3, v17;
	v26 =	vld.idx.msk [tilespmem:v26+s20+$0x0], $0xffff  }
0x2fd: {  	v30 =	vor.u32 v16, v30;
	v27 =	vld.idx.msk [tilespmem:v27+s20+$0x0], $0xffff;
	[tilespmem:s8+$0xE160] =	vst v22;
	v22 =	vadd.s32 v1, v18  }
0x2fe: {  	v31 =	vadd.s32 v8, v29;
	v23 =	vld.idx.msk [tilespmem:v23+s20+$0x0], $0xffff;
	v22 =	vor.u32 v21, v22  }
0x2ff: {  	s31 =	simm.s32 $0x180;
	s5 =	simm.s32 $0x300;
	[tilespmem:s0+$0xE140] =	vst v24;
	v24 =	vor.u32 v28, v31  }
0x300: {  	s2 =	sand.u32 $0x1800, s5;
	s1 =	sand.u32 $0x380, s31;
	v31 =	vadd.s32 v6, v20;
	v25 =	vld.idx.msk [tilespmem:v25+s20+$0x0], $0xffff  }
0x301: {  	s12 =	simm.s32 $0x4;
	s1 =	sor.u32 s1, s2;
	[tilespmem:s7+$0xE120] =	vst v26;
	v26 =	vor.u32 v19, v31  }
0x302: {  	v46 =	vadd.s32 v9, v29;
	v31 =	vmov s12;
	v30 =	vld.idx.msk [tilespmem:v30+s20+$0x0], $0xffff;
	[tilespmem:s1+$0xE100] =	vst v27;
	v27 =	vadd.s32 v4, v17  }
0x303: {  	v45 =	vld.idx.msk [tilespmem:v22+s20+$0x0], $0xffff;
	v27 =	vor.u32 v16, v27;
	[tilespmem:s8+$0xE170] =	vst v23;
	v22 =	vshll.u32 v31, $0x8;
	v23 =	vadd.s32 v2, v18  }
0x304: {  	v44 =	vshll.u32 v31, $0x7;
	v24 =	vld.idx.msk [tilespmem:v24+s20+$0x0], $0xffff;
	v22 =	vand.u32 $0x1800, v22;
	v31 =	vor.u32 v21, v23  }
0x305: {  	v47 =	vor.u32 v28, v46;
	v23 =	vand.u32 $0x380, v44;
	[tilespmem:s0+$0xE150] =	vst v25;
	v25 =	vadd.s32 v0, v22  }
0x306: {  	v48 =	vadd.s32 v7, v20;
	v26 =	vld.idx.msk [tilespmem:v26+s20+$0x0], $0xffff;
	v25 =	vor.u32 v23, v25  }
0x307: {  	[tilespmem:s7+$0xE130] =	vst v30;
	v30 =	vor.u32 v19, v48  }
0x308: {  	v49 =	vadd.s32 v5, v17;
	v27 =	vld.idx.msk [tilespmem:v27+s20+$0x0], $0xffff;
	[tilespmem:s1+$0xE110] =	vst v45  }
0x309: {  	v33 =	vor.u32 v16, v49;
	v31 =	vld.idx.msk [tilespmem:v31+s20+$0x0], $0xffff;
	[tilespmem:s8+$0xE500] =	vst v24;
	v24 =	vadd.s32 v3, v18  }
0x30a: {  	v50 =	vadd.s32 v10, v29;
	v32 =	vld.idx.msk [tilespmem:v47+s20+$0x0], $0xffff;
	v24 =	vor.u32 v21, v24  }
0x30b: {  	v34 =	vor.u32 v28, v50;
	v25 =	vld.idx.msk [tilespmem:v25+s20+$0x0], $0xffff;
	[tilespmem:s0+$0xE160] =	vst v26;
	v26 =	vadd.s32 v1, v22  }
0x30c: {  	v51 =	vadd.s32 v8, v20;
	v30 =	vld.idx.msk [tilespmem:v30+s20+$0x0], $0xffff;
	v26 =	vor.u32 v23, v26  }
0x30d: {  	v54 =	vadd.s32 v11, v29;
	s15 =	simm.s32 $0x200;
	s21 =	simm.s32 $0x400;
	[tilespmem:s7+$0xE140] =	vst v27;
	v27 =	vor.u32 v19, v51  }
0x30e: {  	v59 =	vadd.s32 v12, v29;
	s2 =	sand.u32 $0x380, s15;
	s5 =	sand.u32 $0x1800, s21;
	v33 =	vld.idx.msk [tilespmem:v33+s20+$0x0], $0xffff;
	[tilespmem:s1+$0xE120] =	vst v31;
	v31 =	vadd.s32 v6, v17  }
0x30f: {  	s23 =	simm.s32 $0x5;
	s2 =	sor.u32 s2, s5;
	v53 =	vadd.s32 v4, v18;
	v52 =	vld.idx.msk [tilespmem:v24+s20+$0x0], $0xffff;
	v31 =	vor.u32 v16, v31;
	[tilespmem:s8+$0xE510] =	vst v32  }
0x310: {  	v36 =	vor.u32 v28, v54;
	v24 =	vmov s23;
	v32 =	vor.u32 v21, v53;
	[tilespmem:s2+$0xE100] =	vst v25;
	v34 =	vld.idx.msk [tilespmem:v34+s20+$0x0], $0xffff  }
0x311: {  	v25 =	vshll.u32 v24, $0x7;
	v24 =	vshll.u32 v24, $0x8;
	v26 =	vld.idx.msk [tilespmem:v26+s20+$0x0], $0xffff;
	[tilespmem:s0+$0xE170] =	vst v30;
	v30 =	vadd.s32 v2, v22  }
0x312: {  	v55 =	vadd.s32 v9, v20;
	v24 =	vand.u32 $0x1800, v24;
	v27 =	vld.idx.msk [tilespmem:v27+s20+$0x0], $0xffff;
	v30 =	vor.u32 v23, v30  }
0x313: {  	v37 =	vor.u32 v19, v55;
	v25 =	vand.u32 $0x380, v25;
	v56 =	vadd.s32 v0, v24;
	[tilespmem:s7+$0xE150] =	vst v33  }
0x314: {  	v57 =	vadd.s32 v7, v17;
	v33 =	vor.u32 v25, v56;
	v31 =	vld.idx.msk [tilespmem:v31+s20+$0x0], $0xffff;
	[tilespmem:s1+$0xE130] =	vst v52  }
0x315: {  	v35 =	vor.u32 v16, v57;
	v58 =	vadd.s32 v5, v18;
	v32 =	vld.idx.msk [tilespmem:v32+s20+$0x0], $0xffff;
	[tilespmem:s8+$0xE520] =	vst v34  }
0x316: {  	v60 =	vadd.s32 v10, v20;
	v34 =	vor.u32 v21, v58;
	[tilespmem:s2+$0xE110] =	vst v26;
	v26 =	vld.idx.msk [tilespmem:v36+s20+$0x0], $0xffff  }
0x317: {  	v36 =	vor.u32 v28, v59;
	v30 =	vld.idx.msk [tilespmem:v30+s20+$0x0], $0xffff;
	[tilespmem:s0+$0xE500] =	vst v27;
	v27 =	vadd.s32 v3, v22  }
0x318: {  	v38 =	vor.u32 v19, v60;
	v37 =	vld.idx.msk [tilespmem:v37+s20+$0x0], $0xffff;
	v27 =	vor.u32 v23, v27  }
0x319: {  	v61 =	vadd.s32 v8, v17;
	v33 =	vld.idx.msk [tilespmem:v33+s20+$0x0], $0xffff;
	[tilespmem:s7+$0xE160] =	vst v31;
	v31 =	vadd.s32 v1, v24  }
0x31a: {  	v44 =	vadd.s32 v4, v22;
	v35 =	vld.idx.msk [tilespmem:v35+s20+$0x0], $0xffff;
	v31 =	vor.u32 v25, v31;
	[tilespmem:s1+$0xE140] =	vst v32  }
0x31b: {  	s25 =	simm.s32 $0x280;
	s29 =	simm.s32 $0x500;
	v32 =	vor.u32 v16, v61;
	v34 =	vld.idx.msk [tilespmem:v34+s20+$0x0], $0xffff;
	[tilespmem:s8+$0xE530] =	vst v26;
	v26 =	vadd.s32 v6, v18  }
0x31c: {  	s5 =	sand.u32 $0x380, s25;
	s12 =	sand.u32 $0x1800, s29;
	[tilespmem:s2+$0xE120] =	vst v30;
	v30 =	vld.idx.msk [tilespmem:v36+s20+$0x0], $0xffff;
	v62 =	vor.u32 v21, v26;
	v26 =	vadd.s32 v13, v29  }
0x31d: {  	s31 =	simm.s32 $0x6;
	s12 =	sor.u32 s5, s12;
	v48 =	vadd.s32 v2, v24;
	v63 =	vld.idx.msk [tilespmem:v27+s20+$0x0], $0xffff;
	[tilespmem:s0+$0xE510] =	vst v37;
	v45 =	vor.u32 v28, v26  }
0x31e: {  	v27 =	vmov s31;
	[tilespmem:s12+$0xE100] =	vst v33;
	v37 =	vor.u32 v23, v44;
	v26 =	vadd.s32 v11, v20;
	v46 =	vld.idx.msk [tilespmem:v38+s20+$0x0], $0xffff  }
0x31f: {  	v47 =	vshll.u32 v27, $0x7;
	v27 =	vshll.u32 v27, $0x8;
	v49 =	vor.u32 v19, v26;
	v31 =	vld.idx.msk [tilespmem:v31+s20+$0x0], $0xffff;
	[tilespmem:s7+$0xE170] =	vst v35  }
0x320: {  	v50 =	vadd.s32 v9, v17;
	v26 =	vand.u32 $0x1800, v27;
	v35 =	vor.u32 v25, v48;
	v32 =	vld.idx.msk [tilespmem:v32+s20+$0x0], $0xffff;
	[tilespmem:s1+$0xE150] =	vst v34  }
0x321: {  	v27 =	vand.u32 $0x380, v47;
	v51 =	vadd.s32 v0, v26;
	v34 =	vor.u32 v16, v50;
	v36 =	vld.idx.msk [tilespmem:v62+s20+$0x0], $0xffff;
	[tilespmem:s8+$0xE540] =	vst v30  }
0x322: {  	v52 =	vadd.s32 v7, v18;
	v30 =	vor.u32 v27, v51;
	[tilespmem:s2+$0xE130] =	vst v63;
	v53 =	vld.idx.msk [tilespmem:v45+s20+$0x0], $0xffff  }
0x323: {  	v54 =	vadd.s32 v14, v29;
	v38 =	vor.u32 v21, v52;
	v37 =	vld.idx.msk [tilespmem:v37+s20+$0x0], $0xffff;
	[tilespmem:s0+$0xE520] =	vst v46  }
0x324: {  	v33 =	vor.u32 v28, v54;
	[tilespmem:s12+$0xE110] =	vst v31;
	v31 =	vadd.s32 v5, v22;
	v55 =	vld.idx.msk [tilespmem:v49+s20+$0x0], $0xffff  }
0x325: {  	v56 =	vld.idx.msk [tilespmem:v35+s20+$0x0], $0xffff;
	v57 =	vor.u32 v23, v31;
	[tilespmem:s7+$0xE500] =	vst v32;
	v31 =	vadd.s32 v12, v20  }
0x326: {  	v58 =	vadd.s32 v3, v24;
	v34 =	vld.idx.msk [tilespmem:v34+s20+$0x0], $0xffff;
	v59 =	vor.u32 v19, v31  }
0x327: {  	v32 =	vor.u32 v25, v58;
	v60 =	vld.idx.msk [tilespmem:v30+s20+$0x0], $0xffff;
	[tilespmem:s1+$0xE160] =	vst v36;
	v30 =	vadd.s32 v10, v17  }
0x328: {  	v31 =	vadd.s32 v1, v26;
	v38 =	vld.idx.msk [tilespmem:v38+s20+$0x0], $0xffff;
	v61 =	vor.u32 v16, v30;
	[tilespmem:s8+$0xE550] =	vst v53  }
0x329: {  	v29 =	vadd.s32 v15, v29;
	v45 =	vor.u32 v27, v31;
	[tilespmem:s2+$0xE140] =	vst v37;
	v31 =	vld.idx.msk [tilespmem:v33+s20+$0x0], $0xffff  }
0x32a: {  	s25 =	simm.s32 $0x600;
	s23 =	simm.s32 $0x300;
	v62 =	vadd.s32 v6, v22;
	v30 =	vadd.s32 v8, v18;
	[tilespmem:s0+$0xE530] =	vst v55;
	v36 =	vld.idx.msk [tilespmem:v57+s20+$0x0], $0xffff  }
0x32b: {  	s15 =	sand.u32 $0x1800, s25;
	s21 =	sand.u32 $0x380, s23;
	v63 =	vadd.s32 v4, v24;
	v35 =	vor.u32 v21, v30;
	[tilespmem:s12+$0xE120] =	vst v56;
	v33 =	vld.idx.msk [tilespmem:v59+s20+$0x0], $0xffff  }
0x32c: {  	s21 =	sor.u32 s21, s15;
	s31 =	simm.s32 $0x7;
	v40 =	vor.u32 v25, v63;
	v30 =	vor.u32 v28, v29;
	v39 =	vld.idx.msk [tilespmem:v32+s20+$0x0], $0xffff;
	[tilespmem:s7+$0xE510] =	vst v34  }
0x32d: {  	v37 =	vor.u32 v23, v62;
	v28 =	vadd.s32 v13, v20;
	v29 =	vmov s31;
	[tilespmem:s21+$0xE100] =	vst v60;
	v34 =	vld.idx.msk [tilespmem:v61+s20+$0x0], $0xffff  }
0x32e: {  	s16 =	sadd.s32 $0x60, s16;
	s15 =	simm.s32 $0x8;
	v32 =	vor.u32 v19, v28;
	v28 =	vshll.u32 v29, $0x7;
	v41 =	vld.idx.msk [tilespmem:v45+s20+$0x0], $0xffff;
	[tilespmem:s1+$0xE170] =	vst v38;
	v38 =	vadd.s32 v11, v17  }
.LBB2_13:
0x32f: {  	v29 =	vshll.u32 v29, $0x8;
	v42 =	vadd.s32 v2, v26;
	v38 =	vor.u32 v16, v38  }
0x330: {  	p0 =	sne.s32 s15, $0x1F;
	v35 =	vld.idx.msk [tilespmem:v35+s20+$0x0], $0xffff;
	[tilespmem:s8+$0xE560] =	vst v31;
	v43 =	vmovc v24;
	v24 =	vmovc v26;
	v44 =	vmov v19;
	v19 =	vmov v16;
	v16 =	vmov v21  }
0x331: {  	v26 =	vand.u32 $0x1800, v29;
	v29 =	vor.u32 v27, v42;
	[tilespmem:s2+$0xE150] =	vst v36;
	v42 =	vadd.s32 v9, v18;
	v30 =	vld.idx.msk [tilespmem:v30+s20+$0x0], $0xffff  }
0x332: {  	v28 =	vand.u32 $0x380, v28;
	v31 =	vadd.s32 v0, v26;
	v36 =	vld.idx.msk [tilespmem:v37+s20+$0x0], $0xffff;
	v37 =	vor.u32 v16, v42;
	[tilespmem:s0+$0xE540] =	vst v33  }
0x333: {  	v21 =	vmov v23;
	v33 =	vadd.s32 v7, v22;
	v31 =	vor.u32 v28, v31;
	[tilespmem:s12+$0xE130] =	vst v39;
	v32 =	vld.idx.msk [tilespmem:v32+s20+$0x0], $0xffff  }
0x334: {  	v23 =	vmov v25;
	v33 =	vor.u32 v21, v33;
	v39 =	vld.idx.msk [tilespmem:v40+s20+$0x0], $0xffff;
	[tilespmem:s7+$0xE520] =	vst v34;
	v34 =	vadd.s32 v14, v20  }
0x335: {  	v25 =	vmov v27;
	v40 =	vadd.s32 v5, v43;
	[tilespmem:s21+$0xE110] =	vst v41;
	v38 =	vld.idx.msk [tilespmem:v38+s20+$0x0], $0xffff;
	v34 =	vor.u32 v44, v34  }
0x336: {  	v27 =	vmov v28;
	v40 =	vor.u32 v23, v40;
	v29 =	vld.idx.msk [tilespmem:v29+s20+$0x0], $0xffff;
	[tilespmem:s1+$0xE500] =	vst v35;
	v35 =	vadd.s32 v12, v17  }
0x337: {  	v28 =	vadd.s32 v3, v24;
	v41 =	vld.idx.msk [tilespmem:v37+s20+$0x0], $0xffff;
	v37 =	vor.u32 v19, v35;
	[tilespmem:s8+$0xE570] =	vst v30;
	s8 =	smov.u32 s0;
	s0 =	smov.u32 s7;
	s7 =	smov.u32 s1  }
0x338: {  	v28 =	vor.u32 v25, v28;
	v30 =	vadd.s32 v10, v18;
	s1 =	smov.u32 s2;
	v42 =	vld.idx.msk [tilespmem:v31+s20+$0x0], $0xffff;
	[tilespmem:s2+$0xE160] =	vst v36;
	s2 =	smov.u32 s12;
	s12 =	smov.u32 s21  }
0x339: {  	v31 =	vadd.s32 v1, v26;
	v46 =	vor.u32 v16, v30;
	v45 =	vld.idx.msk [tilespmem:v33+s20+$0x0], $0xffff;
	[tilespmem:s8+$0xE550] =	vst v32  }
0x33a: {  	v30 =	vadd.s32 v8, v22;
	v47 =	vor.u32 v27, v31;
	[tilespmem:s2+$0xE140] =	vst v39;
	v31 =	vld.idx.msk [tilespmem:v34+s20+$0x0], $0xffff  }
.Ltmp8:
0x33b: {  	s23 =	sadd.s32 $0x80, s23;
	s25 =	sadd.s32 $0x100, s25;
	v35 =	vor.u32 v21, v30;
	v30 =	vadd.s32 v15, v20;
	v20 =	vmov v17;
	v36 =	vld.idx.msk [tilespmem:v40+s20+$0x0], $0xffff;
	[tilespmem:s0+$0xE530] =	vst v38;
	(pc) =	sbr.rel @p0 .LBB2_13-.Ltmp8, $4  }
0x33c: {  	s5 =	sand.u32 $0x1800, s25;
	s21 =	sand.u32 $0x380, s23;
	v17 =	vmov v18;
	v30 =	vor.u32 v44, v30;
	[tilespmem:s12+$0xE120] =	vst v29;
	v29 =	vadd.s32 v6, v43;
	v33 =	vld.idx.msk [tilespmem:v37+s20+$0x0], $0xffff  }
0x33d: {  	s21 =	sor.u32 s21, s5;
	v18 =	vmov v22;
	v39 =	vld.idx.msk [tilespmem:v28+s20+$0x0], $0xffff;
	v37 =	vor.u32 v23, v29;
	[tilespmem:s7+$0xE510] =	vst v41;
	v28 =	vadd.s32 v13, v20  }
0x33e: {  	v22 =	vmovc v43;
	v38 =	vadd.s32 v4, v24;
	v29 =	vmov s15;
	[tilespmem:s21+$0xE100] =	vst v42;
	v34 =	vld.idx.msk [tilespmem:v46+s20+$0x0], $0xffff;
	v32 =	vor.u32 v19, v28  }
0x33f: {  	v40 =	vor.u32 v25, v38;
	v38 =	vadd.s32 v11, v17;
	s15 =	sadd.s32 $0x1, s15;
	v28 =	vshll.u32 v29, $0x7;
	v41 =	vld.idx.msk [tilespmem:v47+s20+$0x0], $0xffff;
	[tilespmem:s1+$0xE170] =	vst v45  }
0x340: {  	v29 =	vshll.u32 v29, $0x8  }
0x341: {  	v29 =	vand.u32 $0x1800, v29  }
0x342: {  	v28 =	vand.u32 $0x380, v28;
	v42 =	vadd.s32 v0, v29  }
0x343: {  	v42 =	vor.u32 v28, v42;
	_ =	sdelay $0x4  }
0x344: {  	v43 =	vadd.s32 v1, v29;
	v42 =	vld.idx.msk [tilespmem:v42+s20+$0x0], $0xffff  }
0x345: {  	v43 =	vor.u32 v28, v43  }
0x346: {  	s5 =	sadd.s32 $0x80, s23;
	s15 =	sadd.s32 $0x100, s25  }
0x347: {  	s15 =	sand.u32 $0x1800, s15;
	s5 =	sand.u32 $0x380, s5  }
0x348: {  	s25 =	sor.u32 s5, s15  }
0x349: {  	v44 =	vadd.s32 v2, v26;
	[tilespmem:s25+$0xE100] =	vst v42  }
0x34a: {  	v62 =	vor.u32 v27, v44;
	v63 =	vadd.s32 v2, v29;
	v43 =	vld.idx.msk [tilespmem:v43+s20+$0x0], $0xffff  }
0x34b: {  	v44 =	vor.u32 v28, v63;
	_ =	sdelay $0x2  }
0x34c: {  	[tilespmem:s21+$0xE110] =	vst v41  }
0x34d: {  	v48 =	vadd.s32 v3, v26;
	v41 =	vld.idx.msk [tilespmem:v62+s20+$0x0], $0xffff;
	[tilespmem:s25+$0xE110] =	vst v43  }
0x34e: {  	v49 =	vadd.s32 v3, v29;
	v42 =	vor.u32 v27, v48;
	v43 =	vld.idx.msk [tilespmem:v44+s20+$0x0], $0xffff  }
0x34f: {  	v44 =	vor.u32 v28, v49;
	_ =	sdelay $0x2  }
0x350: {  	[tilespmem:s21+$0xE120] =	vst v41  }
0x351: {  	v50 =	vadd.s32 v4, v26;
	v41 =	vld.idx.msk [tilespmem:v42+s20+$0x0], $0xffff;
	[tilespmem:s25+$0xE120] =	vst v43  }
0x352: {  	v51 =	vadd.s32 v4, v29;
	[tilespmem:s12+$0xE130] =	vst v39;
	v42 =	vor.u32 v27, v50;
	v43 =	vld.idx.msk [tilespmem:v44+s20+$0x0], $0xffff  }
0x353: {  	v52 =	vadd.s32 v5, v24;
	v39 =	vld.idx.msk [tilespmem:v40+s20+$0x0], $0xffff;
	v44 =	vor.u32 v28, v51  }
0x354: {  	v40 =	vor.u32 v25, v52;
	_ =	sdelay $0x1  }
0x355: {  	[tilespmem:s21+$0xE130] =	vst v41  }
0x356: {  	v53 =	vadd.s32 v5, v26;
	v41 =	vld.idx.msk [tilespmem:v42+s20+$0x0], $0xffff;
	[tilespmem:s25+$0xE130] =	vst v43  }
0x357: {  	v54 =	vadd.s32 v5, v29;
	[tilespmem:s12+$0xE140] =	vst v39;
	v42 =	vor.u32 v27, v53;
	v43 =	vld.idx.msk [tilespmem:v44+s20+$0x0], $0xffff  }
0x358: {  	v55 =	vadd.s32 v6, v24;
	v39 =	vld.idx.msk [tilespmem:v40+s20+$0x0], $0xffff;
	v44 =	vor.u32 v28, v54  }
0x359: {  	v40 =	vor.u32 v25, v55  }
0x35a: {  	[tilespmem:s2+$0xE150] =	vst v36  }
0x35b: {  	v58 =	vadd.s32 v7, v22;
	v36 =	vld.idx.msk [tilespmem:v37+s20+$0x0], $0xffff;
	[tilespmem:s21+$0xE140] =	vst v41  }
0x35c: {  	v56 =	vadd.s32 v6, v26;
	v37 =	vor.u32 v23, v58;
	v41 =	vld.idx.msk [tilespmem:v42+s20+$0x0], $0xffff;
	[tilespmem:s25+$0xE140] =	vst v43  }
0x35d: {  	v57 =	vadd.s32 v6, v29;
	[tilespmem:s12+$0xE150] =	vst v39;
	v42 =	vor.u32 v27, v56;
	v43 =	vld.idx.msk [tilespmem:v44+s20+$0x0], $0xffff  }
0x35e: {  	v59 =	vadd.s32 v7, v24;
	v39 =	vld.idx.msk [tilespmem:v40+s20+$0x0], $0xffff;
	v44 =	vor.u32 v28, v57  }
0x35f: {  	[tilespmem:s8+$0xE560] =	vst v31;
	v40 =	vor.u32 v25, v59  }
0x360: {  	v35 =	vld.idx.msk [tilespmem:v35+s20+$0x0], $0xffff;
	[tilespmem:s2+$0xE160] =	vst v36  }
0x361: {  	v45 =	vadd.s32 v8, v22;
	v36 =	vld.idx.msk [tilespmem:v37+s20+$0x0], $0xffff;
	[tilespmem:s21+$0xE150] =	vst v41  }
0x362: {  	v60 =	vadd.s32 v7, v26;
	v37 =	vor.u32 v23, v45;
	v41 =	vld.idx.msk [tilespmem:v42+s20+$0x0], $0xffff;
	[tilespmem:s25+$0xE150] =	vst v43  }
0x363: {  	v61 =	vor.u32 v27, v60;
	v63 =	vadd.s32 v7, v29;
	[tilespmem:s12+$0xE160] =	vst v39;
	v62 =	vld.idx.msk [tilespmem:v44+s20+$0x0], $0xffff  }
0x364: {  	v46 =	vadd.s32 v8, v24;
	[tilespmem:s0+$0xE540] =	vst v33;
	v39 =	vld.idx.msk [tilespmem:v40+s20+$0x0], $0xffff;
	v44 =	vor.u32 v28, v63  }
0x365: {  	v30 =	vld.idx.msk [tilespmem:v30+s20+$0x0], $0xffff;
	[tilespmem:s7+$0xE520] =	vst v34;
	v40 =	vor.u32 v25, v46  }
0x366: {  	v38 =	vor.u32 v16, v38;
	v32 =	vld.idx.msk [tilespmem:v32+s20+$0x0], $0xffff;
	[tilespmem:s2+$0xE170] =	vst v36;
	v51 =	vadd.s32 v9, v18  }
0x367: {  	v37 =	vld.idx.msk [tilespmem:v37+s20+$0x0], $0xffff;
	v53 =	vadd.s32 v9, v22;
	v52 =	vor.u32 v21, v51;
	[tilespmem:s21+$0xE160] =	vst v41  }
0x368: {  	v47 =	vadd.s32 v8, v26;
	v54 =	vor.u32 v23, v53;
	v31 =	vld.idx.msk [tilespmem:v61+s20+$0x0], $0xffff;
	[tilespmem:s25+$0xE160] =	vst v62  }
0x369: {  	v48 =	vor.u32 v27, v47;
	v49 =	vadd.s32 v8, v29;
	[tilespmem:s12+$0xE170] =	vst v39;
	v33 =	vld.idx.msk [tilespmem:v44+s20+$0x0], $0xffff  }
0x36a: {  	[tilespmem:s1+$0xE500] =	vst v35;
	v55 =	vadd.s32 v9, v24;
	v50 =	vor.u32 v28, v49;
	v40 =	vld.idx.msk [tilespmem:v40+s20+$0x0], $0xffff  }
0x36b: {  	v38 =	vld.idx.msk [tilespmem:v38+s20+$0x0], $0xffff;
	[tilespmem:s8+$0xE570] =	vst v30;
	v56 =	vor.u32 v25, v55  }
0x36c: {  	[tilespmem:s2+$0xE500] =	vst v37;
	v36 =	vld.idx.msk [tilespmem:v52+s20+$0x0], $0xffff;
	v52 =	vadd.s32 v12, v17  }
0x36d: {  	v45 =	vadd.s32 v10, v22;
	v39 =	vld.idx.msk [tilespmem:v54+s20+$0x0], $0xffff;
	v54 =	vor.u32 v16, v52;
	[tilespmem:s21+$0xE170] =	vst v31  }
0x36e: {  	v46 =	vor.u32 v23, v45;
	v57 =	vadd.s32 v9, v26;
	v34 =	vld.idx.msk [tilespmem:v48+s20+$0x0], $0xffff;
	[tilespmem:s25+$0xE170] =	vst v33  }
0x36f: {  	v59 =	vadd.s32 v9, v29;
	[tilespmem:s12+$0xE500] =	vst v40;
	v58 =	vor.u32 v27, v57;
	v33 =	vld.idx.msk [tilespmem:v50+s20+$0x0], $0xffff  }
0x370: {  	[tilespmem:s0+$0xE550] =	vst v32;
	v47 =	vadd.s32 v10, v24;
	v61 =	vor.u32 v28, v59;
	v31 =	vld.idx.msk [tilespmem:v56+s20+$0x0], $0xffff  }
0x371: {  	[tilespmem:s7+$0xE530] =	vst v38;
	v63 =	vadd.s32 v10, v18;
	v48 =	vor.u32 v25, v47  }
0x372: {  	v60 =	vadd.s32 v14, v20;
	[tilespmem:s2+$0xE510] =	vst v39;
	v38 =	vld.idx.msk [tilespmem:v54+s20+$0x0], $0xffff;
	v44 =	vor.u32 v21, v63  }
0x373: {  	v57 =	vadd.s32 v11, v22;
	v40 =	vld.idx.msk [tilespmem:v46+s20+$0x0], $0xffff;
	v62 =	vor.u32 v19, v60;
	[tilespmem:s21+$0xE500] =	vst v34  }
0x374: {  	v49 =	vadd.s32 v10, v26;
	v30 =	vld.idx.msk [tilespmem:v58+s20+$0x0], $0xffff;
	v58 =	vor.u32 v23, v57;
	[tilespmem:s25+$0xE500] =	vst v33  }
0x375: {  	v51 =	vadd.s32 v10, v29;
	[tilespmem:s12+$0xE510] =	vst v31;
	v50 =	vor.u32 v27, v49;
	v32 =	vld.idx.msk [tilespmem:v61+s20+$0x0], $0xffff  }
0x376: {  	v53 =	vor.u32 v28, v51;
	[tilespmem:s1+$0xE510] =	vst v36;
	v34 =	vld.idx.msk [tilespmem:v48+s20+$0x0], $0xffff  }
0x377: {  	v55 =	vadd.s32 v11, v18;
	v37 =	vld.idx.msk [tilespmem:v44+s20+$0x0], $0xffff  }
0x378: {  	v59 =	vadd.s32 v11, v24;
	v56 =	vor.u32 v21, v55;
	[tilespmem:s2+$0xE520] =	vst v40;
	v35 =	vld.idx.msk [tilespmem:v62+s20+$0x0], $0xffff  }
0x379: {  	v46 =	vadd.s32 v12, v22;
	v60 =	vor.u32 v25, v59;
	[tilespmem:s21+$0xE510] =	vst v30;
	v31 =	vld.idx.msk [tilespmem:v58+s20+$0x0], $0xffff  }
0x37a: {  	v47 =	vor.u32 v23, v46;
	v33 =	vld.idx.msk [tilespmem:v50+s20+$0x0], $0xffff;
	v61 =	vadd.s32 v11, v26;
	[tilespmem:s25+$0xE510] =	vst v32  }
0x37b: {  	v41 =	vadd.s32 v11, v29;
	[tilespmem:s7+$0xE540] =	vst v38;
	v62 =	vor.u32 v27, v61;
	v63 =	vld.idx.msk [tilespmem:v53+s20+$0x0], $0xffff  }
0x37c: {  	v42 =	vadd.s32 v15, v20;
	v36 =	vor.u32 v28, v41;
	[tilespmem:s1+$0xE520] =	vst v37  }
0x37d: {  	v45 =	vadd.s32 v12, v18;
	v43 =	vor.u32 v19, v42;
	[tilespmem:s12+$0xE520] =	vst v34;
	v44 =	vld.idx.msk [tilespmem:v56+s20+$0x0], $0xffff  }
0x37e: {  	v48 =	vadd.s32 v12, v24;
	v30 =	vld.idx.msk [tilespmem:v60+s20+$0x0], $0xffff;
	v37 =	vor.u32 v21, v45;
	[tilespmem:s2+$0xE530] =	vst v31  }
0x37f: {  	v49 =	vor.u32 v25, v48;
	v58 =	vadd.s32 v13, v22;
	v34 =	vld.idx.msk [tilespmem:v47+s20+$0x0], $0xffff;
	[tilespmem:s21+$0xE520] =	vst v33  }
0x380: {  	v59 =	vor.u32 v23, v58;
	v50 =	vadd.s32 v12, v26;
	v32 =	vld.idx.msk [tilespmem:v62+s20+$0x0], $0xffff;
	[tilespmem:s25+$0xE520] =	vst v63  }
0x381: {  	v52 =	vadd.s32 v12, v29;
	[tilespmem:s0+$0xE560] =	vst v35;
	v51 =	vor.u32 v27, v50;
	v36 =	vld.idx.msk [tilespmem:v36+s20+$0x0], $0xffff  }
0x382: {  	v54 =	vor.u32 v28, v52;
	v19 =	vld.idx.msk [tilespmem:v43+s20+$0x0], $0xffff;
	[tilespmem:s1+$0xE530] =	vst v44;
	v53 =	vadd.s32 v13, v17  }
0x383: {  	v56 =	vadd.s32 v13, v18;
	[tilespmem:s12+$0xE530] =	vst v30;
	v37 =	vld.idx.msk [tilespmem:v37+s20+$0x0], $0xffff;
	v55 =	vor.u32 v16, v53  }
0x384: {  	v60 =	vadd.s32 v13, v24;
	v57 =	vor.u32 v21, v56;
	v33 =	vld.idx.msk [tilespmem:v49+s20+$0x0], $0xffff;
	[tilespmem:s2+$0xE540] =	vst v34  }
0x385: {  	v61 =	vor.u32 v25, v60;
	v47 =	vadd.s32 v14, v22;
	v30 =	vld.idx.msk [tilespmem:v59+s20+$0x0], $0xffff;
	[tilespmem:s21+$0xE530] =	vst v32  }
0x386: {  	v48 =	vor.u32 v23, v47;
	v62 =	vadd.s32 v13, v26;
	v35 =	vld.idx.msk [tilespmem:v51+s20+$0x0], $0xffff;
	[tilespmem:s25+$0xE530] =	vst v36  }
0x387: {  	v42 =	vadd.s32 v13, v29;
	[tilespmem:s0+$0xE570] =	vst v19;
	v63 =	vor.u32 v27, v62;
	v20 =	vld.idx.msk [tilespmem:v54+s20+$0x0], $0xffff  }
0x388: {  	v43 =	vadd.s32 v14, v17;
	[tilespmem:s1+$0xE540] =	vst v37;
	v38 =	vld.idx.msk [tilespmem:v55+s20+$0x0], $0xffff;
	v36 =	vor.u32 v28, v42  }
0x389: {  	v45 =	vadd.s32 v14, v18;
	v44 =	vor.u32 v16, v43;
	[tilespmem:s12+$0xE540] =	vst v33;
	v31 =	vld.idx.msk [tilespmem:v57+s20+$0x0], $0xffff  }
0x38a: {  	v46 =	vor.u32 v21, v45;
	v32 =	vld.idx.msk [tilespmem:v61+s20+$0x0], $0xffff;
	[tilespmem:s2+$0xE550] =	vst v30  }
0x38b: {  	v49 =	vadd.s32 v14, v24;
	v56 =	vld.idx.msk [tilespmem:v48+s20+$0x0], $0xffff;
	[tilespmem:s21+$0xE540] =	vst v35  }
0x38c: {  	v50 =	vor.u32 v25, v49;
	v51 =	vadd.s32 v14, v26;
	v19 =	vld.idx.msk [tilespmem:v63+s20+$0x0], $0xffff;
	[tilespmem:s25+$0xE540] =	vst v20  }
0x38d: {  	v53 =	vadd.s32 v14, v29;
	v52 =	vor.u32 v27, v51;
	[tilespmem:s7+$0xE550] =	vst v38;
	v36 =	vld.idx.msk [tilespmem:v36+s20+$0x0], $0xffff  }
0x38e: {  	v17 =	vadd.s32 v15, v17;
	[tilespmem:s1+$0xE550] =	vst v31;
	v37 =	vld.idx.msk [tilespmem:v44+s20+$0x0], $0xffff;
	v54 =	vor.u32 v28, v53  }
0x38f: {  	v16 =	vor.u32 v16, v17;
	v57 =	vadd.s32 v15, v22;
	[tilespmem:s12+$0xE550] =	vst v32;
	v17 =	vld.idx.msk [tilespmem:v46+s20+$0x0], $0xffff  }
0x390: {  	v55 =	vadd.s32 v15, v18;
	v22 =	vor.u32 v23, v57;
	[tilespmem:s2+$0xE560] =	vst v56  }
0x391: {  	v59 =	vadd.s32 v15, v24;
	v18 =	vor.u32 v21, v55;
	v58 =	vld.idx.msk [tilespmem:v50+s20+$0x0], $0xffff;
	[tilespmem:s21+$0xE550] =	vst v19  }
0x392: {  	v60 =	vor.u32 v25, v59;
	v61 =	vadd.s32 v15, v26;
	v20 =	vld.idx.msk [tilespmem:v52+s20+$0x0], $0xffff;
	[tilespmem:s25+$0xE550] =	vst v36  }
0x393: {  	v24 =	vor.u32 v27, v61;
	v63 =	vadd.s32 v15, v29;
	[tilespmem:s7+$0xE560] =	vst v37;
	v62 =	vld.idx.msk [tilespmem:v54+s20+$0x0], $0xffff  }
0x394: {  	[tilespmem:s1+$0xE560] =	vst v17;
	v17 =	vor.u32 v28, v63;
	v16 =	vld.idx.msk [tilespmem:v16+s20+$0x0], $0xffff  }
0x395: {  	v21 =	vld.idx.msk [tilespmem:v22+s20+$0x0], $0xffff  }
0x396: {  	[tilespmem:s12+$0xE560] =	vst v58;
	v18 =	vld.idx.msk [tilespmem:v18+s20+$0x0], $0xffff  }
0x397: {  	v19 =	vld.idx.msk [tilespmem:v60+s20+$0x0], $0xffff;
	[tilespmem:s21+$0xE560] =	vst v20  }
0x398: {  	v20 =	vld.idx.msk [tilespmem:v24+s20+$0x0], $0xffff;
	[tilespmem:s25+$0xE560] =	vst v62  }
0x399: {  	[tilespmem:s7+$0xE570] =	vst v16;
	v16 =	vld.idx.msk [tilespmem:v17+s20+$0x0], $0xffff  }
0x39a: {  	[tilespmem:s2+$0xE570] =	vst v21  }
.Ltmp9:
0x39b: {  	[tilespmem:s1+$0xE570] =	vst v18;
	(pc) =	sbr.rel @p1 .LBB2_16-.Ltmp9, $4  }
0x39c: {  	[tilespmem:s12+$0xE570] =	vst v19  }
0x39d: {  	s29 =	sshll.u32 s16, $0x5;
	[tilespmem:s21+$0xE570] =	vst v20  }
0x39e: {  	s31 =	simm.s32 $0xE100;
	s0 =	sadd.s32 s3, s29;
	[tilespmem:s25+$0xE570] =	vst v16  }
0x39f: {  	[hbm4b:s0+s4] =	stream.linear.scatter [tilespmem:s31], [sflag:$0x8], $0x2000, $0x38;
	[tilespmem:$0x10100] =	vst v63  }
.Ltmp10:
0x3a0: {  	(pc) =	sbr.rel .LBB2_2-.Ltmp10, $4  }
0x3a1: {  	_ = 	snop  }
0x3a2: {  	s0 =	rddreg [dreg:$0xa]  }
0x3a3: {  	s9 =	sadd.s32 $0x1, s9;
	s0 =	sadd.s32 s10, s0  }
0x3a4: {  	[tilespmem:s20], [sflag:$0x4] =	stream.linear.gather [hbm4b:s0+s4], $0x2000, $0x38;
	[tilespmem:$0x10100] =	vst v63  }
.LBB2_17:
0x3a5: {  	_ =	sfence.sel $0x180000  }
0x3a6: {  	[bflag:$0x0] =	sbarrier.arrive $0xFFFF  }
0x3a7: {  	_ =	strace $0x90000047  }
0x3a8: {  	s0 =	stileid.u32;
	[bflag:$0x2] =	sbarrier.arrive $0xFFFF  }
0x3a9: {  	p0 =	sne.s32 s0, $0x0;
	s0 =	rddreg [dreg:$0x3]  }
0x3aa: {  	s0 =	sadd.s32 @!p0 $0x100000, s0  }
0x3ab: {  	[sflag:s0] =	ssyncadd.tile.s32 @!p0 $0x1;
	_ =	shalt  }
.Lfunc_end2:
_tile_overlayer_lowered:
.L_overlay_start_2:
0x3ac: {  	(tag) =	ssettag $0x2  }
0x3ad: {  	s0 =	rddreg [dreg:$0x0];
	s2 =	stileid.u32  }
0x3ae: {  	s1 =	rddreg [dreg:$0x1];
	p0 =	sne.s32 s2, $0x0  }
0x3af: {  	s3 =	rddreg [dreg:$0x2];
	[bflag:$0x3] =	sbarrier.arrive $0xFFFF;
	s2 =	simm.s32 @!p0 $0x1C09  }
0x3b0: {  	[timem:s3], [sflag:s2] =	dma.local @!p0 [hbm:s0], s1  }
0x3b1: {  	s0 =	simm.s32 @!p0 $0x9  }
0x3b2: {  	_ =	swait.ge @!p0 [sflag:s0], s1  }
0x3b3: {  	s1 =	ssub.s32 @!p0 $0x0, s1;
	[sflag:s0] =	ssyncset.done @!p0 $0x0  }
0x3b4: {  	[sflag:s0] =	ssyncadd.s32 @!p0 s1  }
0x3b5: {  	[bflag:$0x3] =	sbarrier.arrive $0xFFFF  }
0x3b6: {  	_ =	shalt  }

</sc_bundles>
